<compile_context>
chip_gen: v7x
topology: tpu7x:2x2x1
jax: 0.10.2.dev20260603
libtpu: 0.0.44.dev20260713+nightly
codegen_flags: <defaults>
</compile_context>

<pallas_src>
import functools

import jax
import jax.numpy as jnp
from jax import lax
from jax.experimental import pallas as pl
from jax.experimental.pallas import tpu as pltpu
from jax.experimental.pallas import tpu_sc as plsc

_NC = 2
_NS = 16
_NW = _NC * _NS

_T = 160

_U = 128
_RF = 120
_RS = 40
_CH = 4


def _sc_gather_body(rf, rs, with_nodes,
                    idx_hbm, nidx_hbm, table_hbm, e_out, u_out,
                    idx_v, nidx_v, rows_v, nrows_v, gsem, wsem):
    c = lax.axis_index("c")
    s = lax.axis_index("s")
    wid = s * _NC + c
    nrpw = nidx_hbm.shape[0] // _NW
    m = nidx_hbm.shape[1]

    nun = jnp.where(c == 0, rf, rs)
    base = jnp.where(c == 0, s * rf, _NS * rf + s * rs) * _U

    if rs > 0:
        pltpu.sync_copy(idx_hbm.at[pl.ds(base, rs * _U)],
                        idx_v.at[pl.ds(0, rs * _U)])
    if rf > rs:
        @pl.when(c == 0)
        def _():
            pltpu.sync_copy(idx_hbm.at[pl.ds(base + rs * _U,
                                             (rf - rs) * _U)],
                            idx_v.at[pl.ds(rs * _U, (rf - rs) * _U)])

    def g_start(slot, i):
        pltpu.async_copy(table_hbm.at[idx_v.at[pl.ds(i * _U, _U)]],
                         rows_v.at[slot], gsem.at[slot])

    def g_wait(slot):
        pltpu.make_async_copy(table_hbm.at[idx_v.at[pl.ds(0, _U)]],
                              rows_v.at[slot], gsem.at[slot]).wait()

    def w_start(slot, i):
        pltpu.async_copy(rows_v.at[slot],
                         e_out.at[pl.ds(base + i * _U, _U)],
                         wsem.at[slot])

    def w_wait(slot):
        pltpu.make_async_copy(rows_v.at[slot], e_out.at[pl.ds(0, _U)],
                              wsem.at[slot]).wait()

    def unit(i, slot):
        g_wait(slot)
        w_start(slot, i)
        w_wait(slot)

        @pl.when(i + 2 < nun)
        def _():
            g_start(slot, i + 2)

    def outer(jo, carry):
        unit(jo * 2, 0)
        unit(jo * 2 + 1, 1)
        return carry

    @pl.when(nun > 0)
    def _():
        g_start(0, 0)
        g_start(1, 1)

    lax.fori_loop(0, (nun + 1) // 2, outer, 0, unroll=False)

    if with_nodes:
        nbase = wid * nrpw
        pltpu.sync_copy(nidx_hbm.at[pl.ds(nbase, nrpw)], nidx_v)

        def ubody(j, carry):
            pltpu.async_copy(table_hbm.at[nidx_v.at[j]], nrows_v,
                             gsem.at[0]).wait()
            pltpu.sync_copy(nrows_v, u_out.at[pl.ds((nbase + j) * m, m)])
            return carry

        lax.fori_loop(0, nrpw, ubody, 0, unroll=False)


def _tc_body(e_ref, u_ref, w1a_ref, w1b_ref, b1_ref, w2_ref, b2_ref,
             w3_ref, o_ref):
    t = u_ref.shape[0]
    k = e_ref.shape[0] // t
    d = e_ref.shape[1]
    e = e_ref[...]
    eb = e.astype(jnp.bfloat16)
    a = jnp.dot(eb, w1a_ref[...], preferred_element_type=jnp.float32)
    ub = u_ref[...].astype(jnp.bfloat16)
    c = jnp.dot(ub, w1b_ref[...],
                preferred_element_type=jnp.float32)
    h = a.reshape(t, k, d) + c[:, None, :] + b1_ref[...]
    h = jnp.maximum(h, 0.0).reshape(t * k, d).astype(jnp.bfloat16)
    h2 = jnp.dot(h, w2_ref[...], preferred_element_type=jnp.float32)
    h2 = jnp.maximum(h2 + b2_ref[...], 0.0).astype(jnp.bfloat16)
    s = jnp.dot(h2, w3_ref[...],
                preferred_element_type=jnp.float32)
    s3 = s.reshape(t, k, 1)
    m = jnp.max(s3, axis=1, keepdims=True)
    w = jnp.exp(s3 - m)
    att = w / jnp.sum(w, axis=1, keepdims=True)
    o_ref[...] = jnp.sum(att * e.reshape(t, k, d), axis=1)


def kernel(nodes, to_neighs, u2e, W1, b1, W2, b2, W3, b3):
    n, k = to_neighs.shape
    v, d = u2e.shape

    npad = ((n + 2 * _T - 1) // (2 * _T)) * (2 * _T)
    m = npad // (8 * _NW)
    assert npad * k % (128 * _NW) == 0 and npad % (8 * _NW) == 0
    assert m % 8 == 0 and m <= 128
    assert npad * k == _NS * (_RF + _RS) * _U
    assert _RF % 2 == 0 and _RS % 2 == 0 and _U % 8 == 0

    neigh_pad = jnp.zeros((npad, k), jnp.int32).at[:n].set(to_neighs)
    nodes_pad = jnp.zeros((npad,), jnp.int32).at[:n].set(nodes)
    nidx2d = nodes_pad.reshape(8 * _NW, m)

    mesh = plsc.VectorSubcoreMesh(core_axis_name="c", subcore_axis_name="s",
                                  num_cores=_NC, num_subcores=_NS)

    npc = npad // _CH
    rf, rs = _RF // _CH, _RS // _CH
    assert npc * k == _NS * (rf + rs) * _U and npc % _T == 0
    assert rf % 2 == 0 and rs % 2 == 0

    def sc_chunk(idx_chunk, with_nodes, rf, rs):
        body = functools.partial(_sc_gather_body, rf, rs, with_nodes)
        return pl.kernel(
            body,
            out_type=(jax.ShapeDtypeStruct((npc * k, d), jnp.float32),
                      jax.ShapeDtypeStruct((npad, d), jnp.float32)),
            mesh=mesh,
            scratch_types=[
                pltpu.VMEM((rf * _U,), jnp.int32),
                pltpu.VMEM((nidx2d.shape[0] // _NW, m), jnp.int32),
                pltpu.VMEM((2, _U, d), jnp.float32),
                pltpu.VMEM((m, d), jnp.float32),
                pltpu.SemaphoreType.DMA((2,)),
                pltpu.SemaphoreType.DMA((2,)),
            ],
        )(idx_chunk, nidx2d, u2e)

    grid = npc // _T
    full = lambda i: (0, 0)

    def tc_chunk(e_u, u_rep_c):
        return pl.pallas_call(
            _tc_body,
            grid=(grid,),
            in_specs=[
                pl.BlockSpec((_T * k, d), lambda i: (i, 0)),
                pl.BlockSpec((_T, d), lambda i: (i, 0)),
                pl.BlockSpec((d, d), full),
                pl.BlockSpec((d, d), full),
                pl.BlockSpec((1, d), full),
                pl.BlockSpec((d, d), full),
                pl.BlockSpec((1, d), full),
                pl.BlockSpec((d, 1), full),
            ],
            out_specs=pl.BlockSpec((_T, d), lambda i: (i, 0)),
            out_shape=jax.ShapeDtypeStruct((npc, d), jnp.float32),
        )(e_u, u_rep_c, W1[:d].astype(jnp.bfloat16),
          W1[d:].astype(jnp.bfloat16), b1.reshape(1, d),
          W2.astype(jnp.bfloat16), b2.reshape(1, d),
          W3.astype(jnp.bfloat16))

    outs = []
    u_rep = None
    for ci in range(_CH):
        idx_chunk = lax.slice_in_dim(neigh_pad, ci * npc, (ci + 1) * npc,
                                     axis=0).reshape(npc * k)
        e_u, u_rep_i = sc_chunk(idx_chunk, with_nodes=(ci == 0),
                                rf=rf, rs=rs)
        if ci == 0:
            u_rep = u_rep_i
        outs.append((e_u, lax.slice_in_dim(u_rep, ci * npc, (ci + 1) * npc,
                                           axis=0)))
    out = jnp.concatenate([tc_chunk(e, u) for e, u in outs], axis=0)
    return out[:n]

# --- scband reference (transcript-rebuilt; emitter-appended) ---
"""Pipeline reference for scband-social-aggregator-1821066134227 (READ-ONLY COPY).

The authoritative reference and input builder live on the scoring server;
editing this copy changes nothing except your own understanding.
"""

import jax, jax.numpy as jnp
import numpy as np

N, K, V, D = 10000, 32, 100000, 128

def setup_inputs(seed: int = 0) -> dict:
    key = jax.random.key(seed)
    ks = jax.random.split(key, 9)
    nodes = jax.random.randint(ks[0], (N,), 0, V, dtype=jnp.int64 if jax.config.jax_enable_x64 else jnp.int32).astype(jnp.int32)
    to_neighs = jax.random.randint(ks[1], (N, K), 0, V).astype(jnp.int32)
    u2e = jax.random.normal(ks[2], (V, D), dtype=jnp.float32) * 0.02
    W1 = jax.random.normal(ks[3], (2 * D, D), dtype=jnp.float32) * 0.05
    b1 = jnp.zeros((D,), dtype=jnp.float32)
    W2 = jax.random.normal(ks[4], (D, D), dtype=jnp.float32) * 0.05
    b2 = jnp.zeros((D,), dtype=jnp.float32)
    W3 = jax.random.normal(ks[5], (D, 1), dtype=jnp.float32) * 0.05
    b3 = jnp.zeros((1,), dtype=jnp.float32)
    return {"nodes": nodes, "to_neighs": to_neighs, "u2e": u2e,
            "W1": W1, "b1": b1, "W2": W2, "b2": b2, "W3": W3, "b3": b3}

def reference(nodes, to_neighs, u2e, W1, b1, W2, b2, W3, b3):
    # features(neighbors): embedding gather -> e_u per node [K, D]
    e_u = jnp.take(u2e, to_neighs, axis=0)                  # [N, K, D]
    # u_rep = features(nodes[i]) squeezed
    u_rep = jnp.take(u2e, nodes, axis=0)                    # [N, D]
    # Attention: uv_reps = u_rep.repeat(num_neighs, 1); cat((e_u, uv_reps), 1)
    u_rep_b = jnp.broadcast_to(u_rep[:, None, :], e_u.shape)  # [N, K, D]
    x = jnp.concatenate([e_u, u_rep_b], axis=-1)            # [N, K, 2D]
    h = jax.nn.relu(x @ W1 + b1)                            # att1 + relu
    h = jax.nn.relu(h @ W2 + b2)                            # att2 + relu (dropout off / eval)
    s = h @ W3 + b3                                         # att3 -> [N, K, 1]
    att_w = jax.nn.softmax(s, axis=1)                       # softmax over neighbors (dim=0 per node)
    # att_history = mm(e_u.t(), att_w).t() -> weighted sum of neighbor embeddings
    to_feats = jnp.sum(att_w * e_u, axis=1)                 # [N, D]
    return to_feats

if False:  # reference __main__ guard neutralized (emitter)
    out = reference(**setup_inputs())
    print(out.shape, out.dtype)

if __name__ == "__main__":
    import jax
    _d = setup_inputs()
    print(jax.jit(kernel)(*tuple(_d.values())))

</pallas_src>

<mosaic_0001>
#map = affine_map<(d0, d1) -> (0)>
#map1 = affine_map<(d0, d1) -> (0, 0)>
module attributes {stable_mosaic.version = 14 : i64} {
  func.func @_sc_gather_body(%arg0: i32, %arg1: i32, %arg2: memref<81920xi32, #tpu.memory_space<hbm>>, %arg3: memref<256x40xi32, #tpu.memory_space<hbm>>, %arg4: memref<100000x128xf32, #tpu.memory_space<hbm>>, %arg5: memref<81920x128xf32, #tpu.memory_space<hbm>>, %arg6: memref<10240x128xf32, #tpu.memory_space<hbm>>, %arg7: memref<3840xi32, #tpu.memory_space<vmem>>, %arg8: memref<8x40xi32, #tpu.memory_space<vmem>>, %arg9: memref<2x128x128xf32, #tpu.memory_space<vmem>>, %arg10: memref<40x128xf32, #tpu.memory_space<vmem>>, %arg11: memref<2x!tpu.dma_semaphore, #tpu.memory_space<semaphore_mem>>, %arg12: memref<2x!tpu.dma_semaphore, #tpu.memory_space<semaphore_mem>>) attributes {dimension_semantics = [#tpu.dimension_semantics<core_parallel>, #tpu.dimension_semantics<subcore_parallel>], iteration_bounds = array<i64: 2, 16>, scalar_prefetch = 0 : i64, scratch_operands = 6 : i64, tpu.core_type = #tpu.core_type<sc_vector_subcore>, window_params = [{transform_indices = #map}, {transform_indices = #map1}, {transform_indices = #map1}, {transform_indices = #map1}, {transform_indices = #map1}]} {
    %mul3A = arith.constant 2 : i32
    %mul3A_0 = arith.muli %arg1, %mul3A : i32
    %add3A = arith.addi %mul3A_0, %arg0 : i32
    %eq3A = arith.constant 0 : i32
    %eq3A_1 = arith.cmpi eq, %arg0, %eq3A : i32
    %jit3A = arith.constant 30 : i32
    %jit3A_2 = arith.constant 10 : i32
    %select_n3A = arith.select %eq3A_1, %jit3A, %jit3A_2 : i32
    %eq3A_3 = arith.constant 0 : i32
    %eq3A_4 = arith.cmpi eq, %arg0, %eq3A_3 : i32
    %mul3A_5 = arith.constant 30 : i32
    %mul3A_6 = arith.muli %arg1, %mul3A_5 : i32
    %mul3A_7 = arith.constant 10 : i32
    %mul3A_8 = arith.muli %arg1, %mul3A_7 : i32
    %add3A_9 = arith.constant 480 : i32
    %add3A_10 = arith.addi %add3A_9, %mul3A_8 : i32
    %select_n3A_11 = arith.select %eq3A_4, %mul3A_6, %add3A_10 : i32
    %mul3A_12 = arith.constant 128 : i32
    %mul3A_13 = arith.muli %select_n3A_11, %mul3A_12 : i32
    "tpu.region"() ({
      %run_scoped3A = tpu.sem_alloc : memref<!tpu.dma_semaphore, #tpu.memory_space<semaphore_mem>>
      %dma_start3A = arith.constant 0 : i32
      %dma_start3A_50 = tpu.memref_slice %arg7[%dma_start3A] : memref<3840xi32, #tpu.memory_space<vmem>> -> memref<1280xi32, #tpu.memory_space<vmem>>
      %dma_start3A_51 = tpu.memref_slice %arg2[%mul3A_13] : memref<81920xi32, #tpu.memory_space<hbm>> -> memref<1280xi32, #tpu.memory_space<hbm>>
      %dma_start3A_52 = arith.constant 0 : i32
      %dma_start3A_53 = tpu.memref_slice %arg7[%dma_start3A_52] : memref<3840xi32, #tpu.memory_space<vmem>> -> memref<1280xi32, #tpu.memory_space<vmem>>
      %dma_start3A_54 = tpu.memref_slice %arg2[%mul3A_13] : memref<81920xi32, #tpu.memory_space<hbm>> -> memref<1280xi32, #tpu.memory_space<hbm>>
      tpu.enqueue_dma source(%dma_start3A_54 : memref<1280xi32, #tpu.memory_space<hbm>>) target(%dma_start3A_53 : memref<1280xi32, #tpu.memory_space<vmem>>) target_semaphore(%run_scoped3A : memref<!tpu.dma_semaphore, #tpu.memory_space<semaphore_mem>>)
      %dma_wait3A = arith.constant 0 : i32
      %dma_wait3A_55 = tpu.memref_slice %arg7[%dma_wait3A] : memref<3840xi32, #tpu.memory_space<vmem>> -> memref<1280xi32, #tpu.memory_space<vmem>>
      %dma_wait3A_56 = tpu.memref_slice %arg2[%mul3A_13] : memref<81920xi32, #tpu.memory_space<hbm>> -> memref<1280xi32, #tpu.memory_space<hbm>>
      %dma_wait3A_57 = arith.constant 0 : i32
      %dma_wait3A_58 = tpu.memref_slice %arg7[%dma_wait3A_57] : memref<3840xi32, #tpu.memory_space<vmem>> -> memref<1280xi32, #tpu.memory_space<vmem>>
      %dma_wait3A_59 = tpu.memref_slice %arg2[%mul3A_13] : memref<81920xi32, #tpu.memory_space<hbm>> -> memref<1280xi32, #tpu.memory_space<hbm>>
      tpu.wait_dma2 semaphore(%run_scoped3A : memref<!tpu.dma_semaphore, #tpu.memory_space<semaphore_mem>>) src(%dma_wait3A_59 : memref<1280xi32, #tpu.memory_space<hbm>>) dst(%dma_wait3A_58 : memref<1280xi32, #tpu.memory_space<vmem>>)
      tpu.yield
    }) : () -> ()
    %eq3A_14 = arith.constant 0 : i32
    %eq3A_15 = arith.cmpi eq, %arg0, %eq3A_14 : i32
    %convert_element_type3A = arith.extui %eq3A_15 : i1 to i32
    %cond3A = arith.constant 0 : i32
    %cond3A_16 = arith.cmpi ne, %convert_element_type3A, %cond3A : i32
    scf.if %cond3A_16 {
      %add3A_50 = arith.constant 1280 : i32
      %add3A_51 = arith.addi %mul3A_13, %add3A_50 : i32
      "tpu.region"() ({
        %run_scoped3A = tpu.sem_alloc : memref<!tpu.dma_semaphore, #tpu.memory_space<semaphore_mem>>
        %dma_start3A = arith.constant 1280 : i32
        %dma_start3A_52 = tpu.memref_slice %arg7[%dma_start3A] : memref<3840xi32, #tpu.memory_space<vmem>> -> memref<2560xi32, #tpu.memory_space<vmem>>
        %dma_start3A_53 = tpu.memref_slice %arg2[%add3A_51] : memref<81920xi32, #tpu.memory_space<hbm>> -> memref<2560xi32, #tpu.memory_space<hbm>>
        %dma_start3A_54 = arith.constant 1280 : i32
        %dma_start3A_55 = tpu.memref_slice %arg7[%dma_start3A_54] : memref<3840xi32, #tpu.memory_space<vmem>> -> memref<2560xi32, #tpu.memory_space<vmem>>
        %dma_start3A_56 = tpu.memref_slice %arg2[%add3A_51] : memref<81920xi32, #tpu.memory_space<hbm>> -> memref<2560xi32, #tpu.memory_space<hbm>>
        tpu.enqueue_dma source(%dma_start3A_56 : memref<2560xi32, #tpu.memory_space<hbm>>) target(%dma_start3A_55 : memref<2560xi32, #tpu.memory_space<vmem>>) target_semaphore(%run_scoped3A : memref<!tpu.dma_semaphore, #tpu.memory_space<semaphore_mem>>)
        %dma_wait3A = arith.constant 1280 : i32
        %dma_wait3A_57 = tpu.memref_slice %arg7[%dma_wait3A] : memref<3840xi32, #tpu.memory_space<vmem>> -> memref<2560xi32, #tpu.memory_space<vmem>>
        %dma_wait3A_58 = tpu.memref_slice %arg2[%add3A_51] : memref<81920xi32, #tpu.memory_space<hbm>> -> memref<2560xi32, #tpu.memory_space<hbm>>
        %dma_wait3A_59 = arith.constant 1280 : i32
        %dma_wait3A_60 = tpu.memref_slice %arg7[%dma_wait3A_59] : memref<3840xi32, #tpu.memory_space<vmem>> -> memref<2560xi32, #tpu.memory_space<vmem>>
        %dma_wait3A_61 = tpu.memref_slice %arg2[%add3A_51] : memref<81920xi32, #tpu.memory_space<hbm>> -> memref<2560xi32, #tpu.memory_space<hbm>>
        tpu.wait_dma2 semaphore(%run_scoped3A : memref<!tpu.dma_semaphore, #tpu.memory_space<semaphore_mem>>) src(%dma_wait3A_61 : memref<2560xi32, #tpu.memory_space<hbm>>) dst(%dma_wait3A_60 : memref<2560xi32, #tpu.memory_space<vmem>>)
        tpu.yield
      }) : () -> ()
    } else {
    }
    %gt3A = arith.constant 0 : i32
    %gt3A_17 = arith.cmpi sgt, %select_n3A, %gt3A : i32
    %convert_element_type3A_18 = arith.extui %gt3A_17 : i1 to i32
    %cond3A_19 = arith.constant 0 : i32
    %cond3A_20 = arith.cmpi ne, %convert_element_type3A_18, %cond3A_19 : i32
    scf.if %cond3A_20 {
      %dma_start3A = arith.constant 0 : i32
      %dma_start3A_50 = arith.constant 0 : i32
      %dma_start3A_51 = arith.constant 0 : i32
      %dma_start3A_52 = arith.constant 0 : i32
      %dma_start3A_53 = tpu.memref_slice %arg9[%dma_start3A, %dma_start3A_51, %dma_start3A_52] : memref<2x128x128xf32, #tpu.memory_space<vmem>> -> memref<1x128x128xf32, #tpu.memory_space<vmem>>
      %dma_start3A_54 = tpu.memref_squeeze %dma_start3A_53 : memref<1x128x128xf32, #tpu.memory_space<vmem>> -> memref<128x128xf32, #tpu.memory_space<vmem>>
      %dma_start3A_55 = arith.constant 0 : i32
      %dma_start3A_56 = tpu.memref_slice %arg7[%dma_start3A_55] : memref<3840xi32, #tpu.memory_space<vmem>> -> memref<128xi32, #tpu.memory_space<vmem>>
      %dma_start3A_57 = arith.constant 0 : i32
      %dma_start3A_58 = arith.constant 0 : i32
      %dma_start3A_59 = tpu.memref_slice %arg4[%dma_start3A_57, %dma_start3A_58] : memref<100000x128xf32, #tpu.memory_space<hbm>> -> memref<100000x128xf32, #tpu.memory_space<hbm>>
      %dma_start3A_60 = tpu.memref_slice %arg11[%dma_start3A_50] : memref<2x!tpu.dma_semaphore, #tpu.memory_space<semaphore_mem>> -> memref<1x!tpu.dma_semaphore, #tpu.memory_space<semaphore_mem>>
      %dma_start3A_61 = tpu.memref_squeeze %dma_start3A_60 : memref<1x!tpu.dma_semaphore, #tpu.memory_space<semaphore_mem>> -> memref<!tpu.dma_semaphore, #tpu.memory_space<semaphore_mem>>
      tpu.enqueue_indirect_dma source(%dma_start3A_59 : memref<100000x128xf32, #tpu.memory_space<hbm>>) target(%dma_start3A_54 : memref<128x128xf32, #tpu.memory_space<vmem>>) offsets(%dma_start3A_56 : memref<128xi32, #tpu.memory_space<vmem>>) semaphore(%dma_start3A_61 : memref<!tpu.dma_semaphore, #tpu.memory_space<semaphore_mem>>)
      %dma_start3A_62 = arith.constant 1 : i32
      %dma_start3A_63 = arith.constant 1 : i32
      %dma_start3A_64 = arith.constant 0 : i32
      %dma_start3A_65 = arith.constant 0 : i32
      %dma_start3A_66 = tpu.memref_slice %arg9[%dma_start3A_62, %dma_start3A_64, %dma_start3A_65] : memref<2x128x128xf32, #tpu.memory_space<vmem>> -> memref<1x128x128xf32, #tpu.memory_space<vmem>>
      %dma_start3A_67 = tpu.memref_squeeze %dma_start3A_66 : memref<1x128x128xf32, #tpu.memory_space<vmem>> -> memref<128x128xf32, #tpu.memory_space<vmem>>
      %dma_start3A_68 = arith.constant 128 : i32
      %dma_start3A_69 = tpu.memref_slice %arg7[%dma_start3A_68] : memref<3840xi32, #tpu.memory_space<vmem>> -> memref<128xi32, #tpu.memory_space<vmem>>
      %dma_start3A_70 = arith.constant 0 : i32
      %dma_start3A_71 = arith.constant 0 : i32
      %dma_start3A_72 = tpu.memref_slice %arg4[%dma_start3A_70, %dma_start3A_71] : memref<100000x128xf32, #tpu.memory_space<hbm>> -> memref<100000x128xf32, #tpu.memory_space<hbm>>
      %dma_start3A_73 = tpu.memref_slice %arg11[%dma_start3A_63] : memref<2x!tpu.dma_semaphore, #tpu.memory_space<semaphore_mem>> -> memref<1x!tpu.dma_semaphore, #tpu.memory_space<semaphore_mem>>
      %dma_start3A_74 = tpu.memref_squeeze %dma_start3A_73 : memref<1x!tpu.dma_semaphore, #tpu.memory_space<semaphore_mem>> -> memref<!tpu.dma_semaphore, #tpu.memory_space<semaphore_mem>>
      tpu.enqueue_indirect_dma source(%dma_start3A_72 : memref<100000x128xf32, #tpu.memory_space<hbm>>) target(%dma_start3A_67 : memref<128x128xf32, #tpu.memory_space<vmem>>) offsets(%dma_start3A_69 : memref<128xi32, #tpu.memory_space<vmem>>) semaphore(%dma_start3A_74 : memref<!tpu.dma_semaphore, #tpu.memory_space<semaphore_mem>>)
    } else {
    }
    %add3A_21 = arith.constant 1 : i32
    %add3A_22 = arith.addi %select_n3A, %add3A_21 : i32
    %jit3A_23 = arith.constant 2 : i32
    %div3A = arith.divsi %add3A_22, %jit3A_23 : i32
    %sign3A = arith.constant 0 : i32
    %sign3A_24 = arith.cmpi sgt, %add3A_22, %sign3A : i32
    %sign3A_25 = arith.extui %sign3A_24 : i1 to i32
    %sign3A_26 = arith.constant 0 : i32
    %sign3A_27 = arith.cmpi slt, %add3A_22, %sign3A_26 : i32
    %sign3A_28 = arith.extui %sign3A_27 : i1 to i32
    %sign3A_29 = arith.subi %sign3A_25, %sign3A_28 : i32
    %sign3A_30 = arith.constant 0 : i32
    %sign3A_31 = arith.cmpi sgt, %jit3A_23, %sign3A_30 : i32
    %sign3A_32 = arith.extui %sign3A_31 : i1 to i32
    %sign3A_33 = arith.constant 0 : i32
    %sign3A_34 = arith.cmpi slt, %jit3A_23, %sign3A_33 : i32
    %sign3A_35 = arith.extui %sign3A_34 : i1 to i32
    %sign3A_36 = arith.subi %sign3A_32, %sign3A_35 : i32
    %ne3A = arith.cmpi ne, %sign3A_29, %sign3A_36 : i32
    %rem3A = arith.remsi %add3A_22, %jit3A_23 : i32
    %ne3A_37 = arith.constant 0 : i32
    %ne3A_38 = arith.cmpi ne, %rem3A, %ne3A_37 : i32
    %and3A = arith.andi %ne3A, %ne3A_38 : i1
    %sub3A = arith.constant 1 : i32
    %sub3A_39 = arith.subi %div3A, %sub3A : i32
    %select_n3A_40 = arith.select %and3A, %sub3A_39, %div3A : i32
    %while3A = arith.constant 0 : i32
    %while3A_41 = arith.constant 0 : i32
    %while3A_42 = arith.subi %select_n3A_40, %while3A_41 : i32
    %while3A_43 = arith.addi %while3A_41, %while3A_42 : i32
    %while3A_44 = arith.constant 1 : i32
    %while3A_45 = arith.divsi %while3A_42, %while3A_44 : i32
    %while3A_46 = arith.muli %while3A_45, %while3A_44 : i32
    %while3A_47 = arith.addi %while3A_41, %while3A_46 : i32
    %while3A_48 = arith.constant 1 : i32
    scf.for %while3A_50 = %while3A_41 to %while3A_47 step %while3A_48  : i32 {
      %mul3A_51 = arith.constant 2 : i32
      %mul3A_52 = arith.muli %while3A_50, %mul3A_51 : i32
      %dma_wait3A = arith.constant 0 : i32
      %dma_wait3A_53 = arith.constant 0 : i32
      %dma_wait3A_54 = arith.constant 0 : i32
      %dma_wait3A_55 = arith.constant 0 : i32
      %dma_wait3A_56 = tpu.memref_slice %arg9[%dma_wait3A, %dma_wait3A_54, %dma_wait3A_55] : memref<2x128x128xf32, #tpu.memory_space<vmem>> -> memref<1x128x128xf32, #tpu.memory_space<vmem>>
      %dma_wait3A_57 = tpu.memref_squeeze %dma_wait3A_56 : memref<1x128x128xf32, #tpu.memory_space<vmem>> -> memref<128x128xf32, #tpu.memory_space<vmem>>
      %dma_wait3A_58 = arith.constant 0 : i32
      %dma_wait3A_59 = tpu.memref_slice %arg7[%dma_wait3A_58] : memref<3840xi32, #tpu.memory_space<vmem>> -> memref<128xi32, #tpu.memory_space<vmem>>
      %dma_wait3A_60 = arith.constant 0 : i32
      %dma_wait3A_61 = arith.constant 0 : i32
      %dma_wait3A_62 = tpu.memref_slice %arg4[%dma_wait3A_60, %dma_wait3A_61] : memref<100000x128xf32, #tpu.memory_space<hbm>> -> memref<100000x128xf32, #tpu.memory_space<hbm>>
      %dma_wait3A_63 = tpu.memref_slice %arg11[%dma_wait3A_53] : memref<2x!tpu.dma_semaphore, #tpu.memory_space<semaphore_mem>> -> memref<1x!tpu.dma_semaphore, #tpu.memory_space<semaphore_mem>>
      %dma_wait3A_64 = tpu.memref_squeeze %dma_wait3A_63 : memref<1x!tpu.dma_semaphore, #tpu.memory_space<semaphore_mem>> -> memref<!tpu.dma_semaphore, #tpu.memory_space<semaphore_mem>>
      tpu.wait_indirect_dma semaphore(%dma_wait3A_64 : memref<!tpu.dma_semaphore, #tpu.memory_space<semaphore_mem>>) src(%dma_wait3A_62 : memref<100000x128xf32, #tpu.memory_space<hbm>>) dst(%dma_wait3A_57 : memref<128x128xf32, #tpu.memory_space<vmem>>)
      %mul3A_65 = arith.constant 128 : i32
      %mul3A_66 = arith.muli %mul3A_52, %mul3A_65 : i32
      %add3A_67 = arith.addi %mul3A_13, %mul3A_66 : i32
      %dma_start3A = arith.constant 0 : i32
      %dma_start3A_68 = arith.constant 0 : i32
      %dma_start3A_69 = arith.constant 0 : i32
      %dma_start3A_70 = arith.constant 0 : i32
      %dma_start3A_71 = tpu.memref_slice %arg9[%dma_start3A, %dma_start3A_69, %dma_start3A_70] : memref<2x128x128xf32, #tpu.memory_space<vmem>> -> memref<1x128x128xf32, #tpu.memory_space<vmem>>
      %dma_start3A_72 = tpu.memref_squeeze %dma_start3A_71 : memref<1x128x128xf32, #tpu.memory_space<vmem>> -> memref<128x128xf32, #tpu.memory_space<vmem>>
      %dma_start3A_73 = arith.constant 0 : i32
      %dma_start3A_74 = tpu.memref_slice %arg5[%add3A_67, %dma_start3A_73] : memref<81920x128xf32, #tpu.memory_space<hbm>> -> memref<128x128xf32, #tpu.memory_space<hbm>>
      %dma_start3A_75 = tpu.memref_slice %arg12[%dma_start3A_68] : memref<2x!tpu.dma_semaphore, #tpu.memory_space<semaphore_mem>> -> memref<1x!tpu.dma_semaphore, #tpu.memory_space<semaphore_mem>>
      %dma_start3A_76 = tpu.memref_squeeze %dma_start3A_75 : memref<1x!tpu.dma_semaphore, #tpu.memory_space<semaphore_mem>> -> memref<!tpu.dma_semaphore, #tpu.memory_space<semaphore_mem>>
      %dma_start3A_77 = arith.constant 0 : i32
      %dma_start3A_78 = tpu.memref_slice %arg5[%add3A_67, %dma_start3A_77] : memref<81920x128xf32, #tpu.memory_space<hbm>> -> memref<128x128xf32, #tpu.memory_space<hbm>>
      %dma_start3A_79 = arith.constant 0 : i32
      %dma_start3A_80 = arith.constant 0 : i32
      %dma_start3A_81 = tpu.memref_slice %arg9[%dma_start3A, %dma_start3A_79, %dma_start3A_80] : memref<2x128x128xf32, #tpu.memory_space<vmem>> -> memref<1x128x128xf32, #tpu.memory_space<vmem>>
      %dma_start3A_82 = tpu.memref_squeeze %dma_start3A_81 : memref<1x128x128xf32, #tpu.memory_space<vmem>> -> memref<128x128xf32, #tpu.memory_space<vmem>>
      tpu.enqueue_dma source(%dma_start3A_82 : memref<128x128xf32, #tpu.memory_space<vmem>>) target(%dma_start3A_78 : memref<128x128xf32, #tpu.memory_space<hbm>>) target_semaphore(%dma_start3A_76 : memref<!tpu.dma_semaphore, #tpu.memory_space<semaphore_mem>>)
      %dma_wait3A_83 = arith.constant 0 : i32
      %dma_wait3A_84 = arith.constant 0 : i32
      %dma_wait3A_85 = arith.constant 0 : i32
      %dma_wait3A_86 = arith.constant 0 : i32
      %dma_wait3A_87 = tpu.memref_slice %arg9[%dma_wait3A_83, %dma_wait3A_85, %dma_wait3A_86] : memref<2x128x128xf32, #tpu.memory_space<vmem>> -> memref<1x128x128xf32, #tpu.memory_space<vmem>>
      %dma_wait3A_88 = tpu.memref_squeeze %dma_wait3A_87 : memref<1x128x128xf32, #tpu.memory_space<vmem>> -> memref<128x128xf32, #tpu.memory_space<vmem>>
      %dma_wait3A_89 = arith.constant 0 : i32
      %dma_wait3A_90 = arith.constant 0 : i32
      %dma_wait3A_91 = tpu.memref_slice %arg5[%dma_wait3A_89, %dma_wait3A_90] : memref<81920x128xf32, #tpu.memory_space<hbm>> -> memref<128x128xf32, #tpu.memory_space<hbm>>
      %dma_wait3A_92 = tpu.memref_slice %arg12[%dma_wait3A_84] : memref<2x!tpu.dma_semaphore, #tpu.memory_space<semaphore_mem>> -> memref<1x!tpu.dma_semaphore, #tpu.memory_space<semaphore_mem>>
      %dma_wait3A_93 = tpu.memref_squeeze %dma_wait3A_92 : memref<1x!tpu.dma_semaphore, #tpu.memory_space<semaphore_mem>> -> memref<!tpu.dma_semaphore, #tpu.memory_space<semaphore_mem>>
      %dma_wait3A_94 = arith.constant 0 : i32
      %dma_wait3A_95 = arith.constant 0 : i32
      %dma_wait3A_96 = tpu.memref_slice %arg5[%dma_wait3A_94, %dma_wait3A_95] : memref<81920x128xf32, #tpu.memory_space<hbm>> -> memref<128x128xf32, #tpu.memory_space<hbm>>
      %dma_wait3A_97 = arith.constant 0 : i32
      %dma_wait3A_98 = arith.constant 0 : i32
      %dma_wait3A_99 = tpu.memref_slice %arg9[%dma_wait3A_83, %dma_wait3A_97, %dma_wait3A_98] : memref<2x128x128xf32, #tpu.memory_space<vmem>> -> memref<1x128x128xf32, #tpu.memory_space<vmem>>
      %dma_wait3A_100 = tpu.memref_squeeze %dma_wait3A_99 : memref<1x128x128xf32, #tpu.memory_space<vmem>> -> memref<128x128xf32, #tpu.memory_space<vmem>>
      tpu.wait_dma2 semaphore(%dma_wait3A_93 : memref<!tpu.dma_semaphore, #tpu.memory_space<semaphore_mem>>) src(%dma_wait3A_100 : memref<128x128xf32, #tpu.memory_space<vmem>>) dst(%dma_wait3A_96 : memref<128x128xf32, #tpu.memory_space<hbm>>)
      %add3A_101 = arith.constant 2 : i32
      %add3A_102 = arith.addi %mul3A_52, %add3A_101 : i32
      %lt3A = arith.cmpi slt, %add3A_102, %select_n3A : i32
      %convert_element_type3A_103 = arith.extui %lt3A : i1 to i32
      %cond3A_104 = arith.constant 0 : i32
      %cond3A_105 = arith.cmpi ne, %convert_element_type3A_103, %cond3A_104 : i32
      scf.if %cond3A_105 {
        %add3A_166 = arith.constant 2 : i32
        %add3A_167 = arith.addi %mul3A_52, %add3A_166 : i32
        %mul3A_168 = arith.constant 128 : i32
        %mul3A_169 = arith.muli %add3A_167, %mul3A_168 : i32
        %dma_start3A_170 = arith.constant 0 : i32
        %dma_start3A_171 = arith.constant 0 : i32
        %dma_start3A_172 = arith.constant 0 : i32
        %dma_start3A_173 = arith.constant 0 : i32
        %dma_start3A_174 = tpu.memref_slice %arg9[%dma_start3A_170, %dma_start3A_172, %dma_start3A_173] : memref<2x128x128xf32, #tpu.memory_space<vmem>> -> memref<1x128x128xf32, #tpu.memory_space<vmem>>
        %dma_start3A_175 = tpu.memref_squeeze %dma_start3A_174 : memref<1x128x128xf32, #tpu.memory_space<vmem>> -> memref<128x128xf32, #tpu.memory_space<vmem>>
        %dma_start3A_176 = tpu.memref_slice %arg7[%mul3A_169] : memref<3840xi32, #tpu.memory_space<vmem>> -> memref<128xi32, #tpu.memory_space<vmem>>
        %dma_start3A_177 = arith.constant 0 : i32
        %dma_start3A_178 = arith.constant 0 : i32
        %dma_start3A_179 = tpu.memref_slice %arg4[%dma_start3A_177, %dma_start3A_178] : memref<100000x128xf32, #tpu.memory_space<hbm>> -> memref<100000x128xf32, #tpu.memory_space<hbm>>
        %dma_start3A_180 = tpu.memref_slice %arg11[%dma_start3A_171] : memref<2x!tpu.dma_semaphore, #tpu.memory_space<semaphore_mem>> -> memref<1x!tpu.dma_semaphore, #tpu.memory_space<semaphore_mem>>
        %dma_start3A_181 = tpu.memref_squeeze %dma_start3A_180 : memref<1x!tpu.dma_semaphore, #tpu.memory_space<semaphore_mem>> -> memref<!tpu.dma_semaphore, #tpu.memory_space<semaphore_mem>>
        tpu.enqueue_indirect_dma source(%dma_start3A_179 : memref<100000x128xf32, #tpu.memory_space<hbm>>) target(%dma_start3A_175 : memref<128x128xf32, #tpu.memory_space<vmem>>) offsets(%dma_start3A_176 : memref<128xi32, #tpu.memory_space<vmem>>) semaphore(%dma_start3A_181 : memref<!tpu.dma_semaphore, #tpu.memory_space<semaphore_mem>>)
      } else {
      }
      %mul3A_106 = arith.constant 2 : i32
      %mul3A_107 = arith.muli %while3A_50, %mul3A_106 : i32
      %add3A_108 = arith.constant 1 : i32
      %add3A_109 = arith.addi %mul3A_107, %add3A_108 : i32
      %dma_wait3A_110 = arith.constant 1 : i32
      %dma_wait3A_111 = arith.constant 1 : i32
      %dma_wait3A_112 = arith.constant 0 : i32
      %dma_wait3A_113 = arith.constant 0 : i32
      %dma_wait3A_114 = tpu.memref_slice %arg9[%dma_wait3A_110, %dma_wait3A_112, %dma_wait3A_113] : memref<2x128x128xf32, #tpu.memory_space<vmem>> -> memref<1x128x128xf32, #tpu.memory_space<vmem>>
      %dma_wait3A_115 = tpu.memref_squeeze %dma_wait3A_114 : memref<1x128x128xf32, #tpu.memory_space<vmem>> -> memref<128x128xf32, #tpu.memory_space<vmem>>
      %dma_wait3A_116 = arith.constant 0 : i32
      %dma_wait3A_117 = tpu.memref_slice %arg7[%dma_wait3A_116] : memref<3840xi32, #tpu.memory_space<vmem>> -> memref<128xi32, #tpu.memory_space<vmem>>
      %dma_wait3A_118 = arith.constant 0 : i32
      %dma_wait3A_119 = arith.constant 0 : i32
      %dma_wait3A_120 = tpu.memref_slice %arg4[%dma_wait3A_118, %dma_wait3A_119] : memref<100000x128xf32, #tpu.memory_space<hbm>> -> memref<100000x128xf32, #tpu.memory_space<hbm>>
      %dma_wait3A_121 = tpu.memref_slice %arg11[%dma_wait3A_111] : memref<2x!tpu.dma_semaphore, #tpu.memory_space<semaphore_mem>> -> memref<1x!tpu.dma_semaphore, #tpu.memory_space<semaphore_mem>>
      %dma_wait3A_122 = tpu.memref_squeeze %dma_wait3A_121 : memref<1x!tpu.dma_semaphore, #tpu.memory_space<semaphore_mem>> -> memref<!tpu.dma_semaphore, #tpu.memory_space<semaphore_mem>>
      tpu.wait_indirect_dma semaphore(%dma_wait3A_122 : memref<!tpu.dma_semaphore, #tpu.memory_space<semaphore_mem>>) src(%dma_wait3A_120 : memref<100000x128xf32, #tpu.memory_space<hbm>>) dst(%dma_wait3A_115 : memref<128x128xf32, #tpu.memory_space<vmem>>)
      %mul3A_123 = arith.constant 128 : i32
      %mul3A_124 = arith.muli %add3A_109, %mul3A_123 : i32
      %add3A_125 = arith.addi %mul3A_13, %mul3A_124 : i32
      %dma_start3A_126 = arith.constant 1 : i32
      %dma_start3A_127 = arith.constant 1 : i32
      %dma_start3A_128 = arith.constant 0 : i32
      %dma_start3A_129 = arith.constant 0 : i32
      %dma_start3A_130 = tpu.memref_slice %arg9[%dma_start3A_126, %dma_start3A_128, %dma_start3A_129] : memref<2x128x128xf32, #tpu.memory_space<vmem>> -> memref<1x128x128xf32, #tpu.memory_space<vmem>>
      %dma_start3A_131 = tpu.memref_squeeze %dma_start3A_130 : memref<1x128x128xf32, #tpu.memory_space<vmem>> -> memref<128x128xf32, #tpu.memory_space<vmem>>
      %dma_start3A_132 = arith.constant 0 : i32
      %dma_start3A_133 = tpu.memref_slice %arg5[%add3A_125, %dma_start3A_132] : memref<81920x128xf32, #tpu.memory_space<hbm>> -> memref<128x128xf32, #tpu.memory_space<hbm>>
      %dma_start3A_134 = tpu.memref_slice %arg12[%dma_start3A_127] : memref<2x!tpu.dma_semaphore, #tpu.memory_space<semaphore_mem>> -> memref<1x!tpu.dma_semaphore, #tpu.memory_space<semaphore_mem>>
      %dma_start3A_135 = tpu.memref_squeeze %dma_start3A_134 : memref<1x!tpu.dma_semaphore, #tpu.memory_space<semaphore_mem>> -> memref<!tpu.dma_semaphore, #tpu.memory_space<semaphore_mem>>
      %dma_start3A_136 = arith.constant 0 : i32
      %dma_start3A_137 = tpu.memref_slice %arg5[%add3A_125, %dma_start3A_136] : memref<81920x128xf32, #tpu.memory_space<hbm>> -> memref<128x128xf32, #tpu.memory_space<hbm>>
      %dma_start3A_138 = arith.constant 0 : i32
      %dma_start3A_139 = arith.constant 0 : i32
      %dma_start3A_140 = tpu.memref_slice %arg9[%dma_start3A_126, %dma_start3A_138, %dma_start3A_139] : memref<2x128x128xf32, #tpu.memory_space<vmem>> -> memref<1x128x128xf32, #tpu.memory_space<vmem>>
      %dma_start3A_141 = tpu.memref_squeeze %dma_start3A_140 : memref<1x128x128xf32, #tpu.memory_space<vmem>> -> memref<128x128xf32, #tpu.memory_space<vmem>>
      tpu.enqueue_dma source(%dma_start3A_141 : memref<128x128xf32, #tpu.memory_space<vmem>>) target(%dma_start3A_137 : memref<128x128xf32, #tpu.memory_space<hbm>>) target_semaphore(%dma_start3A_135 : memref<!tpu.dma_semaphore, #tpu.memory_space<semaphore_mem>>)
      %dma_wait3A_142 = arith.constant 1 : i32
      %dma_wait3A_143 = arith.constant 1 : i32
      %dma_wait3A_144 = arith.constant 0 : i32
      %dma_wait3A_145 = arith.constant 0 : i32
      %dma_wait3A_146 = tpu.memref_slice %arg9[%dma_wait3A_142, %dma_wait3A_144, %dma_wait3A_145] : memref<2x128x128xf32, #tpu.memory_space<vmem>> -> memref<1x128x128xf32, #tpu.memory_space<vmem>>
      %dma_wait3A_147 = tpu.memref_squeeze %dma_wait3A_146 : memref<1x128x128xf32, #tpu.memory_space<vmem>> -> memref<128x128xf32, #tpu.memory_space<vmem>>
      %dma_wait3A_148 = arith.constant 0 : i32
      %dma_wait3A_149 = arith.constant 0 : i32
      %dma_wait3A_150 = tpu.memref_slice %arg5[%dma_wait3A_148, %dma_wait3A_149] : memref<81920x128xf32, #tpu.memory_space<hbm>> -> memref<128x128xf32, #tpu.memory_space<hbm>>
      %dma_wait3A_151 = tpu.memref_slice %arg12[%dma_wait3A_143] : memref<2x!tpu.dma_semaphore, #tpu.memory_space<semaphore_mem>> -> memref<1x!tpu.dma_semaphore, #tpu.memory_space<semaphore_mem>>
      %dma_wait3A_152 = tpu.memref_squeeze %dma_wait3A_151 : memref<1x!tpu.dma_semaphore, #tpu.memory_space<semaphore_mem>> -> memref<!tpu.dma_semaphore, #tpu.memory_space<semaphore_mem>>
      %dma_wait3A_153 = arith.constant 0 : i32
      %dma_wait3A_154 = arith.constant 0 : i32
      %dma_wait3A_155 = tpu.memref_slice %arg5[%dma_wait3A_153, %dma_wait3A_154] : memref<81920x128xf32, #tpu.memory_space<hbm>> -> memref<128x128xf32, #tpu.memory_space<hbm>>
      %dma_wait3A_156 = arith.constant 0 : i32
      %dma_wait3A_157 = arith.constant 0 : i32
      %dma_wait3A_158 = tpu.memref_slice %arg9[%dma_wait3A_142, %dma_wait3A_156, %dma_wait3A_157] : memref<2x128x128xf32, #tpu.memory_space<vmem>> -> memref<1x128x128xf32, #tpu.memory_space<vmem>>
      %dma_wait3A_159 = tpu.memref_squeeze %dma_wait3A_158 : memref<1x128x128xf32, #tpu.memory_space<vmem>> -> memref<128x128xf32, #tpu.memory_space<vmem>>
      tpu.wait_dma2 semaphore(%dma_wait3A_152 : memref<!tpu.dma_semaphore, #tpu.memory_space<semaphore_mem>>) src(%dma_wait3A_159 : memref<128x128xf32, #tpu.memory_space<vmem>>) dst(%dma_wait3A_155 : memref<128x128xf32, #tpu.memory_space<hbm>>)
      %add3A_160 = arith.constant 2 : i32
      %add3A_161 = arith.addi %add3A_109, %add3A_160 : i32
      %lt3A_162 = arith.cmpi slt, %add3A_161, %select_n3A : i32
      %convert_element_type3A_163 = arith.extui %lt3A_162 : i1 to i32
      %cond3A_164 = arith.constant 0 : i32
      %cond3A_165 = arith.cmpi ne, %convert_element_type3A_163, %cond3A_164 : i32
      scf.if %cond3A_165 {
        %add3A_166 = arith.constant 2 : i32
        %add3A_167 = arith.addi %add3A_109, %add3A_166 : i32
        %mul3A_168 = arith.constant 128 : i32
        %mul3A_169 = arith.muli %add3A_167, %mul3A_168 : i32
        %dma_start3A_170 = arith.constant 1 : i32
        %dma_start3A_171 = arith.constant 1 : i32
        %dma_start3A_172 = arith.constant 0 : i32
        %dma_start3A_173 = arith.constant 0 : i32
        %dma_start3A_174 = tpu.memref_slice %arg9[%dma_start3A_170, %dma_start3A_172, %dma_start3A_173] : memref<2x128x128xf32, #tpu.memory_space<vmem>> -> memref<1x128x128xf32, #tpu.memory_space<vmem>>
        %dma_start3A_175 = tpu.memref_squeeze %dma_start3A_174 : memref<1x128x128xf32, #tpu.memory_space<vmem>> -> memref<128x128xf32, #tpu.memory_space<vmem>>
        %dma_start3A_176 = tpu.memref_slice %arg7[%mul3A_169] : memref<3840xi32, #tpu.memory_space<vmem>> -> memref<128xi32, #tpu.memory_space<vmem>>
        %dma_start3A_177 = arith.constant 0 : i32
        %dma_start3A_178 = arith.constant 0 : i32
        %dma_start3A_179 = tpu.memref_slice %arg4[%dma_start3A_177, %dma_start3A_178] : memref<100000x128xf32, #tpu.memory_space<hbm>> -> memref<100000x128xf32, #tpu.memory_space<hbm>>
        %dma_start3A_180 = tpu.memref_slice %arg11[%dma_start3A_171] : memref<2x!tpu.dma_semaphore, #tpu.memory_space<semaphore_mem>> -> memref<1x!tpu.dma_semaphore, #tpu.memory_space<semaphore_mem>>
        %dma_start3A_181 = tpu.memref_squeeze %dma_start3A_180 : memref<1x!tpu.dma_semaphore, #tpu.memory_space<semaphore_mem>> -> memref<!tpu.dma_semaphore, #tpu.memory_space<semaphore_mem>>
        tpu.enqueue_indirect_dma source(%dma_start3A_179 : memref<100000x128xf32, #tpu.memory_space<hbm>>) target(%dma_start3A_175 : memref<128x128xf32, #tpu.memory_space<vmem>>) offsets(%dma_start3A_176 : memref<128xi32, #tpu.memory_space<vmem>>) semaphore(%dma_start3A_181 : memref<!tpu.dma_semaphore, #tpu.memory_space<semaphore_mem>>)
      } else {
      }
    }
    %while3A_49 = arith.constant 1 : i32
    scf.for %while3A_50 = %while3A_47 to %while3A_43 step %while3A_49  : i32 {
      %mul3A_51 = arith.constant 2 : i32
      %mul3A_52 = arith.muli %while3A_50, %mul3A_51 : i32
      %dma_wait3A = arith.constant 0 : i32
      %dma_wait3A_53 = arith.constant 0 : i32
      %dma_wait3A_54 = arith.constant 0 : i32
      %dma_wait3A_55 = arith.constant 0 : i32
      %dma_wait3A_56 = tpu.memref_slice %arg9[%dma_wait3A, %dma_wait3A_54, %dma_wait3A_55] : memref<2x128x128xf32, #tpu.memory_space<vmem>> -> memref<1x128x128xf32, #tpu.memory_space<vmem>>
      %dma_wait3A_57 = tpu.memref_squeeze %dma_wait3A_56 : memref<1x128x128xf32, #tpu.memory_space<vmem>> -> memref<128x128xf32, #tpu.memory_space<vmem>>
      %dma_wait3A_58 = arith.constant 0 : i32
      %dma_wait3A_59 = tpu.memref_slice %arg7[%dma_wait3A_58] : memref<3840xi32, #tpu.memory_space<vmem>> -> memref<128xi32, #tpu.memory_space<vmem>>
      %dma_wait3A_60 = arith.constant 0 : i32
      %dma_wait3A_61 = arith.constant 0 : i32
      %dma_wait3A_62 = tpu.memref_slice %arg4[%dma_wait3A_60, %dma_wait3A_61] : memref<100000x128xf32, #tpu.memory_space<hbm>> -> memref<100000x128xf32, #tpu.memory_space<hbm>>
      %dma_wait3A_63 = tpu.memref_slice %arg11[%dma_wait3A_53] : memref<2x!tpu.dma_semaphore, #tpu.memory_space<semaphore_mem>> -> memref<1x!tpu.dma_semaphore, #tpu.memory_space<semaphore_mem>>
      %dma_wait3A_64 = tpu.memref_squeeze %dma_wait3A_63 : memref<1x!tpu.dma_semaphore, #tpu.memory_space<semaphore_mem>> -> memref<!tpu.dma_semaphore, #tpu.memory_space<semaphore_mem>>
      tpu.wait_indirect_dma semaphore(%dma_wait3A_64 : memref<!tpu.dma_semaphore, #tpu.memory_space<semaphore_mem>>) src(%dma_wait3A_62 : memref<100000x128xf32, #tpu.memory_space<hbm>>) dst(%dma_wait3A_57 : memref<128x128xf32, #tpu.memory_space<vmem>>)
      %mul3A_65 = arith.constant 128 : i32
      %mul3A_66 = arith.muli %mul3A_52, %mul3A_65 : i32
      %add3A_67 = arith.addi %mul3A_13, %mul3A_66 : i32
      %dma_start3A = arith.constant 0 : i32
      %dma_start3A_68 = arith.constant 0 : i32
      %dma_start3A_69 = arith.constant 0 : i32
      %dma_start3A_70 = arith.constant 0 : i32
      %dma_start3A_71 = tpu.memref_slice %arg9[%dma_start3A, %dma_start3A_69, %dma_start3A_70] : memref<2x128x128xf32, #tpu.memory_space<vmem>> -> memref<1x128x128xf32, #tpu.memory_space<vmem>>
      %dma_start3A_72 = tpu.memref_squeeze %dma_start3A_71 : memref<1x128x128xf32, #tpu.memory_space<vmem>> -> memref<128x128xf32, #tpu.memory_space<vmem>>
      %dma_start3A_73 = arith.constant 0 : i32
      %dma_start3A_74 = tpu.memref_slice %arg5[%add3A_67, %dma_start3A_73] : memref<81920x128xf32, #tpu.memory_space<hbm>> -> memref<128x128xf32, #tpu.memory_space<hbm>>
      %dma_start3A_75 = tpu.memref_slice %arg12[%dma_start3A_68] : memref<2x!tpu.dma_semaphore, #tpu.memory_space<semaphore_mem>> -> memref<1x!tpu.dma_semaphore, #tpu.memory_space<semaphore_mem>>
      %dma_start3A_76 = tpu.memref_squeeze %dma_start3A_75 : memref<1x!tpu.dma_semaphore, #tpu.memory_space<semaphore_mem>> -> memref<!tpu.dma_semaphore, #tpu.memory_space<semaphore_mem>>
      %dma_start3A_77 = arith.constant 0 : i32
      %dma_start3A_78 = tpu.memref_slice %arg5[%add3A_67, %dma_start3A_77] : memref<81920x128xf32, #tpu.memory_space<hbm>> -> memref<128x128xf32, #tpu.memory_space<hbm>>
      %dma_start3A_79 = arith.constant 0 : i32
      %dma_start3A_80 = arith.constant 0 : i32
      %dma_start3A_81 = tpu.memref_slice %arg9[%dma_start3A, %dma_start3A_79, %dma_start3A_80] : memref<2x128x128xf32, #tpu.memory_space<vmem>> -> memref<1x128x128xf32, #tpu.memory_space<vmem>>
      %dma_start3A_82 = tpu.memref_squeeze %dma_start3A_81 : memref<1x128x128xf32, #tpu.memory_space<vmem>> -> memref<128x128xf32, #tpu.memory_space<vmem>>
      tpu.enqueue_dma source(%dma_start3A_82 : memref<128x128xf32, #tpu.memory_space<vmem>>) target(%dma_start3A_78 : memref<128x128xf32, #tpu.memory_space<hbm>>) target_semaphore(%dma_start3A_76 : memref<!tpu.dma_semaphore, #tpu.memory_space<semaphore_mem>>)
      %dma_wait3A_83 = arith.constant 0 : i32
      %dma_wait3A_84 = arith.constant 0 : i32
      %dma_wait3A_85 = arith.constant 0 : i32
      %dma_wait3A_86 = arith.constant 0 : i32
      %dma_wait3A_87 = tpu.memref_slice %arg9[%dma_wait3A_83, %dma_wait3A_85, %dma_wait3A_86] : memref<2x128x128xf32, #tpu.memory_space<vmem>> -> memref<1x128x128xf32, #tpu.memory_space<vmem>>
      %dma_wait3A_88 = tpu.memref_squeeze %dma_wait3A_87 : memref<1x128x128xf32, #tpu.memory_space<vmem>> -> memref<128x128xf32, #tpu.memory_space<vmem>>
      %dma_wait3A_89 = arith.constant 0 : i32
      %dma_wait3A_90 = arith.constant 0 : i32
      %dma_wait3A_91 = tpu.memref_slice %arg5[%dma_wait3A_89, %dma_wait3A_90] : memref<81920x128xf32, #tpu.memory_space<hbm>> -> memref<128x128xf32, #tpu.memory_space<hbm>>
      %dma_wait3A_92 = tpu.memref_slice %arg12[%dma_wait3A_84] : memref<2x!tpu.dma_semaphore, #tpu.memory_space<semaphore_mem>> -> memref<1x!tpu.dma_semaphore, #tpu.memory_space<semaphore_mem>>
      %dma_wait3A_93 = tpu.memref_squeeze %dma_wait3A_92 : memref<1x!tpu.dma_semaphore, #tpu.memory_space<semaphore_mem>> -> memref<!tpu.dma_semaphore, #tpu.memory_space<semaphore_mem>>
      %dma_wait3A_94 = arith.constant 0 : i32
      %dma_wait3A_95 = arith.constant 0 : i32
      %dma_wait3A_96 = tpu.memref_slice %arg5[%dma_wait3A_94, %dma_wait3A_95] : memref<81920x128xf32, #tpu.memory_space<hbm>> -> memref<128x128xf32, #tpu.memory_space<hbm>>
      %dma_wait3A_97 = arith.constant 0 : i32
      %dma_wait3A_98 = arith.constant 0 : i32
      %dma_wait3A_99 = tpu.memref_slice %arg9[%dma_wait3A_83, %dma_wait3A_97, %dma_wait3A_98] : memref<2x128x128xf32, #tpu.memory_space<vmem>> -> memref<1x128x128xf32, #tpu.memory_space<vmem>>
      %dma_wait3A_100 = tpu.memref_squeeze %dma_wait3A_99 : memref<1x128x128xf32, #tpu.memory_space<vmem>> -> memref<128x128xf32, #tpu.memory_space<vmem>>
      tpu.wait_dma2 semaphore(%dma_wait3A_93 : memref<!tpu.dma_semaphore, #tpu.memory_space<semaphore_mem>>) src(%dma_wait3A_100 : memref<128x128xf32, #tpu.memory_space<vmem>>) dst(%dma_wait3A_96 : memref<128x128xf32, #tpu.memory_space<hbm>>)
      %add3A_101 = arith.constant 2 : i32
      %add3A_102 = arith.addi %mul3A_52, %add3A_101 : i32
      %lt3A = arith.cmpi slt, %add3A_102, %select_n3A : i32
      %convert_element_type3A_103 = arith.extui %lt3A : i1 to i32
      %cond3A_104 = arith.constant 0 : i32
      %cond3A_105 = arith.cmpi ne, %convert_element_type3A_103, %cond3A_104 : i32
      scf.if %cond3A_105 {
        %add3A_166 = arith.constant 2 : i32
        %add3A_167 = arith.addi %mul3A_52, %add3A_166 : i32
        %mul3A_168 = arith.constant 128 : i32
        %mul3A_169 = arith.muli %add3A_167, %mul3A_168 : i32
        %dma_start3A_170 = arith.constant 0 : i32
        %dma_start3A_171 = arith.constant 0 : i32
        %dma_start3A_172 = arith.constant 0 : i32
        %dma_start3A_173 = arith.constant 0 : i32
        %dma_start3A_174 = tpu.memref_slice %arg9[%dma_start3A_170, %dma_start3A_172, %dma_start3A_173] : memref<2x128x128xf32, #tpu.memory_space<vmem>> -> memref<1x128x128xf32, #tpu.memory_space<vmem>>
        %dma_start3A_175 = tpu.memref_squeeze %dma_start3A_174 : memref<1x128x128xf32, #tpu.memory_space<vmem>> -> memref<128x128xf32, #tpu.memory_space<vmem>>
        %dma_start3A_176 = tpu.memref_slice %arg7[%mul3A_169] : memref<3840xi32, #tpu.memory_space<vmem>> -> memref<128xi32, #tpu.memory_space<vmem>>
        %dma_start3A_177 = arith.constant 0 : i32
        %dma_start3A_178 = arith.constant 0 : i32
        %dma_start3A_179 = tpu.memref_slice %arg4[%dma_start3A_177, %dma_start3A_178] : memref<100000x128xf32, #tpu.memory_space<hbm>> -> memref<100000x128xf32, #tpu.memory_space<hbm>>
        %dma_start3A_180 = tpu.memref_slice %arg11[%dma_start3A_171] : memref<2x!tpu.dma_semaphore, #tpu.memory_space<semaphore_mem>> -> memref<1x!tpu.dma_semaphore, #tpu.memory_space<semaphore_mem>>
        %dma_start3A_181 = tpu.memref_squeeze %dma_start3A_180 : memref<1x!tpu.dma_semaphore, #tpu.memory_space<semaphore_mem>> -> memref<!tpu.dma_semaphore, #tpu.memory_space<semaphore_mem>>
        tpu.enqueue_indirect_dma source(%dma_start3A_179 : memref<100000x128xf32, #tpu.memory_space<hbm>>) target(%dma_start3A_175 : memref<128x128xf32, #tpu.memory_space<vmem>>) offsets(%dma_start3A_176 : memref<128xi32, #tpu.memory_space<vmem>>) semaphore(%dma_start3A_181 : memref<!tpu.dma_semaphore, #tpu.memory_space<semaphore_mem>>)
      } else {
      }
      %mul3A_106 = arith.constant 2 : i32
      %mul3A_107 = arith.muli %while3A_50, %mul3A_106 : i32
      %add3A_108 = arith.constant 1 : i32
      %add3A_109 = arith.addi %mul3A_107, %add3A_108 : i32
      %dma_wait3A_110 = arith.constant 1 : i32
      %dma_wait3A_111 = arith.constant 1 : i32
      %dma_wait3A_112 = arith.constant 0 : i32
      %dma_wait3A_113 = arith.constant 0 : i32
      %dma_wait3A_114 = tpu.memref_slice %arg9[%dma_wait3A_110, %dma_wait3A_112, %dma_wait3A_113] : memref<2x128x128xf32, #tpu.memory_space<vmem>> -> memref<1x128x128xf32, #tpu.memory_space<vmem>>
      %dma_wait3A_115 = tpu.memref_squeeze %dma_wait3A_114 : memref<1x128x128xf32, #tpu.memory_space<vmem>> -> memref<128x128xf32, #tpu.memory_space<vmem>>
      %dma_wait3A_116 = arith.constant 0 : i32
      %dma_wait3A_117 = tpu.memref_slice %arg7[%dma_wait3A_116] : memref<3840xi32, #tpu.memory_space<vmem>> -> memref<128xi32, #tpu.memory_space<vmem>>
      %dma_wait3A_118 = arith.constant 0 : i32
      %dma_wait3A_119 = arith.constant 0 : i32
      %dma_wait3A_120 = tpu.memref_slice %arg4[%dma_wait3A_118, %dma_wait3A_119] : memref<100000x128xf32, #tpu.memory_space<hbm>> -> memref<100000x128xf32, #tpu.memory_space<hbm>>
      %dma_wait3A_121 = tpu.memref_slice %arg11[%dma_wait3A_111] : memref<2x!tpu.dma_semaphore, #tpu.memory_space<semaphore_mem>> -> memref<1x!tpu.dma_semaphore, #tpu.memory_space<semaphore_mem>>
      %dma_wait3A_122 = tpu.memref_squeeze %dma_wait3A_121 : memref<1x!tpu.dma_semaphore, #tpu.memory_space<semaphore_mem>> -> memref<!tpu.dma_semaphore, #tpu.memory_space<semaphore_mem>>
      tpu.wait_indirect_dma semaphore(%dma_wait3A_122 : memref<!tpu.dma_semaphore, #tpu.memory_space<semaphore_mem>>) src(%dma_wait3A_120 : memref<100000x128xf32, #tpu.memory_space<hbm>>) dst(%dma_wait3A_115 : memref<128x128xf32, #tpu.memory_space<vmem>>)
      %mul3A_123 = arith.constant 128 : i32
      %mul3A_124 = arith.muli %add3A_109, %mul3A_123 : i32
      %add3A_125 = arith.addi %mul3A_13, %mul3A_124 : i32
      %dma_start3A_126 = arith.constant 1 : i32
      %dma_start3A_127 = arith.constant 1 : i32
      %dma_start3A_128 = arith.constant 0 : i32
      %dma_start3A_129 = arith.constant 0 : i32
      %dma_start3A_130 = tpu.memref_slice %arg9[%dma_start3A_126, %dma_start3A_128, %dma_start3A_129] : memref<2x128x128xf32, #tpu.memory_space<vmem>> -> memref<1x128x128xf32, #tpu.memory_space<vmem>>
      %dma_start3A_131 = tpu.memref_squeeze %dma_start3A_130 : memref<1x128x128xf32, #tpu.memory_space<vmem>> -> memref<128x128xf32, #tpu.memory_space<vmem>>
      %dma_start3A_132 = arith.constant 0 : i32
      %dma_start3A_133 = tpu.memref_slice %arg5[%add3A_125, %dma_start3A_132] : memref<81920x128xf32, #tpu.memory_space<hbm>> -> memref<128x128xf32, #tpu.memory_space<hbm>>
      %dma_start3A_134 = tpu.memref_slice %arg12[%dma_start3A_127] : memref<2x!tpu.dma_semaphore, #tpu.memory_space<semaphore_mem>> -> memref<1x!tpu.dma_semaphore, #tpu.memory_space<semaphore_mem>>
      %dma_start3A_135 = tpu.memref_squeeze %dma_start3A_134 : memref<1x!tpu.dma_semaphore, #tpu.memory_space<semaphore_mem>> -> memref<!tpu.dma_semaphore, #tpu.memory_space<semaphore_mem>>
      %dma_start3A_136 = arith.constant 0 : i32
      %dma_start3A_137 = tpu.memref_slice %arg5[%add3A_125, %dma_start3A_136] : memref<81920x128xf32, #tpu.memory_space<hbm>> -> memref<128x128xf32, #tpu.memory_space<hbm>>
      %dma_start3A_138 = arith.constant 0 : i32
      %dma_start3A_139 = arith.constant 0 : i32
      %dma_start3A_140 = tpu.memref_slice %arg9[%dma_start3A_126, %dma_start3A_138, %dma_start3A_139] : memref<2x128x128xf32, #tpu.memory_space<vmem>> -> memref<1x128x128xf32, #tpu.memory_space<vmem>>
      %dma_start3A_141 = tpu.memref_squeeze %dma_start3A_140 : memref<1x128x128xf32, #tpu.memory_space<vmem>> -> memref<128x128xf32, #tpu.memory_space<vmem>>
      tpu.enqueue_dma source(%dma_start3A_141 : memref<128x128xf32, #tpu.memory_space<vmem>>) target(%dma_start3A_137 : memref<128x128xf32, #tpu.memory_space<hbm>>) target_semaphore(%dma_start3A_135 : memref<!tpu.dma_semaphore, #tpu.memory_space<semaphore_mem>>)
      %dma_wait3A_142 = arith.constant 1 : i32
      %dma_wait3A_143 = arith.constant 1 : i32
      %dma_wait3A_144 = arith.constant 0 : i32
      %dma_wait3A_145 = arith.constant 0 : i32
      %dma_wait3A_146 = tpu.memref_slice %arg9[%dma_wait3A_142, %dma_wait3A_144, %dma_wait3A_145] : memref<2x128x128xf32, #tpu.memory_space<vmem>> -> memref<1x128x128xf32, #tpu.memory_space<vmem>>
      %dma_wait3A_147 = tpu.memref_squeeze %dma_wait3A_146 : memref<1x128x128xf32, #tpu.memory_space<vmem>> -> memref<128x128xf32, #tpu.memory_space<vmem>>
      %dma_wait3A_148 = arith.constant 0 : i32
      %dma_wait3A_149 = arith.constant 0 : i32
      %dma_wait3A_150 = tpu.memref_slice %arg5[%dma_wait3A_148, %dma_wait3A_149] : memref<81920x128xf32, #tpu.memory_space<hbm>> -> memref<128x128xf32, #tpu.memory_space<hbm>>
      %dma_wait3A_151 = tpu.memref_slice %arg12[%dma_wait3A_143] : memref<2x!tpu.dma_semaphore, #tpu.memory_space<semaphore_mem>> -> memref<1x!tpu.dma_semaphore, #tpu.memory_space<semaphore_mem>>
      %dma_wait3A_152 = tpu.memref_squeeze %dma_wait3A_151 : memref<1x!tpu.dma_semaphore, #tpu.memory_space<semaphore_mem>> -> memref<!tpu.dma_semaphore, #tpu.memory_space<semaphore_mem>>
      %dma_wait3A_153 = arith.constant 0 : i32
      %dma_wait3A_154 = arith.constant 0 : i32
      %dma_wait3A_155 = tpu.memref_slice %arg5[%dma_wait3A_153, %dma_wait3A_154] : memref<81920x128xf32, #tpu.memory_space<hbm>> -> memref<128x128xf32, #tpu.memory_space<hbm>>
      %dma_wait3A_156 = arith.constant 0 : i32
      %dma_wait3A_157 = arith.constant 0 : i32
      %dma_wait3A_158 = tpu.memref_slice %arg9[%dma_wait3A_142, %dma_wait3A_156, %dma_wait3A_157] : memref<2x128x128xf32, #tpu.memory_space<vmem>> -> memref<1x128x128xf32, #tpu.memory_space<vmem>>
      %dma_wait3A_159 = tpu.memref_squeeze %dma_wait3A_158 : memref<1x128x128xf32, #tpu.memory_space<vmem>> -> memref<128x128xf32, #tpu.memory_space<vmem>>
      tpu.wait_dma2 semaphore(%dma_wait3A_152 : memref<!tpu.dma_semaphore, #tpu.memory_space<semaphore_mem>>) src(%dma_wait3A_159 : memref<128x128xf32, #tpu.memory_space<vmem>>) dst(%dma_wait3A_155 : memref<128x128xf32, #tpu.memory_space<hbm>>)
      %add3A_160 = arith.constant 2 : i32
      %add3A_161 = arith.addi %add3A_109, %add3A_160 : i32
      %lt3A_162 = arith.cmpi slt, %add3A_161, %select_n3A : i32
      %convert_element_type3A_163 = arith.extui %lt3A_162 : i1 to i32
      %cond3A_164 = arith.constant 0 : i32
      %cond3A_165 = arith.cmpi ne, %convert_element_type3A_163, %cond3A_164 : i32
      scf.if %cond3A_165 {
        %add3A_166 = arith.constant 2 : i32
        %add3A_167 = arith.addi %add3A_109, %add3A_166 : i32
        %mul3A_168 = arith.constant 128 : i32
        %mul3A_169 = arith.muli %add3A_167, %mul3A_168 : i32
        %dma_start3A_170 = arith.constant 1 : i32
        %dma_start3A_171 = arith.constant 1 : i32
        %dma_start3A_172 = arith.constant 0 : i32
        %dma_start3A_173 = arith.constant 0 : i32
        %dma_start3A_174 = tpu.memref_slice %arg9[%dma_start3A_170, %dma_start3A_172, %dma_start3A_173] : memref<2x128x128xf32, #tpu.memory_space<vmem>> -> memref<1x128x128xf32, #tpu.memory_space<vmem>>
        %dma_start3A_175 = tpu.memref_squeeze %dma_start3A_174 : memref<1x128x128xf32, #tpu.memory_space<vmem>> -> memref<128x128xf32, #tpu.memory_space<vmem>>
        %dma_start3A_176 = tpu.memref_slice %arg7[%mul3A_169] : memref<3840xi32, #tpu.memory_space<vmem>> -> memref<128xi32, #tpu.memory_space<vmem>>
        %dma_start3A_177 = arith.constant 0 : i32
        %dma_start3A_178 = arith.constant 0 : i32
        %dma_start3A_179 = tpu.memref_slice %arg4[%dma_start3A_177, %dma_start3A_178] : memref<100000x128xf32, #tpu.memory_space<hbm>> -> memref<100000x128xf32, #tpu.memory_space<hbm>>
        %dma_start3A_180 = tpu.memref_slice %arg11[%dma_start3A_171] : memref<2x!tpu.dma_semaphore, #tpu.memory_space<semaphore_mem>> -> memref<1x!tpu.dma_semaphore, #tpu.memory_space<semaphore_mem>>
        %dma_start3A_181 = tpu.memref_squeeze %dma_start3A_180 : memref<1x!tpu.dma_semaphore, #tpu.memory_space<semaphore_mem>> -> memref<!tpu.dma_semaphore, #tpu.memory_space<semaphore_mem>>
        tpu.enqueue_indirect_dma source(%dma_start3A_179 : memref<100000x128xf32, #tpu.memory_space<hbm>>) target(%dma_start3A_175 : memref<128x128xf32, #tpu.memory_space<vmem>>) offsets(%dma_start3A_176 : memref<128xi32, #tpu.memory_space<vmem>>) semaphore(%dma_start3A_181 : memref<!tpu.dma_semaphore, #tpu.memory_space<semaphore_mem>>)
      } else {
      }
    }
    return
  }
}

#map = affine_map<(d0, d1) -> (0)>
#map1 = affine_map<(d0, d1) -> (0, 0)>
module attributes {stable_mosaic.version = 14 : i64} {
  func.func @_sc_gather_body(%arg0: i32, %arg1: i32, %arg2: memref<81920xi32, #tpu.memory_space<hbm>>, %arg3: memref<256x40xi32, #tpu.memory_space<hbm>>, %arg4: memref<100000x128xf32, #tpu.memory_space<hbm>>, %arg5: memref<81920x128xf32, #tpu.memory_space<hbm>>, %arg6: memref<10240x128xf32, #tpu.memory_space<hbm>>, %arg7: memref<3840xi32, #tpu.memory_space<vmem>>, %arg8: memref<8x40xi32, #tpu.memory_space<vmem>>, %arg9: memref<2x128x128xf32, #tpu.memory_space<vmem>>, %arg10: memref<40x128xf32, #tpu.memory_space<vmem>>, %arg11: memref<2x!tpu.dma_semaphore, #tpu.memory_space<semaphore_mem>>, %arg12: memref<2x!tpu.dma_semaphore, #tpu.memory_space<semaphore_mem>>) attributes {dimension_semantics = [#tpu.dimension_semantics<core_parallel>, #tpu.dimension_semantics<subcore_parallel>], iteration_bounds = array<i64: 2, 16>, scalar_prefetch = 0 : i64, scratch_operands = 6 : i64, tpu.core_type = #tpu.core_type<sc_vector_subcore>, window_params = [{transform_indices = #map}, {transform_indices = #map1}, {transform_indices = #map1}, {transform_indices = #map1}, {transform_indices = #map1}]} {
    %mul3A = arith.constant 2 : i32
    %mul3A_0 = arith.muli %arg1, %mul3A : i32
    %add3A = arith.addi %mul3A_0, %arg0 : i32
    %eq3A = arith.constant 0 : i32
    %eq3A_1 = arith.cmpi eq, %arg0, %eq3A : i32
    %jit3A = arith.constant 30 : i32
    %jit3A_2 = arith.constant 10 : i32
    %select_n3A = arith.select %eq3A_1, %jit3A, %jit3A_2 : i32
    %eq3A_3 = arith.constant 0 : i32
    %eq3A_4 = arith.cmpi eq, %arg0, %eq3A_3 : i32
    %mul3A_5 = arith.constant 30 : i32
    %mul3A_6 = arith.muli %arg1, %mul3A_5 : i32
    %mul3A_7 = arith.constant 10 : i32
    %mul3A_8 = arith.muli %arg1, %mul3A_7 : i32
    %add3A_9 = arith.constant 480 : i32
    %add3A_10 = arith.addi %add3A_9, %mul3A_8 : i32
    %select_n3A_11 = arith.select %eq3A_4, %mul3A_6, %add3A_10 : i32
    %mul3A_12 = arith.constant 128 : i32
    %mul3A_13 = arith.muli %select_n3A_11, %mul3A_12 : i32
    "tpu.region"() ({
      %run_scoped3A = tpu.sem_alloc : memref<!tpu.dma_semaphore, #tpu.memory_space<semaphore_mem>>
      %dma_start3A = arith.constant 0 : i32
      %dma_start3A_50 = tpu.memref_slice %arg7[%dma_start3A] : memref<3840xi32, #tpu.memory_space<vmem>> -> memref<1280xi32, #tpu.memory_space<vmem>>
      %dma_start3A_51 = tpu.memref_slice %arg2[%mul3A_13] : memref<81920xi32, #tpu.memory_space<hbm>> -> memref<1280xi32, #tpu.memory_space<hbm>>
      %dma_start3A_52 = arith.constant 0 : i32
      %dma_start3A_53 = tpu.memref_slice %arg7[%dma_start3A_52] : memref<3840xi32, #tpu.memory_space<vmem>> -> memref<1280xi32, #tpu.memory_space<vmem>>
      %dma_start3A_54 = tpu.memref_slice %arg2[%mul3A_13] : memref<81920xi32, #tpu.memory_space<hbm>> -> memref<1280xi32, #tpu.memory_space<hbm>>
      tpu.enqueue_dma source(%dma_start3A_54 : memref<1280xi32, #tpu.memory_space<hbm>>) target(%dma_start3A_53 : memref<1280xi32, #tpu.memory_space<vmem>>) target_semaphore(%run_scoped3A : memref<!tpu.dma_semaphore, #tpu.memory_space<semaphore_mem>>)
      %dma_wait3A = arith.constant 0 : i32
      %dma_wait3A_55 = tpu.memref_slice %arg7[%dma_wait3A] : memref<3840xi32, #tpu.memory_space<vmem>> -> memref<1280xi32, #tpu.memory_space<vmem>>
      %dma_wait3A_56 = tpu.memref_slice %arg2[%mul3A_13] : memref<81920xi32, #tpu.memory_space<hbm>> -> memref<1280xi32, #tpu.memory_space<hbm>>
      %dma_wait3A_57 = arith.constant 0 : i32
      %dma_wait3A_58 = tpu.memref_slice %arg7[%dma_wait3A_57] : memref<3840xi32, #tpu.memory_space<vmem>> -> memref<1280xi32, #tpu.memory_space<vmem>>
      %dma_wait3A_59 = tpu.memref_slice %arg2[%mul3A_13] : memref<81920xi32, #tpu.memory_space<hbm>> -> memref<1280xi32, #tpu.memory_space<hbm>>
      tpu.wait_dma2 semaphore(%run_scoped3A : memref<!tpu.dma_semaphore, #tpu.memory_space<semaphore_mem>>) src(%dma_wait3A_59 : memref<1280xi32, #tpu.memory_space<hbm>>) dst(%dma_wait3A_58 : memref<1280xi32, #tpu.memory_space<vmem>>)
      tpu.yield
    }) : () -> ()
    %eq3A_14 = arith.constant 0 : i32
    %eq3A_15 = arith.cmpi eq, %arg0, %eq3A_14 : i32
    %convert_element_type3A = arith.extui %eq3A_15 : i1 to i32
    %cond3A = arith.constant 0 : i32
    %cond3A_16 = arith.cmpi ne, %convert_element_type3A, %cond3A : i32
    scf.if %cond3A_16 {
      %add3A_50 = arith.constant 1280 : i32
      %add3A_51 = arith.addi %mul3A_13, %add3A_50 : i32
      "tpu.region"() ({
        %run_scoped3A = tpu.sem_alloc : memref<!tpu.dma_semaphore, #tpu.memory_space<semaphore_mem>>
        %dma_start3A = arith.constant 1280 : i32
        %dma_start3A_52 = tpu.memref_slice %arg7[%dma_start3A] : memref<3840xi32, #tpu.memory_space<vmem>> -> memref<2560xi32, #tpu.memory_space<vmem>>
        %dma_start3A_53 = tpu.memref_slice %arg2[%add3A_51] : memref<81920xi32, #tpu.memory_space<hbm>> -> memref<2560xi32, #tpu.memory_space<hbm>>
        %dma_start3A_54 = arith.constant 1280 : i32
        %dma_start3A_55 = tpu.memref_slice %arg7[%dma_start3A_54] : memref<3840xi32, #tpu.memory_space<vmem>> -> memref<2560xi32, #tpu.memory_space<vmem>>
        %dma_start3A_56 = tpu.memref_slice %arg2[%add3A_51] : memref<81920xi32, #tpu.memory_space<hbm>> -> memref<2560xi32, #tpu.memory_space<hbm>>
        tpu.enqueue_dma source(%dma_start3A_56 : memref<2560xi32, #tpu.memory_space<hbm>>) target(%dma_start3A_55 : memref<2560xi32, #tpu.memory_space<vmem>>) target_semaphore(%run_scoped3A : memref<!tpu.dma_semaphore, #tpu.memory_space<semaphore_mem>>)
        %dma_wait3A = arith.constant 1280 : i32
        %dma_wait3A_57 = tpu.memref_slice %arg7[%dma_wait3A] : memref<3840xi32, #tpu.memory_space<vmem>> -> memref<2560xi32, #tpu.memory_space<vmem>>
        %dma_wait3A_58 = tpu.memref_slice %arg2[%add3A_51] : memref<81920xi32, #tpu.memory_space<hbm>> -> memref<2560xi32, #tpu.memory_space<hbm>>
        %dma_wait3A_59 = arith.constant 1280 : i32
        %dma_wait3A_60 = tpu.memref_slice %arg7[%dma_wait3A_59] : memref<3840xi32, #tpu.memory_space<vmem>> -> memref<2560xi32, #tpu.memory_space<vmem>>
        %dma_wait3A_61 = tpu.memref_slice %arg2[%add3A_51] : memref<81920xi32, #tpu.memory_space<hbm>> -> memref<2560xi32, #tpu.memory_space<hbm>>
        tpu.wait_dma2 semaphore(%run_scoped3A : memref<!tpu.dma_semaphore, #tpu.memory_space<semaphore_mem>>) src(%dma_wait3A_61 : memref<2560xi32, #tpu.memory_space<hbm>>) dst(%dma_wait3A_60 : memref<2560xi32, #tpu.memory_space<vmem>>)
        tpu.yield
      }) : () -> ()
    } else {
    }
    %gt3A = arith.constant 0 : i32
    %gt3A_17 = arith.cmpi sgt, %select_n3A, %gt3A : i32
    %convert_element_type3A_18 = arith.extui %gt3A_17 : i1 to i32
    %cond3A_19 = arith.constant 0 : i32
    %cond3A_20 = arith.cmpi ne, %convert_element_type3A_18, %cond3A_19 : i32
    scf.if %cond3A_20 {
      %dma_start3A = arith.constant 0 : i32
      %dma_start3A_50 = arith.constant 0 : i32
      %dma_start3A_51 = arith.constant 0 : i32
      %dma_start3A_52 = arith.constant 0 : i32
      %dma_start3A_53 = tpu.memref_slice %arg9[%dma_start3A, %dma_start3A_51, %dma_start3A_52] : memref<2x128x128xf32, #tpu.memory_space<vmem>> -> memref<1x128x128xf32, #tpu.memory_space<vmem>>
      %dma_start3A_54 = tpu.memref_squeeze %dma_start3A_53 : memref<1x128x128xf32, #tpu.memory_space<vmem>> -> memref<128x128xf32, #tpu.memory_space<vmem>>
      %dma_start3A_55 = arith.constant 0 : i32
      %dma_start3A_56 = tpu.memref_slice %arg7[%dma_start3A_55] : memref<3840xi32, #tpu.memory_space<vmem>> -> memref<128xi32, #tpu.memory_space<vmem>>
      %dma_start3A_57 = arith.constant 0 : i32
      %dma_start3A_58 = arith.constant 0 : i32
      %dma_start3A_59 = tpu.memref_slice %arg4[%dma_start3A_57, %dma_start3A_58] : memref<100000x128xf32, #tpu.memory_space<hbm>> -> memref<100000x128xf32, #tpu.memory_space<hbm>>
      %dma_start3A_60 = tpu.memref_slice %arg11[%dma_start3A_50] : memref<2x!tpu.dma_semaphore, #tpu.memory_space<semaphore_mem>> -> memref<1x!tpu.dma_semaphore, #tpu.memory_space<semaphore_mem>>
      %dma_start3A_61 = tpu.memref_squeeze %dma_start3A_60 : memref<1x!tpu.dma_semaphore, #tpu.memory_space<semaphore_mem>> -> memref<!tpu.dma_semaphore, #tpu.memory_space<semaphore_mem>>
      tpu.enqueue_indirect_dma source(%dma_start3A_59 : memref<100000x128xf32, #tpu.memory_space<hbm>>) target(%dma_start3A_54 : memref<128x128xf32, #tpu.memory_space<vmem>>) offsets(%dma_start3A_56 : memref<128xi32, #tpu.memory_space<vmem>>) semaphore(%dma_start3A_61 : memref<!tpu.dma_semaphore, #tpu.memory_space<semaphore_mem>>)
      %dma_start3A_62 = arith.constant 1 : i32
      %dma_start3A_63 = arith.constant 1 : i32
      %dma_start3A_64 = arith.constant 0 : i32
      %dma_start3A_65 = arith.constant 0 : i32
      %dma_start3A_66 = tpu.memref_slice %arg9[%dma_start3A_62, %dma_start3A_64, %dma_start3A_65] : memref<2x128x128xf32, #tpu.memory_space<vmem>> -> memref<1x128x128xf32, #tpu.memory_space<vmem>>
      %dma_start3A_67 = tpu.memref_squeeze %dma_start3A_66 : memref<1x128x128xf32, #tpu.memory_space<vmem>> -> memref<128x128xf32, #tpu.memory_space<vmem>>
      %dma_start3A_68 = arith.constant 128 : i32
      %dma_start3A_69 = tpu.memref_slice %arg7[%dma_start3A_68] : memref<3840xi32, #tpu.memory_space<vmem>> -> memref<128xi32, #tpu.memory_space<vmem>>
      %dma_start3A_70 = arith.constant 0 : i32
      %dma_start3A_71 = arith.constant 0 : i32
      %dma_start3A_72 = tpu.memref_slice %arg4[%dma_start3A_70, %dma_start3A_71] : memref<100000x128xf32, #tpu.memory_space<hbm>> -> memref<100000x128xf32, #tpu.memory_space<hbm>>
      %dma_start3A_73 = tpu.memref_slice %arg11[%dma_start3A_63] : memref<2x!tpu.dma_semaphore, #tpu.memory_space<semaphore_mem>> -> memref<1x!tpu.dma_semaphore, #tpu.memory_space<semaphore_mem>>
      %dma_start3A_74 = tpu.memref_squeeze %dma_start3A_73 : memref<1x!tpu.dma_semaphore, #tpu.memory_space<semaphore_mem>> -> memref<!tpu.dma_semaphore, #tpu.memory_space<semaphore_mem>>
      tpu.enqueue_indirect_dma source(%dma_start3A_72 : memref<100000x128xf32, #tpu.memory_space<hbm>>) target(%dma_start3A_67 : memref<128x128xf32, #tpu.memory_space<vmem>>) offsets(%dma_start3A_69 : memref<128xi32, #tpu.memory_space<vmem>>) semaphore(%dma_start3A_74 : memref<!tpu.dma_semaphore, #tpu.memory_space<semaphore_mem>>)
    } else {
    }
    %add3A_21 = arith.constant 1 : i32
    %add3A_22 = arith.addi %select_n3A, %add3A_21 : i32
    %jit3A_23 = arith.constant 2 : i32
    %div3A = arith.divsi %add3A_22, %jit3A_23 : i32
    %sign3A = arith.constant 0 : i32
    %sign3A_24 = arith.cmpi sgt, %add3A_22, %sign3A : i32
    %sign3A_25 = arith.extui %sign3A_24 : i1 to i32
    %sign3A_26 = arith.constant 0 : i32
    %sign3A_27 = arith.cmpi slt, %add3A_22, %sign3A_26 : i32
    %sign3A_28 = arith.extui %sign3A_27 : i1 to i32
    %sign3A_29 = arith.subi %sign3A_25, %sign3A_28 : i32
    %sign3A_30 = arith.constant 0 : i32
    %sign3A_31 = arith.cmpi sgt, %jit3A_23, %sign3A_30 : i32
    %sign3A_32 = arith.extui %sign3A_31 : i1 to i32
    %sign3A_33 = arith.constant 0 : i32
    %sign3A_34 = arith.cmpi slt, %jit3A_23, %sign3A_33 : i32
    %sign3A_35 = arith.extui %sign3A_34 : i1 to i32
    %sign3A_36 = arith.subi %sign3A_32, %sign3A_35 : i32
    %ne3A = arith.cmpi ne, %sign3A_29, %sign3A_36 : i32
    %rem3A = arith.remsi %add3A_22, %jit3A_23 : i32
    %ne3A_37 = arith.constant 0 : i32
    %ne3A_38 = arith.cmpi ne, %rem3A, %ne3A_37 : i32
    %and3A = arith.andi %ne3A, %ne3A_38 : i1
    %sub3A = arith.constant 1 : i32
    %sub3A_39 = arith.subi %div3A, %sub3A : i32
    %select_n3A_40 = arith.select %and3A, %sub3A_39, %div3A : i32
    %while3A = arith.constant 0 : i32
    %while3A_41 = arith.constant 0 : i32
    %while3A_42 = arith.subi %select_n3A_40, %while3A_41 : i32
    %while3A_43 = arith.addi %while3A_41, %while3A_42 : i32
    %while3A_44 = arith.constant 1 : i32
    %while3A_45 = arith.divsi %while3A_42, %while3A_44 : i32
    %while3A_46 = arith.muli %while3A_45, %while3A_44 : i32
    %while3A_47 = arith.addi %while3A_41, %while3A_46 : i32
    %while3A_48 = arith.constant 1 : i32
    scf.for %while3A_50 = %while3A_41 to %while3A_47 step %while3A_48  : i32 {
      %mul3A_51 = arith.constant 2 : i32
      %mul3A_52 = arith.muli %while3A_50, %mul3A_51 : i32
      %dma_wait3A = arith.constant 0 : i32
      %dma_wait3A_53 = arith.constant 0 : i32
      %dma_wait3A_54 = arith.constant 0 : i32
      %dma_wait3A_55 = arith.constant 0 : i32
      %dma_wait3A_56 = tpu.memref_slice %arg9[%dma_wait3A, %dma_wait3A_54, %dma_wait3A_55] : memref<2x128x128xf32, #tpu.memory_space<vmem>> -> memref<1x128x128xf32, #tpu.memory_space<vmem>>
      %dma_wait3A_57 = tpu.memref_squeeze %dma_wait3A_56 : memref<1x128x128xf32, #tpu.memory_space<vmem>> -> memref<128x128xf32, #tpu.memory_space<vmem>>
      %dma_wait3A_58 = arith.constant 0 : i32
      %dma_wait3A_59 = tpu.memref_slice %arg7[%dma_wait3A_58] : memref<3840xi32, #tpu.memory_space<vmem>> -> memref<128xi32, #tpu.memory_space<vmem>>
      %dma_wait3A_60 = arith.constant 0 : i32
      %dma_wait3A_61 = arith.constant 0 : i32
      %dma_wait3A_62 = tpu.memref_slice %arg4[%dma_wait3A_60, %dma_wait3A_61] : memref<100000x128xf32, #tpu.memory_space<hbm>> -> memref<100000x128xf32, #tpu.memory_space<hbm>>
      %dma_wait3A_63 = tpu.memref_slice %arg11[%dma_wait3A_53] : memref<2x!tpu.dma_semaphore, #tpu.memory_space<semaphore_mem>> -> memref<1x!tpu.dma_semaphore, #tpu.memory_space<semaphore_mem>>
      %dma_wait3A_64 = tpu.memref_squeeze %dma_wait3A_63 : memref<1x!tpu.dma_semaphore, #tpu.memory_space<semaphore_mem>> -> memref<!tpu.dma_semaphore, #tpu.memory_space<semaphore_mem>>
      tpu.wait_indirect_dma semaphore(%dma_wait3A_64 : memref<!tpu.dma_semaphore, #tpu.memory_space<semaphore_mem>>) src(%dma_wait3A_62 : memref<100000x128xf32, #tpu.memory_space<hbm>>) dst(%dma_wait3A_57 : memref<128x128xf32, #tpu.memory_space<vmem>>)
      %mul3A_65 = arith.constant 128 : i32
      %mul3A_66 = arith.muli %mul3A_52, %mul3A_65 : i32
      %add3A_67 = arith.addi %mul3A_13, %mul3A_66 : i32
      %dma_start3A = arith.constant 0 : i32
      %dma_start3A_68 = arith.constant 0 : i32
      %dma_start3A_69 = arith.constant 0 : i32
      %dma_start3A_70 = arith.constant 0 : i32
      %dma_start3A_71 = tpu.memref_slice %arg9[%dma_start3A, %dma_start3A_69, %dma_start3A_70] : memref<2x128x128xf32, #tpu.memory_space<vmem>> -> memref<1x128x128xf32, #tpu.memory_space<vmem>>
      %dma_start3A_72 = tpu.memref_squeeze %dma_start3A_71 : memref<1x128x128xf32, #tpu.memory_space<vmem>> -> memref<128x128xf32, #tpu.memory_space<vmem>>
      %dma_start3A_73 = arith.constant 0 : i32
      %dma_start3A_74 = tpu.memref_slice %arg5[%add3A_67, %dma_start3A_73] : memref<81920x128xf32, #tpu.memory_space<hbm>> -> memref<128x128xf32, #tpu.memory_space<hbm>>
      %dma_start3A_75 = tpu.memref_slice %arg12[%dma_start3A_68] : memref<2x!tpu.dma_semaphore, #tpu.memory_space<semaphore_mem>> -> memref<1x!tpu.dma_semaphore, #tpu.memory_space<semaphore_mem>>
      %dma_start3A_76 = tpu.memref_squeeze %dma_start3A_75 : memref<1x!tpu.dma_semaphore, #tpu.memory_space<semaphore_mem>> -> memref<!tpu.dma_semaphore, #tpu.memory_space<semaphore_mem>>
      %dma_start3A_77 = arith.constant 0 : i32
      %dma_start3A_78 = tpu.memref_slice %arg5[%add3A_67, %dma_start3A_77] : memref<81920x128xf32, #tpu.memory_space<hbm>> -> memref<128x128xf32, #tpu.memory_space<hbm>>
      %dma_start3A_79 = arith.constant 0 : i32
      %dma_start3A_80 = arith.constant 0 : i32
      %dma_start3A_81 = tpu.memref_slice %arg9[%dma_start3A, %dma_start3A_79, %dma_start3A_80] : memref<2x128x128xf32, #tpu.memory_space<vmem>> -> memref<1x128x128xf32, #tpu.memory_space<vmem>>
      %dma_start3A_82 = tpu.memref_squeeze %dma_start3A_81 : memref<1x128x128xf32, #tpu.memory_space<vmem>> -> memref<128x128xf32, #tpu.memory_space<vmem>>
      tpu.enqueue_dma source(%dma_start3A_82 : memref<128x128xf32, #tpu.memory_space<vmem>>) target(%dma_start3A_78 : memref<128x128xf32, #tpu.memory_space<hbm>>) target_semaphore(%dma_start3A_76 : memref<!tpu.dma_semaphore, #tpu.memory_space<semaphore_mem>>)
      %dma_wait3A_83 = arith.constant 0 : i32
      %dma_wait3A_84 = arith.constant 0 : i32
      %dma_wait3A_85 = arith.constant 0 : i32
      %dma_wait3A_86 = arith.constant 0 : i32
      %dma_wait3A_87 = tpu.memref_slice %arg9[%dma_wait3A_83, %dma_wait3A_85, %dma_wait3A_86] : memref<2x128x128xf32, #tpu.memory_space<vmem>> -> memref<1x128x128xf32, #tpu.memory_space<vmem>>
      %dma_wait3A_88 = tpu.memref_squeeze %dma_wait3A_87 : memref<1x128x128xf32, #tpu.memory_space<vmem>> -> memref<128x128xf32, #tpu.memory_space<vmem>>
      %dma_wait3A_89 = arith.constant 0 : i32
      %dma_wait3A_90 = arith.constant 0 : i32
      %dma_wait3A_91 = tpu.memref_slice %arg5[%dma_wait3A_89, %dma_wait3A_90] : memref<81920x128xf32, #tpu.memory_space<hbm>> -> memref<128x128xf32, #tpu.memory_space<hbm>>
      %dma_wait3A_92 = tpu.memref_slice %arg12[%dma_wait3A_84] : memref<2x!tpu.dma_semaphore, #tpu.memory_space<semaphore_mem>> -> memref<1x!tpu.dma_semaphore, #tpu.memory_space<semaphore_mem>>
      %dma_wait3A_93 = tpu.memref_squeeze %dma_wait3A_92 : memref<1x!tpu.dma_semaphore, #tpu.memory_space<semaphore_mem>> -> memref<!tpu.dma_semaphore, #tpu.memory_space<semaphore_mem>>
      %dma_wait3A_94 = arith.constant 0 : i32
      %dma_wait3A_95 = arith.constant 0 : i32
      %dma_wait3A_96 = tpu.memref_slice %arg5[%dma_wait3A_94, %dma_wait3A_95] : memref<81920x128xf32, #tpu.memory_space<hbm>> -> memref<128x128xf32, #tpu.memory_space<hbm>>
      %dma_wait3A_97 = arith.constant 0 : i32
      %dma_wait3A_98 = arith.constant 0 : i32
      %dma_wait3A_99 = tpu.memref_slice %arg9[%dma_wait3A_83, %dma_wait3A_97, %dma_wait3A_98] : memref<2x128x128xf32, #tpu.memory_space<vmem>> -> memref<1x128x128xf32, #tpu.memory_space<vmem>>
      %dma_wait3A_100 = tpu.memref_squeeze %dma_wait3A_99 : memref<1x128x128xf32, #tpu.memory_space<vmem>> -> memref<128x128xf32, #tpu.memory_space<vmem>>
      tpu.wait_dma2 semaphore(%dma_wait3A_93 : memref<!tpu.dma_semaphore, #tpu.memory_space<semaphore_mem>>) src(%dma_wait3A_100 : memref<128x128xf32, #tpu.memory_space<vmem>>) dst(%dma_wait3A_96 : memref<128x128xf32, #tpu.memory_space<hbm>>)
      %add3A_101 = arith.constant 2 : i32
      %add3A_102 = arith.addi %mul3A_52, %add3A_101 : i32
      %lt3A = arith.cmpi slt, %add3A_102, %select_n3A : i32
      %convert_element_type3A_103 = arith.extui %lt3A : i1 to i32
      %cond3A_104 = arith.constant 0 : i32
      %cond3A_105 = arith.cmpi ne, %convert_element_type3A_103, %cond3A_104 : i32
      scf.if %cond3A_105 {
        %add3A_166 = arith.constant 2 : i32
        %add3A_167 = arith.addi %mul3A_52, %add3A_166 : i32
        %mul3A_168 = arith.constant 128 : i32
        %mul3A_169 = arith.muli %add3A_167, %mul3A_168 : i32
        %dma_start3A_170 = arith.constant 0 : i32
        %dma_start3A_171 = arith.constant 0 : i32
        %dma_start3A_172 = arith.constant 0 : i32
        %dma_start3A_173 = arith.constant 0 : i32
        %dma_start3A_174 = tpu.memref_slice %arg9[%dma_start3A_170, %dma_start3A_172, %dma_start3A_173] : memref<2x128x128xf32, #tpu.memory_space<vmem>> -> memref<1x128x128xf32, #tpu.memory_space<vmem>>
        %dma_start3A_175 = tpu.memref_squeeze %dma_start3A_174 : memref<1x128x128xf32, #tpu.memory_space<vmem>> -> memref<128x128xf32, #tpu.memory_space<vmem>>
        %dma_start3A_176 = tpu.memref_slice %arg7[%mul3A_169] : memref<3840xi32, #tpu.memory_space<vmem>> -> memref<128xi32, #tpu.memory_space<vmem>>
        %dma_start3A_177 = arith.constant 0 : i32
        %dma_start3A_178 = arith.constant 0 : i32
        %dma_start3A_179 = tpu.memref_slice %arg4[%dma_start3A_177, %dma_start3A_178] : memref<100000x128xf32, #tpu.memory_space<hbm>> -> memref<100000x128xf32, #tpu.memory_space<hbm>>
        %dma_start3A_180 = tpu.memref_slice %arg11[%dma_start3A_171] : memref<2x!tpu.dma_semaphore, #tpu.memory_space<semaphore_mem>> -> memref<1x!tpu.dma_semaphore, #tpu.memory_space<semaphore_mem>>
        %dma_start3A_181 = tpu.memref_squeeze %dma_start3A_180 : memref<1x!tpu.dma_semaphore, #tpu.memory_space<semaphore_mem>> -> memref<!tpu.dma_semaphore, #tpu.memory_space<semaphore_mem>>
        tpu.enqueue_indirect_dma source(%dma_start3A_179 : memref<100000x128xf32, #tpu.memory_space<hbm>>) target(%dma_start3A_175 : memref<128x128xf32, #tpu.memory_space<vmem>>) offsets(%dma_start3A_176 : memref<128xi32, #tpu.memory_space<vmem>>) semaphore(%dma_start3A_181 : memref<!tpu.dma_semaphore, #tpu.memory_space<semaphore_mem>>)
      } else {
      }
      %mul3A_106 = arith.constant 2 : i32
      %mul3A_107 = arith.muli %while3A_50, %mul3A_106 : i32
      %add3A_108 = arith.constant 1 : i32
      %add3A_109 = arith.addi %mul3A_107, %add3A_108 : i32
      %dma_wait3A_110 = arith.constant 1 : i32
      %dma_wait3A_111 = arith.constant 1 : i32
      %dma_wait3A_112 = arith.constant 0 : i32
      %dma_wait3A_113 = arith.constant 0 : i32
      %dma_wait3A_114 = tpu.memref_slice %arg9[%dma_wait3A_110, %dma_wait3A_112, %dma_wait3A_113] : memref<2x128x128xf32, #tpu.memory_space<vmem>> -> memref<1x128x128xf32, #tpu.memory_space<vmem>>
      %dma_wait3A_115 = tpu.memref_squeeze %dma_wait3A_114 : memref<1x128x128xf32, #tpu.memory_space<vmem>> -> memref<128x128xf32, #tpu.memory_space<vmem>>
      %dma_wait3A_116 = arith.constant 0 : i32
      %dma_wait3A_117 = tpu.memref_slice %arg7[%dma_wait3A_116] : memref<3840xi32, #tpu.memory_space<vmem>> -> memref<128xi32, #tpu.memory_space<vmem>>
      %dma_wait3A_118 = arith.constant 0 : i32
      %dma_wait3A_119 = arith.constant 0 : i32
      %dma_wait3A_120 = tpu.memref_slice %arg4[%dma_wait3A_118, %dma_wait3A_119] : memref<100000x128xf32, #tpu.memory_space<hbm>> -> memref<100000x128xf32, #tpu.memory_space<hbm>>
      %dma_wait3A_121 = tpu.memref_slice %arg11[%dma_wait3A_111] : memref<2x!tpu.dma_semaphore, #tpu.memory_space<semaphore_mem>> -> memref<1x!tpu.dma_semaphore, #tpu.memory_space<semaphore_mem>>
      %dma_wait3A_122 = tpu.memref_squeeze %dma_wait3A_121 : memref<1x!tpu.dma_semaphore, #tpu.memory_space<semaphore_mem>> -> memref<!tpu.dma_semaphore, #tpu.memory_space<semaphore_mem>>
      tpu.wait_indirect_dma semaphore(%dma_wait3A_122 : memref<!tpu.dma_semaphore, #tpu.memory_space<semaphore_mem>>) src(%dma_wait3A_120 : memref<100000x128xf32, #tpu.memory_space<hbm>>) dst(%dma_wait3A_115 : memref<128x128xf32, #tpu.memory_space<vmem>>)
      %mul3A_123 = arith.constant 128 : i32
      %mul3A_124 = arith.muli %add3A_109, %mul3A_123 : i32
      %add3A_125 = arith.addi %mul3A_13, %mul3A_124 : i32
      %dma_start3A_126 = arith.constant 1 : i32
      %dma_start3A_127 = arith.constant 1 : i32
      %dma_start3A_128 = arith.constant 0 : i32
      %dma_start3A_129 = arith.constant 0 : i32
      %dma_start3A_130 = tpu.memref_slice %arg9[%dma_start3A_126, %dma_start3A_128, %dma_start3A_129] : memref<2x128x128xf32, #tpu.memory_space<vmem>> -> memref<1x128x128xf32, #tpu.memory_space<vmem>>
      %dma_start3A_131 = tpu.memref_squeeze %dma_start3A_130 : memref<1x128x128xf32, #tpu.memory_space<vmem>> -> memref<128x128xf32, #tpu.memory_space<vmem>>
      %dma_start3A_132 = arith.constant 0 : i32
      %dma_start3A_133 = tpu.memref_slice %arg5[%add3A_125, %dma_start3A_132] : memref<81920x128xf32, #tpu.memory_space<hbm>> -> memref<128x128xf32, #tpu.memory_space<hbm>>
      %dma_start3A_134 = tpu.memref_slice %arg12[%dma_start3A_127] : memref<2x!tpu.dma_semaphore, #tpu.memory_space<semaphore_mem>> -> memref<1x!tpu.dma_semaphore, #tpu.memory_space<semaphore_mem>>
      %dma_start3A_135 = tpu.memref_squeeze %dma_start3A_134 : memref<1x!tpu.dma_semaphore, #tpu.memory_space<semaphore_mem>> -> memref<!tpu.dma_semaphore, #tpu.memory_space<semaphore_mem>>
      %dma_start3A_136 = arith.constant 0 : i32
      %dma_start3A_137 = tpu.memref_slice %arg5[%add3A_125, %dma_start3A_136] : memref<81920x128xf32, #tpu.memory_space<hbm>> -> memref<128x128xf32, #tpu.memory_space<hbm>>
      %dma_start3A_138 = arith.constant 0 : i32
      %dma_start3A_139 = arith.constant 0 : i32
      %dma_start3A_140 = tpu.memref_slice %arg9[%dma_start3A_126, %dma_start3A_138, %dma_start3A_139] : memref<2x128x128xf32, #tpu.memory_space<vmem>> -> memref<1x128x128xf32, #tpu.memory_space<vmem>>
      %dma_start3A_141 = tpu.memref_squeeze %dma_start3A_140 : memref<1x128x128xf32, #tpu.memory_space<vmem>> -> memref<128x128xf32, #tpu.memory_space<vmem>>
      tpu.enqueue_dma source(%dma_start3A_141 : memref<128x128xf32, #tpu.memory_space<vmem>>) target(%dma_start3A_137 : memref<128x128xf32, #tpu.memory_space<hbm>>) target_semaphore(%dma_start3A_135 : memref<!tpu.dma_semaphore, #tpu.memory_space<semaphore_mem>>)
      %dma_wait3A_142 = arith.constant 1 : i32
      %dma_wait3A_143 = arith.constant 1 : i32
      %dma_wait3A_144 = arith.constant 0 : i32
      %dma_wait3A_145 = arith.constant 0 : i32
      %dma_wait3A_146 = tpu.memref_slice %arg9[%dma_wait3A_142, %dma_wait3A_144, %dma_wait3A_145] : memref<2x128x128xf32, #tpu.memory_space<vmem>> -> memref<1x128x128xf32, #tpu.memory_space<vmem>>
      %dma_wait3A_147 = tpu.memref_squeeze %dma_wait3A_146 : memref<1x128x128xf32, #tpu.memory_space<vmem>> -> memref<128x128xf32, #tpu.memory_space<vmem>>
      %dma_wait3A_148 = arith.constant 0 : i32
      %dma_wait3A_149 = arith.constant 0 : i32
      %dma_wait3A_150 = tpu.memref_slice %arg5[%dma_wait3A_148, %dma_wait3A_149] : memref<81920x128xf32, #tpu.memory_space<hbm>> -> memref<128x128xf32, #tpu.memory_space<hbm>>
      %dma_wait3A_151 = tpu.memref_slice %arg12[%dma_wait3A_143] : memref<2x!tpu.dma_semaphore, #tpu.memory_space<semaphore_mem>> -> memref<1x!tpu.dma_semaphore, #tpu.memory_space<semaphore_mem>>
      %dma_wait3A_152 = tpu.memref_squeeze %dma_wait3A_151 : memref<1x!tpu.dma_semaphore, #tpu.memory_space<semaphore_mem>> -> memref<!tpu.dma_semaphore, #tpu.memory_space<semaphore_mem>>
      %dma_wait3A_153 = arith.constant 0 : i32
      %dma_wait3A_154 = arith.constant 0 : i32
      %dma_wait3A_155 = tpu.memref_slice %arg5[%dma_wait3A_153, %dma_wait3A_154] : memref<81920x128xf32, #tpu.memory_space<hbm>> -> memref<128x128xf32, #tpu.memory_space<hbm>>
      %dma_wait3A_156 = arith.constant 0 : i32
      %dma_wait3A_157 = arith.constant 0 : i32
      %dma_wait3A_158 = tpu.memref_slice %arg9[%dma_wait3A_142, %dma_wait3A_156, %dma_wait3A_157] : memref<2x128x128xf32, #tpu.memory_space<vmem>> -> memref<1x128x128xf32, #tpu.memory_space<vmem>>
      %dma_wait3A_159 = tpu.memref_squeeze %dma_wait3A_158 : memref<1x128x128xf32, #tpu.memory_space<vmem>> -> memref<128x128xf32, #tpu.memory_space<vmem>>
      tpu.wait_dma2 semaphore(%dma_wait3A_152 : memref<!tpu.dma_semaphore, #tpu.memory_space<semaphore_mem>>) src(%dma_wait3A_159 : memref<128x128xf32, #tpu.memory_space<vmem>>) dst(%dma_wait3A_155 : memref<128x128xf32, #tpu.memory_space<hbm>>)
      %add3A_160 = arith.constant 2 : i32
      %add3A_161 = arith.addi %add3A_109, %add3A_160 : i32
      %lt3A_162 = arith.cmpi slt, %add3A_161, %select_n3A : i32
      %convert_element_type3A_163 = arith.extui %lt3A_162 : i1 to i32
      %cond3A_164 = arith.constant 0 : i32
      %cond3A_165 = arith.cmpi ne, %convert_element_type3A_163, %cond3A_164 : i32
      scf.if %cond3A_165 {
        %add3A_166 = arith.constant 2 : i32
        %add3A_167 = arith.addi %add3A_109, %add3A_166 : i32
        %mul3A_168 = arith.constant 128 : i32
        %mul3A_169 = arith.muli %add3A_167, %mul3A_168 : i32
        %dma_start3A_170 = arith.constant 1 : i32
        %dma_start3A_171 = arith.constant 1 : i32
        %dma_start3A_172 = arith.constant 0 : i32
        %dma_start3A_173 = arith.constant 0 : i32
        %dma_start3A_174 = tpu.memref_slice %arg9[%dma_start3A_170, %dma_start3A_172, %dma_start3A_173] : memref<2x128x128xf32, #tpu.memory_space<vmem>> -> memref<1x128x128xf32, #tpu.memory_space<vmem>>
        %dma_start3A_175 = tpu.memref_squeeze %dma_start3A_174 : memref<1x128x128xf32, #tpu.memory_space<vmem>> -> memref<128x128xf32, #tpu.memory_space<vmem>>
        %dma_start3A_176 = tpu.memref_slice %arg7[%mul3A_169] : memref<3840xi32, #tpu.memory_space<vmem>> -> memref<128xi32, #tpu.memory_space<vmem>>
        %dma_start3A_177 = arith.constant 0 : i32
        %dma_start3A_178 = arith.constant 0 : i32
        %dma_start3A_179 = tpu.memref_slice %arg4[%dma_start3A_177, %dma_start3A_178] : memref<100000x128xf32, #tpu.memory_space<hbm>> -> memref<100000x128xf32, #tpu.memory_space<hbm>>
        %dma_start3A_180 = tpu.memref_slice %arg11[%dma_start3A_171] : memref<2x!tpu.dma_semaphore, #tpu.memory_space<semaphore_mem>> -> memref<1x!tpu.dma_semaphore, #tpu.memory_space<semaphore_mem>>
        %dma_start3A_181 = tpu.memref_squeeze %dma_start3A_180 : memref<1x!tpu.dma_semaphore, #tpu.memory_space<semaphore_mem>> -> memref<!tpu.dma_semaphore, #tpu.memory_space<semaphore_mem>>
        tpu.enqueue_indirect_dma source(%dma_start3A_179 : memref<100000x128xf32, #tpu.memory_space<hbm>>) target(%dma_start3A_175 : memref<128x128xf32, #tpu.memory_space<vmem>>) offsets(%dma_start3A_176 : memref<128xi32, #tpu.memory_space<vmem>>) semaphore(%dma_start3A_181 : memref<!tpu.dma_semaphore, #tpu.memory_space<semaphore_mem>>)
      } else {
      }
    }
    %while3A_49 = arith.constant 1 : i32
    scf.for %while3A_50 = %while3A_47 to %while3A_43 step %while3A_49  : i32 {
      %mul3A_51 = arith.constant 2 : i32
      %mul3A_52 = arith.muli %while3A_50, %mul3A_51 : i32
      %dma_wait3A = arith.constant 0 : i32
      %dma_wait3A_53 = arith.constant 0 : i32
      %dma_wait3A_54 = arith.constant 0 : i32
      %dma_wait3A_55 = arith.constant 0 : i32
      %dma_wait3A_56 = tpu.memref_slice %arg9[%dma_wait3A, %dma_wait3A_54, %dma_wait3A_55] : memref<2x128x128xf32, #tpu.memory_space<vmem>> -> memref<1x128x128xf32, #tpu.memory_space<vmem>>
      %dma_wait3A_57 = tpu.memref_squeeze %dma_wait3A_56 : memref<1x128x128xf32, #tpu.memory_space<vmem>> -> memref<128x128xf32, #tpu.memory_space<vmem>>
      %dma_wait3A_58 = arith.constant 0 : i32
      %dma_wait3A_59 = tpu.memref_slice %arg7[%dma_wait3A_58] : memref<3840xi32, #tpu.memory_space<vmem>> -> memref<128xi32, #tpu.memory_space<vmem>>
      %dma_wait3A_60 = arith.constant 0 : i32
      %dma_wait3A_61 = arith.constant 0 : i32
      %dma_wait3A_62 = tpu.memref_slice %arg4[%dma_wait3A_60, %dma_wait3A_61] : memref<100000x128xf32, #tpu.memory_space<hbm>> -> memref<100000x128xf32, #tpu.memory_space<hbm>>
      %dma_wait3A_63 = tpu.memref_slice %arg11[%dma_wait3A_53] : memref<2x!tpu.dma_semaphore, #tpu.memory_space<semaphore_mem>> -> memref<1x!tpu.dma_semaphore, #tpu.memory_space<semaphore_mem>>
      %dma_wait3A_64 = tpu.memref_squeeze %dma_wait3A_63 : memref<1x!tpu.dma_semaphore, #tpu.memory_space<semaphore_mem>> -> memref<!tpu.dma_semaphore, #tpu.memory_space<semaphore_mem>>
      tpu.wait_indirect_dma semaphore(%dma_wait3A_64 : memref<!tpu.dma_semaphore, #tpu.memory_space<semaphore_mem>>) src(%dma_wait3A_62 : memref<100000x128xf32, #tpu.memory_space<hbm>>) dst(%dma_wait3A_57 : memref<128x128xf32, #tpu.memory_space<vmem>>)
      %mul3A_65 = arith.constant 128 : i32
      %mul3A_66 = arith.muli %mul3A_52, %mul3A_65 : i32
      %add3A_67 = arith.addi %mul3A_13, %mul3A_66 : i32
      %dma_start3A = arith.constant 0 : i32
      %dma_start3A_68 = arith.constant 0 : i32
      %dma_start3A_69 = arith.constant 0 : i32
      %dma_start3A_70 = arith.constant 0 : i32
      %dma_start3A_71 = tpu.memref_slice %arg9[%dma_start3A, %dma_start3A_69, %dma_start3A_70] : memref<2x128x128xf32, #tpu.memory_space<vmem>> -> memref<1x128x128xf32, #tpu.memory_space<vmem>>
      %dma_start3A_72 = tpu.memref_squeeze %dma_start3A_71 : memref<1x128x128xf32, #tpu.memory_space<vmem>> -> memref<128x128xf32, #tpu.memory_space<vmem>>
      %dma_start3A_73 = arith.constant 0 : i32
      %dma_start3A_74 = tpu.memref_slice %arg5[%add3A_67, %dma_start3A_73] : memref<81920x128xf32, #tpu.memory_space<hbm>> -> memref<128x128xf32, #tpu.memory_space<hbm>>
      %dma_start3A_75 = tpu.memref_slice %arg12[%dma_start3A_68] : memref<2x!tpu.dma_semaphore, #tpu.memory_space<semaphore_mem>> -> memref<1x!tpu.dma_semaphore, #tpu.memory_space<semaphore_mem>>
      %dma_start3A_76 = tpu.memref_squeeze %dma_start3A_75 : memref<1x!tpu.dma_semaphore, #tpu.memory_space<semaphore_mem>> -> memref<!tpu.dma_semaphore, #tpu.memory_space<semaphore_mem>>
      %dma_start3A_77 = arith.constant 0 : i32
      %dma_start3A_78 = tpu.memref_slice %arg5[%add3A_67, %dma_start3A_77] : memref<81920x128xf32, #tpu.memory_space<hbm>> -> memref<128x128xf32, #tpu.memory_space<hbm>>
      %dma_start3A_79 = arith.constant 0 : i32
      %dma_start3A_80 = arith.constant 0 : i32
      %dma_start3A_81 = tpu.memref_slice %arg9[%dma_start3A, %dma_start3A_79, %dma_start3A_80] : memref<2x128x128xf32, #tpu.memory_space<vmem>> -> memref<1x128x128xf32, #tpu.memory_space<vmem>>
      %dma_start3A_82 = tpu.memref_squeeze %dma_start3A_81 : memref<1x128x128xf32, #tpu.memory_space<vmem>> -> memref<128x128xf32, #tpu.memory_space<vmem>>
      tpu.enqueue_dma source(%dma_start3A_82 : memref<128x128xf32, #tpu.memory_space<vmem>>) target(%dma_start3A_78 : memref<128x128xf32, #tpu.memory_space<hbm>>) target_semaphore(%dma_start3A_76 : memref<!tpu.dma_semaphore, #tpu.memory_space<semaphore_mem>>)
      %dma_wait3A_83 = arith.constant 0 : i32
      %dma_wait3A_84 = arith.constant 0 : i32
      %dma_wait3A_85 = arith.constant 0 : i32
      %dma_wait3A_86 = arith.constant 0 : i32
      %dma_wait3A_87 = tpu.memref_slice %arg9[%dma_wait3A_83, %dma_wait3A_85, %dma_wait3A_86] : memref<2x128x128xf32, #tpu.memory_space<vmem>> -> memref<1x128x128xf32, #tpu.memory_space<vmem>>
      %dma_wait3A_88 = tpu.memref_squeeze %dma_wait3A_87 : memref<1x128x128xf32, #tpu.memory_space<vmem>> -> memref<128x128xf32, #tpu.memory_space<vmem>>
      %dma_wait3A_89 = arith.constant 0 : i32
      %dma_wait3A_90 = arith.constant 0 : i32
      %dma_wait3A_91 = tpu.memref_slice %arg5[%dma_wait3A_89, %dma_wait3A_90] : memref<81920x128xf32, #tpu.memory_space<hbm>> -> memref<128x128xf32, #tpu.memory_space<hbm>>
      %dma_wait3A_92 = tpu.memref_slice %arg12[%dma_wait3A_84] : memref<2x!tpu.dma_semaphore, #tpu.memory_space<semaphore_mem>> -> memref<1x!tpu.dma_semaphore, #tpu.memory_space<semaphore_mem>>
      %dma_wait3A_93 = tpu.memref_squeeze %dma_wait3A_92 : memref<1x!tpu.dma_semaphore, #tpu.memory_space<semaphore_mem>> -> memref<!tpu.dma_semaphore, #tpu.memory_space<semaphore_mem>>
      %dma_wait3A_94 = arith.constant 0 : i32
      %dma_wait3A_95 = arith.constant 0 : i32
      %dma_wait3A_96 = tpu.memref_slice %arg5[%dma_wait3A_94, %dma_wait3A_95] : memref<81920x128xf32, #tpu.memory_space<hbm>> -> memref<128x128xf32, #tpu.memory_space<hbm>>
      %dma_wait3A_97 = arith.constant 0 : i32
      %dma_wait3A_98 = arith.constant 0 : i32
      %dma_wait3A_99 = tpu.memref_slice %arg9[%dma_wait3A_83, %dma_wait3A_97, %dma_wait3A_98] : memref<2x128x128xf32, #tpu.memory_space<vmem>> -> memref<1x128x128xf32, #tpu.memory_space<vmem>>
      %dma_wait3A_100 = tpu.memref_squeeze %dma_wait3A_99 : memref<1x128x128xf32, #tpu.memory_space<vmem>> -> memref<128x128xf32, #tpu.memory_space<vmem>>
      tpu.wait_dma2 semaphore(%dma_wait3A_93 : memref<!tpu.dma_semaphore, #tpu.memory_space<semaphore_mem>>) src(%dma_wait3A_100 : memref<128x128xf32, #tpu.memory_space<vmem>>) dst(%dma_wait3A_96 : memref<128x128xf32, #tpu.memory_space<hbm>>)
      %add3A_101 = arith.constant 2 : i32
      %add3A_102 = arith.addi %mul3A_52, %add3A_101 : i32
      %lt3A = arith.cmpi slt, %add3A_102, %select_n3A : i32
      %convert_element_type3A_103 = arith.extui %lt3A : i1 to i32
      %cond3A_104 = arith.constant 0 : i32
      %cond3A_105 = arith.cmpi ne, %convert_element_type3A_103, %cond3A_104 : i32
      scf.if %cond3A_105 {
        %add3A_166 = arith.constant 2 : i32
        %add3A_167 = arith.addi %mul3A_52, %add3A_166 : i32
        %mul3A_168 = arith.constant 128 : i32
        %mul3A_169 = arith.muli %add3A_167, %mul3A_168 : i32
        %dma_start3A_170 = arith.constant 0 : i32
        %dma_start3A_171 = arith.constant 0 : i32
        %dma_start3A_172 = arith.constant 0 : i32
        %dma_start3A_173 = arith.constant 0 : i32
        %dma_start3A_174 = tpu.memref_slice %arg9[%dma_start3A_170, %dma_start3A_172, %dma_start3A_173] : memref<2x128x128xf32, #tpu.memory_space<vmem>> -> memref<1x128x128xf32, #tpu.memory_space<vmem>>
        %dma_start3A_175 = tpu.memref_squeeze %dma_start3A_174 : memref<1x128x128xf32, #tpu.memory_space<vmem>> -> memref<128x128xf32, #tpu.memory_space<vmem>>
        %dma_start3A_176 = tpu.memref_slice %arg7[%mul3A_169] : memref<3840xi32, #tpu.memory_space<vmem>> -> memref<128xi32, #tpu.memory_space<vmem>>
        %dma_start3A_177 = arith.constant 0 : i32
        %dma_start3A_178 = arith.constant 0 : i32
        %dma_start3A_179 = tpu.memref_slice %arg4[%dma_start3A_177, %dma_start3A_178] : memref<100000x128xf32, #tpu.memory_space<hbm>> -> memref<100000x128xf32, #tpu.memory_space<hbm>>
        %dma_start3A_180 = tpu.memref_slice %arg11[%dma_start3A_171] : memref<2x!tpu.dma_semaphore, #tpu.memory_space<semaphore_mem>> -> memref<1x!tpu.dma_semaphore, #tpu.memory_space<semaphore_mem>>
        %dma_start3A_181 = tpu.memref_squeeze %dma_start3A_180 : memref<1x!tpu.dma_semaphore, #tpu.memory_space<semaphore_mem>> -> memref<!tpu.dma_semaphore, #tpu.memory_space<semaphore_mem>>
        tpu.enqueue_indirect_dma source(%dma_start3A_179 : memref<100000x128xf32, #tpu.memory_space<hbm>>) target(%dma_start3A_175 : memref<128x128xf32, #tpu.memory_space<vmem>>) offsets(%dma_start3A_176 : memref<128xi32, #tpu.memory_space<vmem>>) semaphore(%dma_start3A_181 : memref<!tpu.dma_semaphore, #tpu.memory_space<semaphore_mem>>)
      } else {
      }
      %mul3A_106 = arith.constant 2 : i32
      %mul3A_107 = arith.muli %while3A_50, %mul3A_106 : i32
      %add3A_108 = arith.constant 1 : i32
      %add3A_109 = arith.addi %mul3A_107, %add3A_108 : i32
      %dma_wait3A_110 = arith.constant 1 : i32
      %dma_wait3A_111 = arith.constant 1 : i32
      %dma_wait3A_112 = arith.constant 0 : i32
      %dma_wait3A_113 = arith.constant 0 : i32
      %dma_wait3A_114 = tpu.memref_slice %arg9[%dma_wait3A_110, %dma_wait3A_112, %dma_wait3A_113] : memref<2x128x128xf32, #tpu.memory_space<vmem>> -> memref<1x128x128xf32, #tpu.memory_space<vmem>>
      %dma_wait3A_115 = tpu.memref_squeeze %dma_wait3A_114 : memref<1x128x128xf32, #tpu.memory_space<vmem>> -> memref<128x128xf32, #tpu.memory_space<vmem>>
      %dma_wait3A_116 = arith.constant 0 : i32
      %dma_wait3A_117 = tpu.memref_slice %arg7[%dma_wait3A_116] : memref<3840xi32, #tpu.memory_space<vmem>> -> memref<128xi32, #tpu.memory_space<vmem>>
      %dma_wait3A_118 = arith.constant 0 : i32
      %dma_wait3A_119 = arith.constant 0 : i32
      %dma_wait3A_120 = tpu.memref_slice %arg4[%dma_wait3A_118, %dma_wait3A_119] : memref<100000x128xf32, #tpu.memory_space<hbm>> -> memref<100000x128xf32, #tpu.memory_space<hbm>>
      %dma_wait3A_121 = tpu.memref_slice %arg11[%dma_wait3A_111] : memref<2x!tpu.dma_semaphore, #tpu.memory_space<semaphore_mem>> -> memref<1x!tpu.dma_semaphore, #tpu.memory_space<semaphore_mem>>
      %dma_wait3A_122 = tpu.memref_squeeze %dma_wait3A_121 : memref<1x!tpu.dma_semaphore, #tpu.memory_space<semaphore_mem>> -> memref<!tpu.dma_semaphore, #tpu.memory_space<semaphore_mem>>
      tpu.wait_indirect_dma semaphore(%dma_wait3A_122 : memref<!tpu.dma_semaphore, #tpu.memory_space<semaphore_mem>>) src(%dma_wait3A_120 : memref<100000x128xf32, #tpu.memory_space<hbm>>) dst(%dma_wait3A_115 : memref<128x128xf32, #tpu.memory_space<vmem>>)
      %mul3A_123 = arith.constant 128 : i32
      %mul3A_124 = arith.muli %add3A_109, %mul3A_123 : i32
      %add3A_125 = arith.addi %mul3A_13, %mul3A_124 : i32
      %dma_start3A_126 = arith.constant 1 : i32
      %dma_start3A_127 = arith.constant 1 : i32
      %dma_start3A_128 = arith.constant 0 : i32
      %dma_start3A_129 = arith.constant 0 : i32
      %dma_start3A_130 = tpu.memref_slice %arg9[%dma_start3A_126, %dma_start3A_128, %dma_start3A_129] : memref<2x128x128xf32, #tpu.memory_space<vmem>> -> memref<1x128x128xf32, #tpu.memory_space<vmem>>
      %dma_start3A_131 = tpu.memref_squeeze %dma_start3A_130 : memref<1x128x128xf32, #tpu.memory_space<vmem>> -> memref<128x128xf32, #tpu.memory_space<vmem>>
      %dma_start3A_132 = arith.constant 0 : i32
      %dma_start3A_133 = tpu.memref_slice %arg5[%add3A_125, %dma_start3A_132] : memref<81920x128xf32, #tpu.memory_space<hbm>> -> memref<128x128xf32, #tpu.memory_space<hbm>>
      %dma_start3A_134 = tpu.memref_slice %arg12[%dma_start3A_127] : memref<2x!tpu.dma_semaphore, #tpu.memory_space<semaphore_mem>> -> memref<1x!tpu.dma_semaphore, #tpu.memory_space<semaphore_mem>>
      %dma_start3A_135 = tpu.memref_squeeze %dma_start3A_134 : memref<1x!tpu.dma_semaphore, #tpu.memory_space<semaphore_mem>> -> memref<!tpu.dma_semaphore, #tpu.memory_space<semaphore_mem>>
      %dma_start3A_136 = arith.constant 0 : i32
      %dma_start3A_137 = tpu.memref_slice %arg5[%add3A_125, %dma_start3A_136] : memref<81920x128xf32, #tpu.memory_space<hbm>> -> memref<128x128xf32, #tpu.memory_space<hbm>>
      %dma_start3A_138 = arith.constant 0 : i32
      %dma_start3A_139 = arith.constant 0 : i32
      %dma_start3A_140 = tpu.memref_slice %arg9[%dma_start3A_126, %dma_start3A_138, %dma_start3A_139] : memref<2x128x128xf32, #tpu.memory_space<vmem>> -> memref<1x128x128xf32, #tpu.memory_space<vmem>>
      %dma_start3A_141 = tpu.memref_squeeze %dma_start3A_140 : memref<1x128x128xf32, #tpu.memory_space<vmem>> -> memref<128x128xf32, #tpu.memory_space<vmem>>
      tpu.enqueue_dma source(%dma_start3A_141 : memref<128x128xf32, #tpu.memory_space<vmem>>) target(%dma_start3A_137 : memref<128x128xf32, #tpu.memory_space<hbm>>) target_semaphore(%dma_start3A_135 : memref<!tpu.dma_semaphore, #tpu.memory_space<semaphore_mem>>)
      %dma_wait3A_142 = arith.constant 1 : i32
      %dma_wait3A_143 = arith.constant 1 : i32
      %dma_wait3A_144 = arith.constant 0 : i32
      %dma_wait3A_145 = arith.constant 0 : i32
      %dma_wait3A_146 = tpu.memref_slice %arg9[%dma_wait3A_142, %dma_wait3A_144, %dma_wait3A_145] : memref<2x128x128xf32, #tpu.memory_space<vmem>> -> memref<1x128x128xf32, #tpu.memory_space<vmem>>
      %dma_wait3A_147 = tpu.memref_squeeze %dma_wait3A_146 : memref<1x128x128xf32, #tpu.memory_space<vmem>> -> memref<128x128xf32, #tpu.memory_space<vmem>>
      %dma_wait3A_148 = arith.constant 0 : i32
      %dma_wait3A_149 = arith.constant 0 : i32
      %dma_wait3A_150 = tpu.memref_slice %arg5[%dma_wait3A_148, %dma_wait3A_149] : memref<81920x128xf32, #tpu.memory_space<hbm>> -> memref<128x128xf32, #tpu.memory_space<hbm>>
      %dma_wait3A_151 = tpu.memref_slice %arg12[%dma_wait3A_143] : memref<2x!tpu.dma_semaphore, #tpu.memory_space<semaphore_mem>> -> memref<1x!tpu.dma_semaphore, #tpu.memory_space<semaphore_mem>>
      %dma_wait3A_152 = tpu.memref_squeeze %dma_wait3A_151 : memref<1x!tpu.dma_semaphore, #tpu.memory_space<semaphore_mem>> -> memref<!tpu.dma_semaphore, #tpu.memory_space<semaphore_mem>>
      %dma_wait3A_153 = arith.constant 0 : i32
      %dma_wait3A_154 = arith.constant 0 : i32
      %dma_wait3A_155 = tpu.memref_slice %arg5[%dma_wait3A_153, %dma_wait3A_154] : memref<81920x128xf32, #tpu.memory_space<hbm>> -> memref<128x128xf32, #tpu.memory_space<hbm>>
      %dma_wait3A_156 = arith.constant 0 : i32
      %dma_wait3A_157 = arith.constant 0 : i32
      %dma_wait3A_158 = tpu.memref_slice %arg9[%dma_wait3A_142, %dma_wait3A_156, %dma_wait3A_157] : memref<2x128x128xf32, #tpu.memory_space<vmem>> -> memref<1x128x128xf32, #tpu.memory_space<vmem>>
      %dma_wait3A_159 = tpu.memref_squeeze %dma_wait3A_158 : memref<1x128x128xf32, #tpu.memory_space<vmem>> -> memref<128x128xf32, #tpu.memory_space<vmem>>
      tpu.wait_dma2 semaphore(%dma_wait3A_152 : memref<!tpu.dma_semaphore, #tpu.memory_space<semaphore_mem>>) src(%dma_wait3A_159 : memref<128x128xf32, #tpu.memory_space<vmem>>) dst(%dma_wait3A_155 : memref<128x128xf32, #tpu.memory_space<hbm>>)
      %add3A_160 = arith.constant 2 : i32
      %add3A_161 = arith.addi %add3A_109, %add3A_160 : i32
      %lt3A_162 = arith.cmpi slt, %add3A_161, %select_n3A : i32
      %convert_element_type3A_163 = arith.extui %lt3A_162 : i1 to i32
      %cond3A_164 = arith.constant 0 : i32
      %cond3A_165 = arith.cmpi ne, %convert_element_type3A_163, %cond3A_164 : i32
      scf.if %cond3A_165 {
        %add3A_166 = arith.constant 2 : i32
        %add3A_167 = arith.addi %add3A_109, %add3A_166 : i32
        %mul3A_168 = arith.constant 128 : i32
        %mul3A_169 = arith.muli %add3A_167, %mul3A_168 : i32
        %dma_start3A_170 = arith.constant 1 : i32
        %dma_start3A_171 = arith.constant 1 : i32
        %dma_start3A_172 = arith.constant 0 : i32
        %dma_start3A_173 = arith.constant 0 : i32
        %dma_start3A_174 = tpu.memref_slice %arg9[%dma_start3A_170, %dma_start3A_172, %dma_start3A_173] : memref<2x128x128xf32, #tpu.memory_space<vmem>> -> memref<1x128x128xf32, #tpu.memory_space<vmem>>
        %dma_start3A_175 = tpu.memref_squeeze %dma_start3A_174 : memref<1x128x128xf32, #tpu.memory_space<vmem>> -> memref<128x128xf32, #tpu.memory_space<vmem>>
        %dma_start3A_176 = tpu.memref_slice %arg7[%mul3A_169] : memref<3840xi32, #tpu.memory_space<vmem>> -> memref<128xi32, #tpu.memory_space<vmem>>
        %dma_start3A_177 = arith.constant 0 : i32
        %dma_start3A_178 = arith.constant 0 : i32
        %dma_start3A_179 = tpu.memref_slice %arg4[%dma_start3A_177, %dma_start3A_178] : memref<100000x128xf32, #tpu.memory_space<hbm>> -> memref<100000x128xf32, #tpu.memory_space<hbm>>
        %dma_start3A_180 = tpu.memref_slice %arg11[%dma_start3A_171] : memref<2x!tpu.dma_semaphore, #tpu.memory_space<semaphore_mem>> -> memref<1x!tpu.dma_semaphore, #tpu.memory_space<semaphore_mem>>
        %dma_start3A_181 = tpu.memref_squeeze %dma_start3A_180 : memref<1x!tpu.dma_semaphore, #tpu.memory_space<semaphore_mem>> -> memref<!tpu.dma_semaphore, #tpu.memory_space<semaphore_mem>>
        tpu.enqueue_indirect_dma source(%dma_start3A_179 : memref<100000x128xf32, #tpu.memory_space<hbm>>) target(%dma_start3A_175 : memref<128x128xf32, #tpu.memory_space<vmem>>) offsets(%dma_start3A_176 : memref<128xi32, #tpu.memory_space<vmem>>) semaphore(%dma_start3A_181 : memref<!tpu.dma_semaphore, #tpu.memory_space<semaphore_mem>>)
      } else {
      }
    }
    return
  }
}

#map = affine_map<(d0, d1) -> (0)>
#map1 = affine_map<(d0, d1) -> (0, 0)>
module attributes {stable_mosaic.version = 14 : i64} {
  func.func @_sc_gather_body(%arg0: i32, %arg1: i32, %arg2: memref<81920xi32, #tpu.memory_space<hbm>>, %arg3: memref<256x40xi32, #tpu.memory_space<hbm>>, %arg4: memref<100000x128xf32, #tpu.memory_space<hbm>>, %arg5: memref<81920x128xf32, #tpu.memory_space<hbm>>, %arg6: memref<10240x128xf32, #tpu.memory_space<hbm>>, %arg7: memref<3840xi32, #tpu.memory_space<vmem>>, %arg8: memref<8x40xi32, #tpu.memory_space<vmem>>, %arg9: memref<2x128x128xf32, #tpu.memory_space<vmem>>, %arg10: memref<40x128xf32, #tpu.memory_space<vmem>>, %arg11: memref<2x!tpu.dma_semaphore, #tpu.memory_space<semaphore_mem>>, %arg12: memref<2x!tpu.dma_semaphore, #tpu.memory_space<semaphore_mem>>) attributes {dimension_semantics = [#tpu.dimension_semantics<core_parallel>, #tpu.dimension_semantics<subcore_parallel>], iteration_bounds = array<i64: 2, 16>, scalar_prefetch = 0 : i64, scratch_operands = 6 : i64, tpu.core_type = #tpu.core_type<sc_vector_subcore>, window_params = [{transform_indices = #map}, {transform_indices = #map1}, {transform_indices = #map1}, {transform_indices = #map1}, {transform_indices = #map1}]} {
    %mul3A = arith.constant 2 : i32
    %mul3A_0 = arith.muli %arg1, %mul3A : i32
    %add3A = arith.addi %mul3A_0, %arg0 : i32
    %eq3A = arith.constant 0 : i32
    %eq3A_1 = arith.cmpi eq, %arg0, %eq3A : i32
    %jit3A = arith.constant 30 : i32
    %jit3A_2 = arith.constant 10 : i32
    %select_n3A = arith.select %eq3A_1, %jit3A, %jit3A_2 : i32
    %eq3A_3 = arith.constant 0 : i32
    %eq3A_4 = arith.cmpi eq, %arg0, %eq3A_3 : i32
    %mul3A_5 = arith.constant 30 : i32
    %mul3A_6 = arith.muli %arg1, %mul3A_5 : i32
    %mul3A_7 = arith.constant 10 : i32
    %mul3A_8 = arith.muli %arg1, %mul3A_7 : i32
    %add3A_9 = arith.constant 480 : i32
    %add3A_10 = arith.addi %add3A_9, %mul3A_8 : i32
    %select_n3A_11 = arith.select %eq3A_4, %mul3A_6, %add3A_10 : i32
    %mul3A_12 = arith.constant 128 : i32
    %mul3A_13 = arith.muli %select_n3A_11, %mul3A_12 : i32
    "tpu.region"() ({
      %run_scoped3A = tpu.sem_alloc : memref<!tpu.dma_semaphore, #tpu.memory_space<semaphore_mem>>
      %dma_start3A = arith.constant 0 : i32
      %dma_start3A_57 = tpu.memref_slice %arg7[%dma_start3A] : memref<3840xi32, #tpu.memory_space<vmem>> -> memref<1280xi32, #tpu.memory_space<vmem>>
      %dma_start3A_58 = tpu.memref_slice %arg2[%mul3A_13] : memref<81920xi32, #tpu.memory_space<hbm>> -> memref<1280xi32, #tpu.memory_space<hbm>>
      %dma_start3A_59 = arith.constant 0 : i32
      %dma_start3A_60 = tpu.memref_slice %arg7[%dma_start3A_59] : memref<3840xi32, #tpu.memory_space<vmem>> -> memref<1280xi32, #tpu.memory_space<vmem>>
      %dma_start3A_61 = tpu.memref_slice %arg2[%mul3A_13] : memref<81920xi32, #tpu.memory_space<hbm>> -> memref<1280xi32, #tpu.memory_space<hbm>>
      tpu.enqueue_dma source(%dma_start3A_61 : memref<1280xi32, #tpu.memory_space<hbm>>) target(%dma_start3A_60 : memref<1280xi32, #tpu.memory_space<vmem>>) target_semaphore(%run_scoped3A : memref<!tpu.dma_semaphore, #tpu.memory_space<semaphore_mem>>)
      %dma_wait3A = arith.constant 0 : i32
      %dma_wait3A_62 = tpu.memref_slice %arg7[%dma_wait3A] : memref<3840xi32, #tpu.memory_space<vmem>> -> memref<1280xi32, #tpu.memory_space<vmem>>
      %dma_wait3A_63 = tpu.memref_slice %arg2[%mul3A_13] : memref<81920xi32, #tpu.memory_space<hbm>> -> memref<1280xi32, #tpu.memory_space<hbm>>
      %dma_wait3A_64 = arith.constant 0 : i32
      %dma_wait3A_65 = tpu.memref_slice %arg7[%dma_wait3A_64] : memref<3840xi32, #tpu.memory_space<vmem>> -> memref<1280xi32, #tpu.memory_space<vmem>>
      %dma_wait3A_66 = tpu.memref_slice %arg2[%mul3A_13] : memref<81920xi32, #tpu.memory_space<hbm>> -> memref<1280xi32, #tpu.memory_space<hbm>>
      tpu.wait_dma2 semaphore(%run_scoped3A : memref<!tpu.dma_semaphore, #tpu.memory_space<semaphore_mem>>) src(%dma_wait3A_66 : memref<1280xi32, #tpu.memory_space<hbm>>) dst(%dma_wait3A_65 : memref<1280xi32, #tpu.memory_space<vmem>>)
      tpu.yield
    }) : () -> ()
    %eq3A_14 = arith.constant 0 : i32
    %eq3A_15 = arith.cmpi eq, %arg0, %eq3A_14 : i32
    %convert_element_type3A = arith.extui %eq3A_15 : i1 to i32
    %cond3A = arith.constant 0 : i32
    %cond3A_16 = arith.cmpi ne, %convert_element_type3A, %cond3A : i32
    scf.if %cond3A_16 {
      %add3A_57 = arith.constant 1280 : i32
      %add3A_58 = arith.addi %mul3A_13, %add3A_57 : i32
      "tpu.region"() ({
        %run_scoped3A = tpu.sem_alloc : memref<!tpu.dma_semaphore, #tpu.memory_space<semaphore_mem>>
        %dma_start3A = arith.constant 1280 : i32
        %dma_start3A_59 = tpu.memref_slice %arg7[%dma_start3A] : memref<3840xi32, #tpu.memory_space<vmem>> -> memref<2560xi32, #tpu.memory_space<vmem>>
        %dma_start3A_60 = tpu.memref_slice %arg2[%add3A_58] : memref<81920xi32, #tpu.memory_space<hbm>> -> memref<2560xi32, #tpu.memory_space<hbm>>
        %dma_start3A_61 = arith.constant 1280 : i32
        %dma_start3A_62 = tpu.memref_slice %arg7[%dma_start3A_61] : memref<3840xi32, #tpu.memory_space<vmem>> -> memref<2560xi32, #tpu.memory_space<vmem>>
        %dma_start3A_63 = tpu.memref_slice %arg2[%add3A_58] : memref<81920xi32, #tpu.memory_space<hbm>> -> memref<2560xi32, #tpu.memory_space<hbm>>
        tpu.enqueue_dma source(%dma_start3A_63 : memref<2560xi32, #tpu.memory_space<hbm>>) target(%dma_start3A_62 : memref<2560xi32, #tpu.memory_space<vmem>>) target_semaphore(%run_scoped3A : memref<!tpu.dma_semaphore, #tpu.memory_space<semaphore_mem>>)
        %dma_wait3A = arith.constant 1280 : i32
        %dma_wait3A_64 = tpu.memref_slice %arg7[%dma_wait3A] : memref<3840xi32, #tpu.memory_space<vmem>> -> memref<2560xi32, #tpu.memory_space<vmem>>
        %dma_wait3A_65 = tpu.memref_slice %arg2[%add3A_58] : memref<81920xi32, #tpu.memory_space<hbm>> -> memref<2560xi32, #tpu.memory_space<hbm>>
        %dma_wait3A_66 = arith.constant 1280 : i32
        %dma_wait3A_67 = tpu.memref_slice %arg7[%dma_wait3A_66] : memref<3840xi32, #tpu.memory_space<vmem>> -> memref<2560xi32, #tpu.memory_space<vmem>>
        %dma_wait3A_68 = tpu.memref_slice %arg2[%add3A_58] : memref<81920xi32, #tpu.memory_space<hbm>> -> memref<2560xi32, #tpu.memory_space<hbm>>
        tpu.wait_dma2 semaphore(%run_scoped3A : memref<!tpu.dma_semaphore, #tpu.memory_space<semaphore_mem>>) src(%dma_wait3A_68 : memref<2560xi32, #tpu.memory_space<hbm>>) dst(%dma_wait3A_67 : memref<2560xi32, #tpu.memory_space<vmem>>)
        tpu.yield
      }) : () -> ()
    } else {
    }
    %gt3A = arith.constant 0 : i32
    %gt3A_17 = arith.cmpi sgt, %select_n3A, %gt3A : i32
    %convert_element_type3A_18 = arith.extui %gt3A_17 : i1 to i32
    %cond3A_19 = arith.constant 0 : i32
    %cond3A_20 = arith.cmpi ne, %convert_element_type3A_18, %cond3A_19 : i32
    scf.if %cond3A_20 {
      %dma_start3A = arith.constant 0 : i32
      %dma_start3A_57 = arith.constant 0 : i32
      %dma_start3A_58 = arith.constant 0 : i32
      %dma_start3A_59 = arith.constant 0 : i32
      %dma_start3A_60 = tpu.memref_slice %arg9[%dma_start3A, %dma_start3A_58, %dma_start3A_59] : memref<2x128x128xf32, #tpu.memory_space<vmem>> -> memref<1x128x128xf32, #tpu.memory_space<vmem>>
      %dma_start3A_61 = tpu.memref_squeeze %dma_start3A_60 : memref<1x128x128xf32, #tpu.memory_space<vmem>> -> memref<128x128xf32, #tpu.memory_space<vmem>>
      %dma_start3A_62 = arith.constant 0 : i32
      %dma_start3A_63 = tpu.memref_slice %arg7[%dma_start3A_62] : memref<3840xi32, #tpu.memory_space<vmem>> -> memref<128xi32, #tpu.memory_space<vmem>>
      %dma_start3A_64 = arith.constant 0 : i32
      %dma_start3A_65 = arith.constant 0 : i32
      %dma_start3A_66 = tpu.memref_slice %arg4[%dma_start3A_64, %dma_start3A_65] : memref<100000x128xf32, #tpu.memory_space<hbm>> -> memref<100000x128xf32, #tpu.memory_space<hbm>>
      %dma_start3A_67 = tpu.memref_slice %arg11[%dma_start3A_57] : memref<2x!tpu.dma_semaphore, #tpu.memory_space<semaphore_mem>> -> memref<1x!tpu.dma_semaphore, #tpu.memory_space<semaphore_mem>>
      %dma_start3A_68 = tpu.memref_squeeze %dma_start3A_67 : memref<1x!tpu.dma_semaphore, #tpu.memory_space<semaphore_mem>> -> memref<!tpu.dma_semaphore, #tpu.memory_space<semaphore_mem>>
      tpu.enqueue_indirect_dma source(%dma_start3A_66 : memref<100000x128xf32, #tpu.memory_space<hbm>>) target(%dma_start3A_61 : memref<128x128xf32, #tpu.memory_space<vmem>>) offsets(%dma_start3A_63 : memref<128xi32, #tpu.memory_space<vmem>>) semaphore(%dma_start3A_68 : memref<!tpu.dma_semaphore, #tpu.memory_space<semaphore_mem>>)
      %dma_start3A_69 = arith.constant 1 : i32
      %dma_start3A_70 = arith.constant 1 : i32
      %dma_start3A_71 = arith.constant 0 : i32
      %dma_start3A_72 = arith.constant 0 : i32
      %dma_start3A_73 = tpu.memref_slice %arg9[%dma_start3A_69, %dma_start3A_71, %dma_start3A_72] : memref<2x128x128xf32, #tpu.memory_space<vmem>> -> memref<1x128x128xf32, #tpu.memory_space<vmem>>
      %dma_start3A_74 = tpu.memref_squeeze %dma_start3A_73 : memref<1x128x128xf32, #tpu.memory_space<vmem>> -> memref<128x128xf32, #tpu.memory_space<vmem>>
      %dma_start3A_75 = arith.constant 128 : i32
      %dma_start3A_76 = tpu.memref_slice %arg7[%dma_start3A_75] : memref<3840xi32, #tpu.memory_space<vmem>> -> memref<128xi32, #tpu.memory_space<vmem>>
      %dma_start3A_77 = arith.constant 0 : i32
      %dma_start3A_78 = arith.constant 0 : i32
      %dma_start3A_79 = tpu.memref_slice %arg4[%dma_start3A_77, %dma_start3A_78] : memref<100000x128xf32, #tpu.memory_space<hbm>> -> memref<100000x128xf32, #tpu.memory_space<hbm>>
      %dma_start3A_80 = tpu.memref_slice %arg11[%dma_start3A_70] : memref<2x!tpu.dma_semaphore, #tpu.memory_space<semaphore_mem>> -> memref<1x!tpu.dma_semaphore, #tpu.memory_space<semaphore_mem>>
      %dma_start3A_81 = tpu.memref_squeeze %dma_start3A_80 : memref<1x!tpu.dma_semaphore, #tpu.memory_space<semaphore_mem>> -> memref<!tpu.dma_semaphore, #tpu.memory_space<semaphore_mem>>
      tpu.enqueue_indirect_dma source(%dma_start3A_79 : memref<100000x128xf32, #tpu.memory_space<hbm>>) target(%dma_start3A_74 : memref<128x128xf32, #tpu.memory_space<vmem>>) offsets(%dma_start3A_76 : memref<128xi32, #tpu.memory_space<vmem>>) semaphore(%dma_start3A_81 : memref<!tpu.dma_semaphore, #tpu.memory_space<semaphore_mem>>)
    } else {
    }
    %add3A_21 = arith.constant 1 : i32
    %add3A_22 = arith.addi %select_n3A, %add3A_21 : i32
    %jit3A_23 = arith.constant 2 : i32
    %div3A = arith.divsi %add3A_22, %jit3A_23 : i32
    %sign3A = arith.constant 0 : i32
    %sign3A_24 = arith.cmpi sgt, %add3A_22, %sign3A : i32
    %sign3A_25 = arith.extui %sign3A_24 : i1 to i32
    %sign3A_26 = arith.constant 0 : i32
    %sign3A_27 = arith.cmpi slt, %add3A_22, %sign3A_26 : i32
    %sign3A_28 = arith.extui %sign3A_27 : i1 to i32
    %sign3A_29 = arith.subi %sign3A_25, %sign3A_28 : i32
    %sign3A_30 = arith.constant 0 : i32
    %sign3A_31 = arith.cmpi sgt, %jit3A_23, %sign3A_30 : i32
    %sign3A_32 = arith.extui %sign3A_31 : i1 to i32
    %sign3A_33 = arith.constant 0 : i32
    %sign3A_34 = arith.cmpi slt, %jit3A_23, %sign3A_33 : i32
    %sign3A_35 = arith.extui %sign3A_34 : i1 to i32
    %sign3A_36 = arith.subi %sign3A_32, %sign3A_35 : i32
    %ne3A = arith.cmpi ne, %sign3A_29, %sign3A_36 : i32
    %rem3A = arith.remsi %add3A_22, %jit3A_23 : i32
    %ne3A_37 = arith.constant 0 : i32
    %ne3A_38 = arith.cmpi ne, %rem3A, %ne3A_37 : i32
    %and3A = arith.andi %ne3A, %ne3A_38 : i1
    %sub3A = arith.constant 1 : i32
    %sub3A_39 = arith.subi %div3A, %sub3A : i32
    %select_n3A_40 = arith.select %and3A, %sub3A_39, %div3A : i32
    %while3A = arith.constant 0 : i32
    %while3A_41 = arith.constant 0 : i32
    %while3A_42 = arith.subi %select_n3A_40, %while3A_41 : i32
    %while3A_43 = arith.addi %while3A_41, %while3A_42 : i32
    %while3A_44 = arith.constant 1 : i32
    %while3A_45 = arith.divsi %while3A_42, %while3A_44 : i32
    %while3A_46 = arith.muli %while3A_45, %while3A_44 : i32
    %while3A_47 = arith.addi %while3A_41, %while3A_46 : i32
    %while3A_48 = arith.constant 1 : i32
    scf.for %while3A_57 = %while3A_41 to %while3A_47 step %while3A_48  : i32 {
      %mul3A_58 = arith.constant 2 : i32
      %mul3A_59 = arith.muli %while3A_57, %mul3A_58 : i32
      %dma_wait3A = arith.constant 0 : i32
      %dma_wait3A_60 = arith.constant 0 : i32
      %dma_wait3A_61 = arith.constant 0 : i32
      %dma_wait3A_62 = arith.constant 0 : i32
      %dma_wait3A_63 = tpu.memref_slice %arg9[%dma_wait3A, %dma_wait3A_61, %dma_wait3A_62] : memref<2x128x128xf32, #tpu.memory_space<vmem>> -> memref<1x128x128xf32, #tpu.memory_space<vmem>>
      %dma_wait3A_64 = tpu.memref_squeeze %dma_wait3A_63 : memref<1x128x128xf32, #tpu.memory_space<vmem>> -> memref<128x128xf32, #tpu.memory_space<vmem>>
      %dma_wait3A_65 = arith.constant 0 : i32
      %dma_wait3A_66 = tpu.memref_slice %arg7[%dma_wait3A_65] : memref<3840xi32, #tpu.memory_space<vmem>> -> memref<128xi32, #tpu.memory_space<vmem>>
      %dma_wait3A_67 = arith.constant 0 : i32
      %dma_wait3A_68 = arith.constant 0 : i32
      %dma_wait3A_69 = tpu.memref_slice %arg4[%dma_wait3A_67, %dma_wait3A_68] : memref<100000x128xf32, #tpu.memory_space<hbm>> -> memref<100000x128xf32, #tpu.memory_space<hbm>>
      %dma_wait3A_70 = tpu.memref_slice %arg11[%dma_wait3A_60] : memref<2x!tpu.dma_semaphore, #tpu.memory_space<semaphore_mem>> -> memref<1x!tpu.dma_semaphore, #tpu.memory_space<semaphore_mem>>
      %dma_wait3A_71 = tpu.memref_squeeze %dma_wait3A_70 : memref<1x!tpu.dma_semaphore, #tpu.memory_space<semaphore_mem>> -> memref<!tpu.dma_semaphore, #tpu.memory_space<semaphore_mem>>
      tpu.wait_indirect_dma semaphore(%dma_wait3A_71 : memref<!tpu.dma_semaphore, #tpu.memory_space<semaphore_mem>>) src(%dma_wait3A_69 : memref<100000x128xf32, #tpu.memory_space<hbm>>) dst(%dma_wait3A_64 : memref<128x128xf32, #tpu.memory_space<vmem>>)
      %mul3A_72 = arith.constant 128 : i32
      %mul3A_73 = arith.muli %mul3A_59, %mul3A_72 : i32
      %add3A_74 = arith.addi %mul3A_13, %mul3A_73 : i32
      %dma_start3A = arith.constant 0 : i32
      %dma_start3A_75 = arith.constant 0 : i32
      %dma_start3A_76 = arith.constant 0 : i32
      %dma_start3A_77 = arith.constant 0 : i32
      %dma_start3A_78 = tpu.memref_slice %arg9[%dma_start3A, %dma_start3A_76, %dma_start3A_77] : memref<2x128x128xf32, #tpu.memory_space<vmem>> -> memref<1x128x128xf32, #tpu.memory_space<vmem>>
      %dma_start3A_79 = tpu.memref_squeeze %dma_start3A_78 : memref<1x128x128xf32, #tpu.memory_space<vmem>> -> memref<128x128xf32, #tpu.memory_space<vmem>>
      %dma_start3A_80 = arith.constant 0 : i32
      %dma_start3A_81 = tpu.memref_slice %arg5[%add3A_74, %dma_start3A_80] : memref<81920x128xf32, #tpu.memory_space<hbm>> -> memref<128x128xf32, #tpu.memory_space<hbm>>
      %dma_start3A_82 = tpu.memref_slice %arg12[%dma_start3A_75] : memref<2x!tpu.dma_semaphore, #tpu.memory_space<semaphore_mem>> -> memref<1x!tpu.dma_semaphore, #tpu.memory_space<semaphore_mem>>
      %dma_start3A_83 = tpu.memref_squeeze %dma_start3A_82 : memref<1x!tpu.dma_semaphore, #tpu.memory_space<semaphore_mem>> -> memref<!tpu.dma_semaphore, #tpu.memory_space<semaphore_mem>>
      %dma_start3A_84 = arith.constant 0 : i32
      %dma_start3A_85 = tpu.memref_slice %arg5[%add3A_74, %dma_start3A_84] : memref<81920x128xf32, #tpu.memory_space<hbm>> -> memref<128x128xf32, #tpu.memory_space<hbm>>
      %dma_start3A_86 = arith.constant 0 : i32
      %dma_start3A_87 = arith.constant 0 : i32
      %dma_start3A_88 = tpu.memref_slice %arg9[%dma_start3A, %dma_start3A_86, %dma_start3A_87] : memref<2x128x128xf32, #tpu.memory_space<vmem>> -> memref<1x128x128xf32, #tpu.memory_space<vmem>>
      %dma_start3A_89 = tpu.memref_squeeze %dma_start3A_88 : memref<1x128x128xf32, #tpu.memory_space<vmem>> -> memref<128x128xf32, #tpu.memory_space<vmem>>
      tpu.enqueue_dma source(%dma_start3A_89 : memref<128x128xf32, #tpu.memory_space<vmem>>) target(%dma_start3A_85 : memref<128x128xf32, #tpu.memory_space<hbm>>) target_semaphore(%dma_start3A_83 : memref<!tpu.dma_semaphore, #tpu.memory_space<semaphore_mem>>)
      %dma_wait3A_90 = arith.constant 0 : i32
      %dma_wait3A_91 = arith.constant 0 : i32
      %dma_wait3A_92 = arith.constant 0 : i32
      %dma_wait3A_93 = arith.constant 0 : i32
      %dma_wait3A_94 = tpu.memref_slice %arg9[%dma_wait3A_90, %dma_wait3A_92, %dma_wait3A_93] : memref<2x128x128xf32, #tpu.memory_space<vmem>> -> memref<1x128x128xf32, #tpu.memory_space<vmem>>
      %dma_wait3A_95 = tpu.memref_squeeze %dma_wait3A_94 : memref<1x128x128xf32, #tpu.memory_space<vmem>> -> memref<128x128xf32, #tpu.memory_space<vmem>>
      %dma_wait3A_96 = arith.constant 0 : i32
      %dma_wait3A_97 = arith.constant 0 : i32
      %dma_wait3A_98 = tpu.memref_slice %arg5[%dma_wait3A_96, %dma_wait3A_97] : memref<81920x128xf32, #tpu.memory_space<hbm>> -> memref<128x128xf32, #tpu.memory_space<hbm>>
      %dma_wait3A_99 = tpu.memref_slice %arg12[%dma_wait3A_91] : memref<2x!tpu.dma_semaphore, #tpu.memory_space<semaphore_mem>> -> memref<1x!tpu.dma_semaphore, #tpu.memory_space<semaphore_mem>>
      %dma_wait3A_100 = tpu.memref_squeeze %dma_wait3A_99 : memref<1x!tpu.dma_semaphore, #tpu.memory_space<semaphore_mem>> -> memref<!tpu.dma_semaphore, #tpu.memory_space<semaphore_mem>>
      %dma_wait3A_101 = arith.constant 0 : i32
      %dma_wait3A_102 = arith.constant 0 : i32
      %dma_wait3A_103 = tpu.memref_slice %arg5[%dma_wait3A_101, %dma_wait3A_102] : memref<81920x128xf32, #tpu.memory_space<hbm>> -> memref<128x128xf32, #tpu.memory_space<hbm>>
      %dma_wait3A_104 = arith.constant 0 : i32
      %dma_wait3A_105 = arith.constant 0 : i32
      %dma_wait3A_106 = tpu.memref_slice %arg9[%dma_wait3A_90, %dma_wait3A_104, %dma_wait3A_105] : memref<2x128x128xf32, #tpu.memory_space<vmem>> -> memref<1x128x128xf32, #tpu.memory_space<vmem>>
      %dma_wait3A_107 = tpu.memref_squeeze %dma_wait3A_106 : memref<1x128x128xf32, #tpu.memory_space<vmem>> -> memref<128x128xf32, #tpu.memory_space<vmem>>
      tpu.wait_dma2 semaphore(%dma_wait3A_100 : memref<!tpu.dma_semaphore, #tpu.memory_space<semaphore_mem>>) src(%dma_wait3A_107 : memref<128x128xf32, #tpu.memory_space<vmem>>) dst(%dma_wait3A_103 : memref<128x128xf32, #tpu.memory_space<hbm>>)
      %add3A_108 = arith.constant 2 : i32
      %add3A_109 = arith.addi %mul3A_59, %add3A_108 : i32
      %lt3A = arith.cmpi slt, %add3A_109, %select_n3A : i32
      %convert_element_type3A_110 = arith.extui %lt3A : i1 to i32
      %cond3A_111 = arith.constant 0 : i32
      %cond3A_112 = arith.cmpi ne, %convert_element_type3A_110, %cond3A_111 : i32
      scf.if %cond3A_112 {
        %add3A_173 = arith.constant 2 : i32
        %add3A_174 = arith.addi %mul3A_59, %add3A_173 : i32
        %mul3A_175 = arith.constant 128 : i32
        %mul3A_176 = arith.muli %add3A_174, %mul3A_175 : i32
        %dma_start3A_177 = arith.constant 0 : i32
        %dma_start3A_178 = arith.constant 0 : i32
        %dma_start3A_179 = arith.constant 0 : i32
        %dma_start3A_180 = arith.constant 0 : i32
        %dma_start3A_181 = tpu.memref_slice %arg9[%dma_start3A_177, %dma_start3A_179, %dma_start3A_180] : memref<2x128x128xf32, #tpu.memory_space<vmem>> -> memref<1x128x128xf32, #tpu.memory_space<vmem>>
        %dma_start3A_182 = tpu.memref_squeeze %dma_start3A_181 : memref<1x128x128xf32, #tpu.memory_space<vmem>> -> memref<128x128xf32, #tpu.memory_space<vmem>>
        %dma_start3A_183 = tpu.memref_slice %arg7[%mul3A_176] : memref<3840xi32, #tpu.memory_space<vmem>> -> memref<128xi32, #tpu.memory_space<vmem>>
        %dma_start3A_184 = arith.constant 0 : i32
        %dma_start3A_185 = arith.constant 0 : i32
        %dma_start3A_186 = tpu.memref_slice %arg4[%dma_start3A_184, %dma_start3A_185] : memref<100000x128xf32, #tpu.memory_space<hbm>> -> memref<100000x128xf32, #tpu.memory_space<hbm>>
        %dma_start3A_187 = tpu.memref_slice %arg11[%dma_start3A_178] : memref<2x!tpu.dma_semaphore, #tpu.memory_space<semaphore_mem>> -> memref<1x!tpu.dma_semaphore, #tpu.memory_space<semaphore_mem>>
        %dma_start3A_188 = tpu.memref_squeeze %dma_start3A_187 : memref<1x!tpu.dma_semaphore, #tpu.memory_space<semaphore_mem>> -> memref<!tpu.dma_semaphore, #tpu.memory_space<semaphore_mem>>
        tpu.enqueue_indirect_dma source(%dma_start3A_186 : memref<100000x128xf32, #tpu.memory_space<hbm>>) target(%dma_start3A_182 : memref<128x128xf32, #tpu.memory_space<vmem>>) offsets(%dma_start3A_183 : memref<128xi32, #tpu.memory_space<vmem>>) semaphore(%dma_start3A_188 : memref<!tpu.dma_semaphore, #tpu.memory_space<semaphore_mem>>)
      } else {
      }
      %mul3A_113 = arith.constant 2 : i32
      %mul3A_114 = arith.muli %while3A_57, %mul3A_113 : i32
      %add3A_115 = arith.constant 1 : i32
      %add3A_116 = arith.addi %mul3A_114, %add3A_115 : i32
      %dma_wait3A_117 = arith.constant 1 : i32
      %dma_wait3A_118 = arith.constant 1 : i32
      %dma_wait3A_119 = arith.constant 0 : i32
      %dma_wait3A_120 = arith.constant 0 : i32
      %dma_wait3A_121 = tpu.memref_slice %arg9[%dma_wait3A_117, %dma_wait3A_119, %dma_wait3A_120] : memref<2x128x128xf32, #tpu.memory_space<vmem>> -> memref<1x128x128xf32, #tpu.memory_space<vmem>>
      %dma_wait3A_122 = tpu.memref_squeeze %dma_wait3A_121 : memref<1x128x128xf32, #tpu.memory_space<vmem>> -> memref<128x128xf32, #tpu.memory_space<vmem>>
      %dma_wait3A_123 = arith.constant 0 : i32
      %dma_wait3A_124 = tpu.memref_slice %arg7[%dma_wait3A_123] : memref<3840xi32, #tpu.memory_space<vmem>> -> memref<128xi32, #tpu.memory_space<vmem>>
      %dma_wait3A_125 = arith.constant 0 : i32
      %dma_wait3A_126 = arith.constant 0 : i32
      %dma_wait3A_127 = tpu.memref_slice %arg4[%dma_wait3A_125, %dma_wait3A_126] : memref<100000x128xf32, #tpu.memory_space<hbm>> -> memref<100000x128xf32, #tpu.memory_space<hbm>>
      %dma_wait3A_128 = tpu.memref_slice %arg11[%dma_wait3A_118] : memref<2x!tpu.dma_semaphore, #tpu.memory_space<semaphore_mem>> -> memref<1x!tpu.dma_semaphore, #tpu.memory_space<semaphore_mem>>
      %dma_wait3A_129 = tpu.memref_squeeze %dma_wait3A_128 : memref<1x!tpu.dma_semaphore, #tpu.memory_space<semaphore_mem>> -> memref<!tpu.dma_semaphore, #tpu.memory_space<semaphore_mem>>
      tpu.wait_indirect_dma semaphore(%dma_wait3A_129 : memref<!tpu.dma_semaphore, #tpu.memory_space<semaphore_mem>>) src(%dma_wait3A_127 : memref<100000x128xf32, #tpu.memory_space<hbm>>) dst(%dma_wait3A_122 : memref<128x128xf32, #tpu.memory_space<vmem>>)
      %mul3A_130 = arith.constant 128 : i32
      %mul3A_131 = arith.muli %add3A_116, %mul3A_130 : i32
      %add3A_132 = arith.addi %mul3A_13, %mul3A_131 : i32
      %dma_start3A_133 = arith.constant 1 : i32
      %dma_start3A_134 = arith.constant 1 : i32
      %dma_start3A_135 = arith.constant 0 : i32
      %dma_start3A_136 = arith.constant 0 : i32
      %dma_start3A_137 = tpu.memref_slice %arg9[%dma_start3A_133, %dma_start3A_135, %dma_start3A_136] : memref<2x128x128xf32, #tpu.memory_space<vmem>> -> memref<1x128x128xf32, #tpu.memory_space<vmem>>
      %dma_start3A_138 = tpu.memref_squeeze %dma_start3A_137 : memref<1x128x128xf32, #tpu.memory_space<vmem>> -> memref<128x128xf32, #tpu.memory_space<vmem>>
      %dma_start3A_139 = arith.constant 0 : i32
      %dma_start3A_140 = tpu.memref_slice %arg5[%add3A_132, %dma_start3A_139] : memref<81920x128xf32, #tpu.memory_space<hbm>> -> memref<128x128xf32, #tpu.memory_space<hbm>>
      %dma_start3A_141 = tpu.memref_slice %arg12[%dma_start3A_134] : memref<2x!tpu.dma_semaphore, #tpu.memory_space<semaphore_mem>> -> memref<1x!tpu.dma_semaphore, #tpu.memory_space<semaphore_mem>>
      %dma_start3A_142 = tpu.memref_squeeze %dma_start3A_141 : memref<1x!tpu.dma_semaphore, #tpu.memory_space<semaphore_mem>> -> memref<!tpu.dma_semaphore, #tpu.memory_space<semaphore_mem>>
      %dma_start3A_143 = arith.constant 0 : i32
      %dma_start3A_144 = tpu.memref_slice %arg5[%add3A_132, %dma_start3A_143] : memref<81920x128xf32, #tpu.memory_space<hbm>> -> memref<128x128xf32, #tpu.memory_space<hbm>>
      %dma_start3A_145 = arith.constant 0 : i32
      %dma_start3A_146 = arith.constant 0 : i32
      %dma_start3A_147 = tpu.memref_slice %arg9[%dma_start3A_133, %dma_start3A_145, %dma_start3A_146] : memref<2x128x128xf32, #tpu.memory_space<vmem>> -> memref<1x128x128xf32, #tpu.memory_space<vmem>>
      %dma_start3A_148 = tpu.memref_squeeze %dma_start3A_147 : memref<1x128x128xf32, #tpu.memory_space<vmem>> -> memref<128x128xf32, #tpu.memory_space<vmem>>
      tpu.enqueue_dma source(%dma_start3A_148 : memref<128x128xf32, #tpu.memory_space<vmem>>) target(%dma_start3A_144 : memref<128x128xf32, #tpu.memory_space<hbm>>) target_semaphore(%dma_start3A_142 : memref<!tpu.dma_semaphore, #tpu.memory_space<semaphore_mem>>)
      %dma_wait3A_149 = arith.constant 1 : i32
      %dma_wait3A_150 = arith.constant 1 : i32
      %dma_wait3A_151 = arith.constant 0 : i32
      %dma_wait3A_152 = arith.constant 0 : i32
      %dma_wait3A_153 = tpu.memref_slice %arg9[%dma_wait3A_149, %dma_wait3A_151, %dma_wait3A_152] : memref<2x128x128xf32, #tpu.memory_space<vmem>> -> memref<1x128x128xf32, #tpu.memory_space<vmem>>
      %dma_wait3A_154 = tpu.memref_squeeze %dma_wait3A_153 : memref<1x128x128xf32, #tpu.memory_space<vmem>> -> memref<128x128xf32, #tpu.memory_space<vmem>>
      %dma_wait3A_155 = arith.constant 0 : i32
      %dma_wait3A_156 = arith.constant 0 : i32
      %dma_wait3A_157 = tpu.memref_slice %arg5[%dma_wait3A_155, %dma_wait3A_156] : memref<81920x128xf32, #tpu.memory_space<hbm>> -> memref<128x128xf32, #tpu.memory_space<hbm>>
      %dma_wait3A_158 = tpu.memref_slice %arg12[%dma_wait3A_150] : memref<2x!tpu.dma_semaphore, #tpu.memory_space<semaphore_mem>> -> memref<1x!tpu.dma_semaphore, #tpu.memory_space<semaphore_mem>>
      %dma_wait3A_159 = tpu.memref_squeeze %dma_wait3A_158 : memref<1x!tpu.dma_semaphore, #tpu.memory_space<semaphore_mem>> -> memref<!tpu.dma_semaphore, #tpu.memory_space<semaphore_mem>>
      %dma_wait3A_160 = arith.constant 0 : i32
      %dma_wait3A_161 = arith.constant 0 : i32
      %dma_wait3A_162 = tpu.memref_slice %arg5[%dma_wait3A_160, %dma_wait3A_161] : memref<81920x128xf32, #tpu.memory_space<hbm>> -> memref<128x128xf32, #tpu.memory_space<hbm>>
      %dma_wait3A_163 = arith.constant 0 : i32
      %dma_wait3A_164 = arith.constant 0 : i32
      %dma_wait3A_165 = tpu.memref_slice %arg9[%dma_wait3A_149, %dma_wait3A_163, %dma_wait3A_164] : memref<2x128x128xf32, #tpu.memory_space<vmem>> -> memref<1x128x128xf32, #tpu.memory_space<vmem>>
      %dma_wait3A_166 = tpu.memref_squeeze %dma_wait3A_165 : memref<1x128x128xf32, #tpu.memory_space<vmem>> -> memref<128x128xf32, #tpu.memory_space<vmem>>
      tpu.wait_dma2 semaphore(%dma_wait3A_159 : memref<!tpu.dma_semaphore, #tpu.memory_space<semaphore_mem>>) src(%dma_wait3A_166 : memref<128x128xf32, #tpu.memory_space<vmem>>) dst(%dma_wait3A_162 : memref<128x128xf32, #tpu.memory_space<hbm>>)
      %add3A_167 = arith.constant 2 : i32
      %add3A_168 = arith.addi %add3A_116, %add3A_167 : i32
      %lt3A_169 = arith.cmpi slt, %add3A_168, %select_n3A : i32
      %convert_element_type3A_170 = arith.extui %lt3A_169 : i1 to i32
      %cond3A_171 = arith.constant 0 : i32
      %cond3A_172 = arith.cmpi ne, %convert_element_type3A_170, %cond3A_171 : i32
      scf.if %cond3A_172 {
        %add3A_173 = arith.constant 2 : i32
        %add3A_174 = arith.addi %add3A_116, %add3A_173 : i32
        %mul3A_175 = arith.constant 128 : i32
        %mul3A_176 = arith.muli %add3A_174, %mul3A_175 : i32
        %dma_start3A_177 = arith.constant 1 : i32
        %dma_start3A_178 = arith.constant 1 : i32
        %dma_start3A_179 = arith.constant 0 : i32
        %dma_start3A_180 = arith.constant 0 : i32
        %dma_start3A_181 = tpu.memref_slice %arg9[%dma_start3A_177, %dma_start3A_179, %dma_start3A_180] : memref<2x128x128xf32, #tpu.memory_space<vmem>> -> memref<1x128x128xf32, #tpu.memory_space<vmem>>
        %dma_start3A_182 = tpu.memref_squeeze %dma_start3A_181 : memref<1x128x128xf32, #tpu.memory_space<vmem>> -> memref<128x128xf32, #tpu.memory_space<vmem>>
        %dma_start3A_183 = tpu.memref_slice %arg7[%mul3A_176] : memref<3840xi32, #tpu.memory_space<vmem>> -> memref<128xi32, #tpu.memory_space<vmem>>
        %dma_start3A_184 = arith.constant 0 : i32
        %dma_start3A_185 = arith.constant 0 : i32
        %dma_start3A_186 = tpu.memref_slice %arg4[%dma_start3A_184, %dma_start3A_185] : memref<100000x128xf32, #tpu.memory_space<hbm>> -> memref<100000x128xf32, #tpu.memory_space<hbm>>
        %dma_start3A_187 = tpu.memref_slice %arg11[%dma_start3A_178] : memref<2x!tpu.dma_semaphore, #tpu.memory_space<semaphore_mem>> -> memref<1x!tpu.dma_semaphore, #tpu.memory_space<semaphore_mem>>
        %dma_start3A_188 = tpu.memref_squeeze %dma_start3A_187 : memref<1x!tpu.dma_semaphore, #tpu.memory_space<semaphore_mem>> -> memref<!tpu.dma_semaphore, #tpu.memory_space<semaphore_mem>>
        tpu.enqueue_indirect_dma source(%dma_start3A_186 : memref<100000x128xf32, #tpu.memory_space<hbm>>) target(%dma_start3A_182 : memref<128x128xf32, #tpu.memory_space<vmem>>) offsets(%dma_start3A_183 : memref<128xi32, #tpu.memory_space<vmem>>) semaphore(%dma_start3A_188 : memref<!tpu.dma_semaphore, #tpu.memory_space<semaphore_mem>>)
      } else {
      }
    }
    %while3A_49 = arith.constant 1 : i32
    scf.for %while3A_57 = %while3A_47 to %while3A_43 step %while3A_49  : i32 {
      %mul3A_58 = arith.constant 2 : i32
      %mul3A_59 = arith.muli %while3A_57, %mul3A_58 : i32
      %dma_wait3A = arith.constant 0 : i32
      %dma_wait3A_60 = arith.constant 0 : i32
      %dma_wait3A_61 = arith.constant 0 : i32
      %dma_wait3A_62 = arith.constant 0 : i32
      %dma_wait3A_63 = tpu.memref_slice %arg9[%dma_wait3A, %dma_wait3A_61, %dma_wait3A_62] : memref<2x128x128xf32, #tpu.memory_space<vmem>> -> memref<1x128x128xf32, #tpu.memory_space<vmem>>
      %dma_wait3A_64 = tpu.memref_squeeze %dma_wait3A_63 : memref<1x128x128xf32, #tpu.memory_space<vmem>> -> memref<128x128xf32, #tpu.memory_space<vmem>>
      %dma_wait3A_65 = arith.constant 0 : i32
      %dma_wait3A_66 = tpu.memref_slice %arg7[%dma_wait3A_65] : memref<3840xi32, #tpu.memory_space<vmem>> -> memref<128xi32, #tpu.memory_space<vmem>>
      %dma_wait3A_67 = arith.constant 0 : i32
      %dma_wait3A_68 = arith.constant 0 : i32
      %dma_wait3A_69 = tpu.memref_slice %arg4[%dma_wait3A_67, %dma_wait3A_68] : memref<100000x128xf32, #tpu.memory_space<hbm>> -> memref<100000x128xf32, #tpu.memory_space<hbm>>
      %dma_wait3A_70 = tpu.memref_slice %arg11[%dma_wait3A_60] : memref<2x!tpu.dma_semaphore, #tpu.memory_space<semaphore_mem>> -> memref<1x!tpu.dma_semaphore, #tpu.memory_space<semaphore_mem>>
      %dma_wait3A_71 = tpu.memref_squeeze %dma_wait3A_70 : memref<1x!tpu.dma_semaphore, #tpu.memory_space<semaphore_mem>> -> memref<!tpu.dma_semaphore, #tpu.memory_space<semaphore_mem>>
      tpu.wait_indirect_dma semaphore(%dma_wait3A_71 : memref<!tpu.dma_semaphore, #tpu.memory_space<semaphore_mem>>) src(%dma_wait3A_69 : memref<100000x128xf32, #tpu.memory_space<hbm>>) dst(%dma_wait3A_64 : memref<128x128xf32, #tpu.memory_space<vmem>>)
      %mul3A_72 = arith.constant 128 : i32
      %mul3A_73 = arith.muli %mul3A_59, %mul3A_72 : i32
      %add3A_74 = arith.addi %mul3A_13, %mul3A_73 : i32
      %dma_start3A = arith.constant 0 : i32
      %dma_start3A_75 = arith.constant 0 : i32
      %dma_start3A_76 = arith.constant 0 : i32
      %dma_start3A_77 = arith.constant 0 : i32
      %dma_start3A_78 = tpu.memref_slice %arg9[%dma_start3A, %dma_start3A_76, %dma_start3A_77] : memref<2x128x128xf32, #tpu.memory_space<vmem>> -> memref<1x128x128xf32, #tpu.memory_space<vmem>>
      %dma_start3A_79 = tpu.memref_squeeze %dma_start3A_78 : memref<1x128x128xf32, #tpu.memory_space<vmem>> -> memref<128x128xf32, #tpu.memory_space<vmem>>
      %dma_start3A_80 = arith.constant 0 : i32
      %dma_start3A_81 = tpu.memref_slice %arg5[%add3A_74, %dma_start3A_80] : memref<81920x128xf32, #tpu.memory_space<hbm>> -> memref<128x128xf32, #tpu.memory_space<hbm>>
      %dma_start3A_82 = tpu.memref_slice %arg12[%dma_start3A_75] : memref<2x!tpu.dma_semaphore, #tpu.memory_space<semaphore_mem>> -> memref<1x!tpu.dma_semaphore, #tpu.memory_space<semaphore_mem>>
      %dma_start3A_83 = tpu.memref_squeeze %dma_start3A_82 : memref<1x!tpu.dma_semaphore, #tpu.memory_space<semaphore_mem>> -> memref<!tpu.dma_semaphore, #tpu.memory_space<semaphore_mem>>
      %dma_start3A_84 = arith.constant 0 : i32
      %dma_start3A_85 = tpu.memref_slice %arg5[%add3A_74, %dma_start3A_84] : memref<81920x128xf32, #tpu.memory_space<hbm>> -> memref<128x128xf32, #tpu.memory_space<hbm>>
      %dma_start3A_86 = arith.constant 0 : i32
      %dma_start3A_87 = arith.constant 0 : i32
      %dma_start3A_88 = tpu.memref_slice %arg9[%dma_start3A, %dma_start3A_86, %dma_start3A_87] : memref<2x128x128xf32, #tpu.memory_space<vmem>> -> memref<1x128x128xf32, #tpu.memory_space<vmem>>
      %dma_start3A_89 = tpu.memref_squeeze %dma_start3A_88 : memref<1x128x128xf32, #tpu.memory_space<vmem>> -> memref<128x128xf32, #tpu.memory_space<vmem>>
      tpu.enqueue_dma source(%dma_start3A_89 : memref<128x128xf32, #tpu.memory_space<vmem>>) target(%dma_start3A_85 : memref<128x128xf32, #tpu.memory_space<hbm>>) target_semaphore(%dma_start3A_83 : memref<!tpu.dma_semaphore, #tpu.memory_space<semaphore_mem>>)
      %dma_wait3A_90 = arith.constant 0 : i32
      %dma_wait3A_91 = arith.constant 0 : i32
      %dma_wait3A_92 = arith.constant 0 : i32
      %dma_wait3A_93 = arith.constant 0 : i32
      %dma_wait3A_94 = tpu.memref_slice %arg9[%dma_wait3A_90, %dma_wait3A_92, %dma_wait3A_93] : memref<2x128x128xf32, #tpu.memory_space<vmem>> -> memref<1x128x128xf32, #tpu.memory_space<vmem>>
      %dma_wait3A_95 = tpu.memref_squeeze %dma_wait3A_94 : memref<1x128x128xf32, #tpu.memory_space<vmem>> -> memref<128x128xf32, #tpu.memory_space<vmem>>
      %dma_wait3A_96 = arith.constant 0 : i32
      %dma_wait3A_97 = arith.constant 0 : i32
      %dma_wait3A_98 = tpu.memref_slice %arg5[%dma_wait3A_96, %dma_wait3A_97] : memref<81920x128xf32, #tpu.memory_space<hbm>> -> memref<128x128xf32, #tpu.memory_space<hbm>>
      %dma_wait3A_99 = tpu.memref_slice %arg12[%dma_wait3A_91] : memref<2x!tpu.dma_semaphore, #tpu.memory_space<semaphore_mem>> -> memref<1x!tpu.dma_semaphore, #tpu.memory_space<semaphore_mem>>
      %dma_wait3A_100 = tpu.memref_squeeze %dma_wait3A_99 : memref<1x!tpu.dma_semaphore, #tpu.memory_space<semaphore_mem>> -> memref<!tpu.dma_semaphore, #tpu.memory_space<semaphore_mem>>
      %dma_wait3A_101 = arith.constant 0 : i32
      %dma_wait3A_102 = arith.constant 0 : i32
      %dma_wait3A_103 = tpu.memref_slice %arg5[%dma_wait3A_101, %dma_wait3A_102] : memref<81920x128xf32, #tpu.memory_space<hbm>> -> memref<128x128xf32, #tpu.memory_space<hbm>>
      %dma_wait3A_104 = arith.constant 0 : i32
      %dma_wait3A_105 = arith.constant 0 : i32
      %dma_wait3A_106 = tpu.memref_slice %arg9[%dma_wait3A_90, %dma_wait3A_104, %dma_wait3A_105] : memref<2x128x128xf32, #tpu.memory_space<vmem>> -> memref<1x128x128xf32, #tpu.memory_space<vmem>>
      %dma_wait3A_107 = tpu.memref_squeeze %dma_wait3A_106 : memref<1x128x128xf32, #tpu.memory_space<vmem>> -> memref<128x128xf32, #tpu.memory_space<vmem>>
      tpu.wait_dma2 semaphore(%dma_wait3A_100 : memref<!tpu.dma_semaphore, #tpu.memory_space<semaphore_mem>>) src(%dma_wait3A_107 : memref<128x128xf32, #tpu.memory_space<vmem>>) dst(%dma_wait3A_103 : memref<128x128xf32, #tpu.memory_space<hbm>>)
      %add3A_108 = arith.constant 2 : i32
      %add3A_109 = arith.addi %mul3A_59, %add3A_108 : i32
      %lt3A = arith.cmpi slt, %add3A_109, %select_n3A : i32
      %convert_element_type3A_110 = arith.extui %lt3A : i1 to i32
      %cond3A_111 = arith.constant 0 : i32
      %cond3A_112 = arith.cmpi ne, %convert_element_type3A_110, %cond3A_111 : i32
      scf.if %cond3A_112 {
        %add3A_173 = arith.constant 2 : i32
        %add3A_174 = arith.addi %mul3A_59, %add3A_173 : i32
        %mul3A_175 = arith.constant 128 : i32
        %mul3A_176 = arith.muli %add3A_174, %mul3A_175 : i32
        %dma_start3A_177 = arith.constant 0 : i32
        %dma_start3A_178 = arith.constant 0 : i32
        %dma_start3A_179 = arith.constant 0 : i32
        %dma_start3A_180 = arith.constant 0 : i32
        %dma_start3A_181 = tpu.memref_slice %arg9[%dma_start3A_177, %dma_start3A_179, %dma_start3A_180] : memref<2x128x128xf32, #tpu.memory_space<vmem>> -> memref<1x128x128xf32, #tpu.memory_space<vmem>>
        %dma_start3A_182 = tpu.memref_squeeze %dma_start3A_181 : memref<1x128x128xf32, #tpu.memory_space<vmem>> -> memref<128x128xf32, #tpu.memory_space<vmem>>
        %dma_start3A_183 = tpu.memref_slice %arg7[%mul3A_176] : memref<3840xi32, #tpu.memory_space<vmem>> -> memref<128xi32, #tpu.memory_space<vmem>>
        %dma_start3A_184 = arith.constant 0 : i32
        %dma_start3A_185 = arith.constant 0 : i32
        %dma_start3A_186 = tpu.memref_slice %arg4[%dma_start3A_184, %dma_start3A_185] : memref<100000x128xf32, #tpu.memory_space<hbm>> -> memref<100000x128xf32, #tpu.memory_space<hbm>>
        %dma_start3A_187 = tpu.memref_slice %arg11[%dma_start3A_178] : memref<2x!tpu.dma_semaphore, #tpu.memory_space<semaphore_mem>> -> memref<1x!tpu.dma_semaphore, #tpu.memory_space<semaphore_mem>>
        %dma_start3A_188 = tpu.memref_squeeze %dma_start3A_187 : memref<1x!tpu.dma_semaphore, #tpu.memory_space<semaphore_mem>> -> memref<!tpu.dma_semaphore, #tpu.memory_space<semaphore_mem>>
        tpu.enqueue_indirect_dma source(%dma_start3A_186 : memref<100000x128xf32, #tpu.memory_space<hbm>>) target(%dma_start3A_182 : memref<128x128xf32, #tpu.memory_space<vmem>>) offsets(%dma_start3A_183 : memref<128xi32, #tpu.memory_space<vmem>>) semaphore(%dma_start3A_188 : memref<!tpu.dma_semaphore, #tpu.memory_space<semaphore_mem>>)
      } else {
      }
      %mul3A_113 = arith.constant 2 : i32
      %mul3A_114 = arith.muli %while3A_57, %mul3A_113 : i32
      %add3A_115 = arith.constant 1 : i32
      %add3A_116 = arith.addi %mul3A_114, %add3A_115 : i32
      %dma_wait3A_117 = arith.constant 1 : i32
      %dma_wait3A_118 = arith.constant 1 : i32
      %dma_wait3A_119 = arith.constant 0 : i32
      %dma_wait3A_120 = arith.constant 0 : i32
      %dma_wait3A_121 = tpu.memref_slice %arg9[%dma_wait3A_117, %dma_wait3A_119, %dma_wait3A_120] : memref<2x128x128xf32, #tpu.memory_space<vmem>> -> memref<1x128x128xf32, #tpu.memory_space<vmem>>
      %dma_wait3A_122 = tpu.memref_squeeze %dma_wait3A_121 : memref<1x128x128xf32, #tpu.memory_space<vmem>> -> memref<128x128xf32, #tpu.memory_space<vmem>>
      %dma_wait3A_123 = arith.constant 0 : i32
      %dma_wait3A_124 = tpu.memref_slice %arg7[%dma_wait3A_123] : memref<3840xi32, #tpu.memory_space<vmem>> -> memref<128xi32, #tpu.memory_space<vmem>>
      %dma_wait3A_125 = arith.constant 0 : i32
      %dma_wait3A_126 = arith.constant 0 : i32
      %dma_wait3A_127 = tpu.memref_slice %arg4[%dma_wait3A_125, %dma_wait3A_126] : memref<100000x128xf32, #tpu.memory_space<hbm>> -> memref<100000x128xf32, #tpu.memory_space<hbm>>
      %dma_wait3A_128 = tpu.memref_slice %arg11[%dma_wait3A_118] : memref<2x!tpu.dma_semaphore, #tpu.memory_space<semaphore_mem>> -> memref<1x!tpu.dma_semaphore, #tpu.memory_space<semaphore_mem>>
      %dma_wait3A_129 = tpu.memref_squeeze %dma_wait3A_128 : memref<1x!tpu.dma_semaphore, #tpu.memory_space<semaphore_mem>> -> memref<!tpu.dma_semaphore, #tpu.memory_space<semaphore_mem>>
      tpu.wait_indirect_dma semaphore(%dma_wait3A_129 : memref<!tpu.dma_semaphore, #tpu.memory_space<semaphore_mem>>) src(%dma_wait3A_127 : memref<100000x128xf32, #tpu.memory_space<hbm>>) dst(%dma_wait3A_122 : memref<128x128xf32, #tpu.memory_space<vmem>>)
      %mul3A_130 = arith.constant 128 : i32
      %mul3A_131 = arith.muli %add3A_116, %mul3A_130 : i32
      %add3A_132 = arith.addi %mul3A_13, %mul3A_131 : i32
      %dma_start3A_133 = arith.constant 1 : i32
      %dma_start3A_134 = arith.constant 1 : i32
      %dma_start3A_135 = arith.constant 0 : i32
      %dma_start3A_136 = arith.constant 0 : i32
      %dma_start3A_137 = tpu.memref_slice %arg9[%dma_start3A_133, %dma_start3A_135, %dma_start3A_136] : memref<2x128x128xf32, #tpu.memory_space<vmem>> -> memref<1x128x128xf32, #tpu.memory_space<vmem>>
      %dma_start3A_138 = tpu.memref_squeeze %dma_start3A_137 : memref<1x128x128xf32, #tpu.memory_space<vmem>> -> memref<128x128xf32, #tpu.memory_space<vmem>>
      %dma_start3A_139 = arith.constant 0 : i32
      %dma_start3A_140 = tpu.memref_slice %arg5[%add3A_132, %dma_start3A_139] : memref<81920x128xf32, #tpu.memory_space<hbm>> -> memref<128x128xf32, #tpu.memory_space<hbm>>
      %dma_start3A_141 = tpu.memref_slice %arg12[%dma_start3A_134] : memref<2x!tpu.dma_semaphore, #tpu.memory_space<semaphore_mem>> -> memref<1x!tpu.dma_semaphore, #tpu.memory_space<semaphore_mem>>
      %dma_start3A_142 = tpu.memref_squeeze %dma_start3A_141 : memref<1x!tpu.dma_semaphore, #tpu.memory_space<semaphore_mem>> -> memref<!tpu.dma_semaphore, #tpu.memory_space<semaphore_mem>>
      %dma_start3A_143 = arith.constant 0 : i32
      %dma_start3A_144 = tpu.memref_slice %arg5[%add3A_132, %dma_start3A_143] : memref<81920x128xf32, #tpu.memory_space<hbm>> -> memref<128x128xf32, #tpu.memory_space<hbm>>
      %dma_start3A_145 = arith.constant 0 : i32
      %dma_start3A_146 = arith.constant 0 : i32
      %dma_start3A_147 = tpu.memref_slice %arg9[%dma_start3A_133, %dma_start3A_145, %dma_start3A_146] : memref<2x128x128xf32, #tpu.memory_space<vmem>> -> memref<1x128x128xf32, #tpu.memory_space<vmem>>
      %dma_start3A_148 = tpu.memref_squeeze %dma_start3A_147 : memref<1x128x128xf32, #tpu.memory_space<vmem>> -> memref<128x128xf32, #tpu.memory_space<vmem>>
      tpu.enqueue_dma source(%dma_start3A_148 : memref<128x128xf32, #tpu.memory_space<vmem>>) target(%dma_start3A_144 : memref<128x128xf32, #tpu.memory_space<hbm>>) target_semaphore(%dma_start3A_142 : memref<!tpu.dma_semaphore, #tpu.memory_space<semaphore_mem>>)
      %dma_wait3A_149 = arith.constant 1 : i32
      %dma_wait3A_150 = arith.constant 1 : i32
      %dma_wait3A_151 = arith.constant 0 : i32
      %dma_wait3A_152 = arith.constant 0 : i32
      %dma_wait3A_153 = tpu.memref_slice %arg9[%dma_wait3A_149, %dma_wait3A_151, %dma_wait3A_152] : memref<2x128x128xf32, #tpu.memory_space<vmem>> -> memref<1x128x128xf32, #tpu.memory_space<vmem>>
      %dma_wait3A_154 = tpu.memref_squeeze %dma_wait3A_153 : memref<1x128x128xf32, #tpu.memory_space<vmem>> -> memref<128x128xf32, #tpu.memory_space<vmem>>
      %dma_wait3A_155 = arith.constant 0 : i32
      %dma_wait3A_156 = arith.constant 0 : i32
      %dma_wait3A_157 = tpu.memref_slice %arg5[%dma_wait3A_155, %dma_wait3A_156] : memref<81920x128xf32, #tpu.memory_space<hbm>> -> memref<128x128xf32, #tpu.memory_space<hbm>>
      %dma_wait3A_158 = tpu.memref_slice %arg12[%dma_wait3A_150] : memref<2x!tpu.dma_semaphore, #tpu.memory_space<semaphore_mem>> -> memref<1x!tpu.dma_semaphore, #tpu.memory_space<semaphore_mem>>
      %dma_wait3A_159 = tpu.memref_squeeze %dma_wait3A_158 : memref<1x!tpu.dma_semaphore, #tpu.memory_space<semaphore_mem>> -> memref<!tpu.dma_semaphore, #tpu.memory_space<semaphore_mem>>
      %dma_wait3A_160 = arith.constant 0 : i32
      %dma_wait3A_161 = arith.constant 0 : i32
      %dma_wait3A_162 = tpu.memref_slice %arg5[%dma_wait3A_160, %dma_wait3A_161] : memref<81920x128xf32, #tpu.memory_space<hbm>> -> memref<128x128xf32, #tpu.memory_space<hbm>>
      %dma_wait3A_163 = arith.constant 0 : i32
      %dma_wait3A_164 = arith.constant 0 : i32
      %dma_wait3A_165 = tpu.memref_slice %arg9[%dma_wait3A_149, %dma_wait3A_163, %dma_wait3A_164] : memref<2x128x128xf32, #tpu.memory_space<vmem>> -> memref<1x128x128xf32, #tpu.memory_space<vmem>>
      %dma_wait3A_166 = tpu.memref_squeeze %dma_wait3A_165 : memref<1x128x128xf32, #tpu.memory_space<vmem>> -> memref<128x128xf32, #tpu.memory_space<vmem>>
      tpu.wait_dma2 semaphore(%dma_wait3A_159 : memref<!tpu.dma_semaphore, #tpu.memory_space<semaphore_mem>>) src(%dma_wait3A_166 : memref<128x128xf32, #tpu.memory_space<vmem>>) dst(%dma_wait3A_162 : memref<128x128xf32, #tpu.memory_space<hbm>>)
      %add3A_167 = arith.constant 2 : i32
      %add3A_168 = arith.addi %add3A_116, %add3A_167 : i32
      %lt3A_169 = arith.cmpi slt, %add3A_168, %select_n3A : i32
      %convert_element_type3A_170 = arith.extui %lt3A_169 : i1 to i32
      %cond3A_171 = arith.constant 0 : i32
      %cond3A_172 = arith.cmpi ne, %convert_element_type3A_170, %cond3A_171 : i32
      scf.if %cond3A_172 {
        %add3A_173 = arith.constant 2 : i32
        %add3A_174 = arith.addi %add3A_116, %add3A_173 : i32
        %mul3A_175 = arith.constant 128 : i32
        %mul3A_176 = arith.muli %add3A_174, %mul3A_175 : i32
        %dma_start3A_177 = arith.constant 1 : i32
        %dma_start3A_178 = arith.constant 1 : i32
        %dma_start3A_179 = arith.constant 0 : i32
        %dma_start3A_180 = arith.constant 0 : i32
        %dma_start3A_181 = tpu.memref_slice %arg9[%dma_start3A_177, %dma_start3A_179, %dma_start3A_180] : memref<2x128x128xf32, #tpu.memory_space<vmem>> -> memref<1x128x128xf32, #tpu.memory_space<vmem>>
        %dma_start3A_182 = tpu.memref_squeeze %dma_start3A_181 : memref<1x128x128xf32, #tpu.memory_space<vmem>> -> memref<128x128xf32, #tpu.memory_space<vmem>>
        %dma_start3A_183 = tpu.memref_slice %arg7[%mul3A_176] : memref<3840xi32, #tpu.memory_space<vmem>> -> memref<128xi32, #tpu.memory_space<vmem>>
        %dma_start3A_184 = arith.constant 0 : i32
        %dma_start3A_185 = arith.constant 0 : i32
        %dma_start3A_186 = tpu.memref_slice %arg4[%dma_start3A_184, %dma_start3A_185] : memref<100000x128xf32, #tpu.memory_space<hbm>> -> memref<100000x128xf32, #tpu.memory_space<hbm>>
        %dma_start3A_187 = tpu.memref_slice %arg11[%dma_start3A_178] : memref<2x!tpu.dma_semaphore, #tpu.memory_space<semaphore_mem>> -> memref<1x!tpu.dma_semaphore, #tpu.memory_space<semaphore_mem>>
        %dma_start3A_188 = tpu.memref_squeeze %dma_start3A_187 : memref<1x!tpu.dma_semaphore, #tpu.memory_space<semaphore_mem>> -> memref<!tpu.dma_semaphore, #tpu.memory_space<semaphore_mem>>
        tpu.enqueue_indirect_dma source(%dma_start3A_186 : memref<100000x128xf32, #tpu.memory_space<hbm>>) target(%dma_start3A_182 : memref<128x128xf32, #tpu.memory_space<vmem>>) offsets(%dma_start3A_183 : memref<128xi32, #tpu.memory_space<vmem>>) semaphore(%dma_start3A_188 : memref<!tpu.dma_semaphore, #tpu.memory_space<semaphore_mem>>)
      } else {
      }
    }
    %mul3A_50 = arith.constant 8 : i32
    %mul3A_51 = arith.muli %add3A, %mul3A_50 : i32
    "tpu.region"() ({
      %run_scoped3A = tpu.sem_alloc : memref<!tpu.dma_semaphore, #tpu.memory_space<semaphore_mem>>
      %dma_start3A = arith.constant 0 : i32
      %dma_start3A_57 = tpu.memref_slice %arg3[%mul3A_51, %dma_start3A] : memref<256x40xi32, #tpu.memory_space<hbm>> -> memref<8x40xi32, #tpu.memory_space<hbm>>
      %dma_start3A_58 = arith.constant 0 : i32
      %dma_start3A_59 = tpu.memref_slice %arg3[%mul3A_51, %dma_start3A_58] : memref<256x40xi32, #tpu.memory_space<hbm>> -> memref<8x40xi32, #tpu.memory_space<hbm>>
      tpu.enqueue_dma source(%dma_start3A_59 : memref<8x40xi32, #tpu.memory_space<hbm>>) target(%arg8 : memref<8x40xi32, #tpu.memory_space<vmem>>) target_semaphore(%run_scoped3A : memref<!tpu.dma_semaphore, #tpu.memory_space<semaphore_mem>>)
      %dma_wait3A = arith.constant 0 : i32
      %dma_wait3A_60 = tpu.memref_slice %arg3[%mul3A_51, %dma_wait3A] : memref<256x40xi32, #tpu.memory_space<hbm>> -> memref<8x40xi32, #tpu.memory_space<hbm>>
      %dma_wait3A_61 = arith.constant 0 : i32
      %dma_wait3A_62 = tpu.memref_slice %arg3[%mul3A_51, %dma_wait3A_61] : memref<256x40xi32, #tpu.memory_space<hbm>> -> memref<8x40xi32, #tpu.memory_space<hbm>>
      tpu.wait_dma2 semaphore(%run_scoped3A : memref<!tpu.dma_semaphore, #tpu.memory_space<semaphore_mem>>) src(%dma_wait3A_62 : memref<8x40xi32, #tpu.memory_space<hbm>>) dst(%arg8 : memref<8x40xi32, #tpu.memory_space<vmem>>)
      tpu.yield
    }) : () -> ()
    %scan3A = arith.constant 0 : i32
    %scan3A_52 = arith.constant 0 : i32
    %scan3A_53 = arith.constant 8 : i32
    %scan3A_54 = arith.addi %scan3A_52, %scan3A_53 : i32
    %scan3A_55 = arith.constant 1 : i32
    scf.for %scan3A_57 = %scan3A_52 to %scan3A_54 step %scan3A_55  : i32 {
      %dma_start3A = arith.constant 0 : i32
      %dma_start3A_58 = arith.constant 0 : i32
      %dma_start3A_59 = tpu.memref_slice %arg8[%scan3A_57, %dma_start3A_58] : memref<8x40xi32, #tpu.memory_space<vmem>> -> memref<1x40xi32, #tpu.memory_space<vmem>>
      %dma_start3A_60 = tpu.memref_squeeze %dma_start3A_59 : memref<1x40xi32, #tpu.memory_space<vmem>> -> memref<40xi32, #tpu.memory_space<vmem>>
      %dma_start3A_61 = arith.constant 0 : i32
      %dma_start3A_62 = arith.constant 0 : i32
      %dma_start3A_63 = tpu.memref_slice %arg4[%dma_start3A_61, %dma_start3A_62] : memref<100000x128xf32, #tpu.memory_space<hbm>> -> memref<100000x128xf32, #tpu.memory_space<hbm>>
      %dma_start3A_64 = tpu.memref_slice %arg11[%dma_start3A] : memref<2x!tpu.dma_semaphore, #tpu.memory_space<semaphore_mem>> -> memref<1x!tpu.dma_semaphore, #tpu.memory_space<semaphore_mem>>
      %dma_start3A_65 = tpu.memref_squeeze %dma_start3A_64 : memref<1x!tpu.dma_semaphore, #tpu.memory_space<semaphore_mem>> -> memref<!tpu.dma_semaphore, #tpu.memory_space<semaphore_mem>>
      tpu.enqueue_indirect_dma source(%dma_start3A_63 : memref<100000x128xf32, #tpu.memory_space<hbm>>) target(%arg10 : memref<40x128xf32, #tpu.memory_space<vmem>>) offsets(%dma_start3A_60 : memref<40xi32, #tpu.memory_space<vmem>>) semaphore(%dma_start3A_65 : memref<!tpu.dma_semaphore, #tpu.memory_space<semaphore_mem>>)
      %dma_wait3A = arith.constant 0 : i32
      %dma_wait3A_66 = arith.constant 0 : i32
      %dma_wait3A_67 = tpu.memref_slice %arg8[%scan3A_57, %dma_wait3A_66] : memref<8x40xi32, #tpu.memory_space<vmem>> -> memref<1x40xi32, #tpu.memory_space<vmem>>
      %dma_wait3A_68 = tpu.memref_squeeze %dma_wait3A_67 : memref<1x40xi32, #tpu.memory_space<vmem>> -> memref<40xi32, #tpu.memory_space<vmem>>
      %dma_wait3A_69 = arith.constant 0 : i32
      %dma_wait3A_70 = arith.constant 0 : i32
      %dma_wait3A_71 = tpu.memref_slice %arg4[%dma_wait3A_69, %dma_wait3A_70] : memref<100000x128xf32, #tpu.memory_space<hbm>> -> memref<100000x128xf32, #tpu.memory_space<hbm>>
      %dma_wait3A_72 = tpu.memref_slice %arg11[%dma_wait3A] : memref<2x!tpu.dma_semaphore, #tpu.memory_space<semaphore_mem>> -> memref<1x!tpu.dma_semaphore, #tpu.memory_space<semaphore_mem>>
      %dma_wait3A_73 = tpu.memref_squeeze %dma_wait3A_72 : memref<1x!tpu.dma_semaphore, #tpu.memory_space<semaphore_mem>> -> memref<!tpu.dma_semaphore, #tpu.memory_space<semaphore_mem>>
      tpu.wait_indirect_dma semaphore(%dma_wait3A_73 : memref<!tpu.dma_semaphore, #tpu.memory_space<semaphore_mem>>) src(%dma_wait3A_71 : memref<100000x128xf32, #tpu.memory_space<hbm>>) dst(%arg10 : memref<40x128xf32, #tpu.memory_space<vmem>>)
      %add3A_74 = arith.addi %mul3A_51, %scan3A_57 : i32
      %mul3A_75 = arith.constant 40 : i32
      %mul3A_76 = arith.muli %add3A_74, %mul3A_75 : i32
      "tpu.region"() ({
        %run_scoped3A = tpu.sem_alloc : memref<!tpu.dma_semaphore, #tpu.memory_space<semaphore_mem>>
        %dma_start3A_77 = arith.constant 0 : i32
        %dma_start3A_78 = tpu.memref_slice %arg6[%mul3A_76, %dma_start3A_77] : memref<10240x128xf32, #tpu.memory_space<hbm>> -> memref<40x128xf32, #tpu.memory_space<hbm>>
        %dma_start3A_79 = arith.constant 0 : i32
        %dma_start3A_80 = tpu.memref_slice %arg6[%mul3A_76, %dma_start3A_79] : memref<10240x128xf32, #tpu.memory_space<hbm>> -> memref<40x128xf32, #tpu.memory_space<hbm>>
        tpu.enqueue_dma source(%arg10 : memref<40x128xf32, #tpu.memory_space<vmem>>) target(%dma_start3A_80 : memref<40x128xf32, #tpu.memory_space<hbm>>) target_semaphore(%run_scoped3A : memref<!tpu.dma_semaphore, #tpu.memory_space<semaphore_mem>>)
        %dma_wait3A_81 = arith.constant 0 : i32
        %dma_wait3A_82 = tpu.memref_slice %arg6[%mul3A_76, %dma_wait3A_81] : memref<10240x128xf32, #tpu.memory_space<hbm>> -> memref<40x128xf32, #tpu.memory_space<hbm>>
        %dma_wait3A_83 = arith.constant 0 : i32
        %dma_wait3A_84 = tpu.memref_slice %arg6[%mul3A_76, %dma_wait3A_83] : memref<10240x128xf32, #tpu.memory_space<hbm>> -> memref<40x128xf32, #tpu.memory_space<hbm>>
        tpu.wait_dma2 semaphore(%run_scoped3A : memref<!tpu.dma_semaphore, #tpu.memory_space<semaphore_mem>>) src(%arg10 : memref<40x128xf32, #tpu.memory_space<vmem>>) dst(%dma_wait3A_84 : memref<40x128xf32, #tpu.memory_space<hbm>>)
        tpu.yield
      }) : () -> ()
    }
    %scan3A_56 = arith.constant 8 : i32
    return
  }
}

#map = affine_map<(d0, d1) -> (0)>
#map1 = affine_map<(d0, d1) -> (0, 0)>
module attributes {stable_mosaic.version = 14 : i64} {
  func.func @_sc_gather_body(%arg0: i32, %arg1: i32, %arg2: memref<81920xi32, #tpu.memory_space<hbm>>, %arg3: memref<256x40xi32, #tpu.memory_space<hbm>>, %arg4: memref<100000x128xf32, #tpu.memory_space<hbm>>, %arg5: memref<81920x128xf32, #tpu.memory_space<hbm>>, %arg6: memref<10240x128xf32, #tpu.memory_space<hbm>>, %arg7: memref<3840xi32, #tpu.memory_space<vmem>>, %arg8: memref<8x40xi32, #tpu.memory_space<vmem>>, %arg9: memref<2x128x128xf32, #tpu.memory_space<vmem>>, %arg10: memref<40x128xf32, #tpu.memory_space<vmem>>, %arg11: memref<2x!tpu.dma_semaphore, #tpu.memory_space<semaphore_mem>>, %arg12: memref<2x!tpu.dma_semaphore, #tpu.memory_space<semaphore_mem>>) attributes {dimension_semantics = [#tpu.dimension_semantics<core_parallel>, #tpu.dimension_semantics<subcore_parallel>], iteration_bounds = array<i64: 2, 16>, scalar_prefetch = 0 : i64, scratch_operands = 6 : i64, tpu.core_type = #tpu.core_type<sc_vector_subcore>, window_params = [{transform_indices = #map}, {transform_indices = #map1}, {transform_indices = #map1}, {transform_indices = #map1}, {transform_indices = #map1}]} {
    %mul3A = arith.constant 2 : i32
    %mul3A_0 = arith.muli %arg1, %mul3A : i32
    %add3A = arith.addi %mul3A_0, %arg0 : i32
    %eq3A = arith.constant 0 : i32
    %eq3A_1 = arith.cmpi eq, %arg0, %eq3A : i32
    %jit3A = arith.constant 30 : i32
    %jit3A_2 = arith.constant 10 : i32
    %select_n3A = arith.select %eq3A_1, %jit3A, %jit3A_2 : i32
    %eq3A_3 = arith.constant 0 : i32
    %eq3A_4 = arith.cmpi eq, %arg0, %eq3A_3 : i32
    %mul3A_5 = arith.constant 30 : i32
    %mul3A_6 = arith.muli %arg1, %mul3A_5 : i32
    %mul3A_7 = arith.constant 10 : i32
    %mul3A_8 = arith.muli %arg1, %mul3A_7 : i32
    %add3A_9 = arith.constant 480 : i32
    %add3A_10 = arith.addi %add3A_9, %mul3A_8 : i32
    %select_n3A_11 = arith.select %eq3A_4, %mul3A_6, %add3A_10 : i32
    %mul3A_12 = arith.constant 128 : i32
    %mul3A_13 = arith.muli %select_n3A_11, %mul3A_12 : i32
    "tpu.region"() ({
      %run_scoped3A = tpu.sem_alloc : memref<!tpu.dma_semaphore, #tpu.memory_space<semaphore_mem>>
      %dma_start3A = arith.constant 0 : i32
      %dma_start3A_50 = tpu.memref_slice %arg7[%dma_start3A] : memref<3840xi32, #tpu.memory_space<vmem>> -> memref<1280xi32, #tpu.memory_space<vmem>>
      %dma_start3A_51 = tpu.memref_slice %arg2[%mul3A_13] : memref<81920xi32, #tpu.memory_space<hbm>> -> memref<1280xi32, #tpu.memory_space<hbm>>
      %dma_start3A_52 = arith.constant 0 : i32
      %dma_start3A_53 = tpu.memref_slice %arg7[%dma_start3A_52] : memref<3840xi32, #tpu.memory_space<vmem>> -> memref<1280xi32, #tpu.memory_space<vmem>>
      %dma_start3A_54 = tpu.memref_slice %arg2[%mul3A_13] : memref<81920xi32, #tpu.memory_space<hbm>> -> memref<1280xi32, #tpu.memory_space<hbm>>
      tpu.enqueue_dma source(%dma_start3A_54 : memref<1280xi32, #tpu.memory_space<hbm>>) target(%dma_start3A_53 : memref<1280xi32, #tpu.memory_space<vmem>>) target_semaphore(%run_scoped3A : memref<!tpu.dma_semaphore, #tpu.memory_space<semaphore_mem>>)
      %dma_wait3A = arith.constant 0 : i32
      %dma_wait3A_55 = tpu.memref_slice %arg7[%dma_wait3A] : memref<3840xi32, #tpu.memory_space<vmem>> -> memref<1280xi32, #tpu.memory_space<vmem>>
      %dma_wait3A_56 = tpu.memref_slice %arg2[%mul3A_13] : memref<81920xi32, #tpu.memory_space<hbm>> -> memref<1280xi32, #tpu.memory_space<hbm>>
      %dma_wait3A_57 = arith.constant 0 : i32
      %dma_wait3A_58 = tpu.memref_slice %arg7[%dma_wait3A_57] : memref<3840xi32, #tpu.memory_space<vmem>> -> memref<1280xi32, #tpu.memory_space<vmem>>
      %dma_wait3A_59 = tpu.memref_slice %arg2[%mul3A_13] : memref<81920xi32, #tpu.memory_space<hbm>> -> memref<1280xi32, #tpu.memory_space<hbm>>
      tpu.wait_dma2 semaphore(%run_scoped3A : memref<!tpu.dma_semaphore, #tpu.memory_space<semaphore_mem>>) src(%dma_wait3A_59 : memref<1280xi32, #tpu.memory_space<hbm>>) dst(%dma_wait3A_58 : memref<1280xi32, #tpu.memory_space<vmem>>)
      tpu.yield
    }) : () -> ()
    %eq3A_14 = arith.constant 0 : i32
    %eq3A_15 = arith.cmpi eq, %arg0, %eq3A_14 : i32
    %convert_element_type3A = arith.extui %eq3A_15 : i1 to i32
    %cond3A = arith.constant 0 : i32
    %cond3A_16 = arith.cmpi ne, %convert_element_type3A, %cond3A : i32
    scf.if %cond3A_16 {
      %add3A_50 = arith.constant 1280 : i32
      %add3A_51 = arith.addi %mul3A_13, %add3A_50 : i32
      "tpu.region"() ({
        %run_scoped3A = tpu.sem_alloc : memref<!tpu.dma_semaphore, #tpu.memory_space<semaphore_mem>>
        %dma_start3A = arith.constant 1280 : i32
        %dma_start3A_52 = tpu.memref_slice %arg7[%dma_start3A] : memref<3840xi32, #tpu.memory_space<vmem>> -> memref<2560xi32, #tpu.memory_space<vmem>>
        %dma_start3A_53 = tpu.memref_slice %arg2[%add3A_51] : memref<81920xi32, #tpu.memory_space<hbm>> -> memref<2560xi32, #tpu.memory_space<hbm>>
        %dma_start3A_54 = arith.constant 1280 : i32
        %dma_start3A_55 = tpu.memref_slice %arg7[%dma_start3A_54] : memref<3840xi32, #tpu.memory_space<vmem>> -> memref<2560xi32, #tpu.memory_space<vmem>>
        %dma_start3A_56 = tpu.memref_slice %arg2[%add3A_51] : memref<81920xi32, #tpu.memory_space<hbm>> -> memref<2560xi32, #tpu.memory_space<hbm>>
        tpu.enqueue_dma source(%dma_start3A_56 : memref<2560xi32, #tpu.memory_space<hbm>>) target(%dma_start3A_55 : memref<2560xi32, #tpu.memory_space<vmem>>) target_semaphore(%run_scoped3A : memref<!tpu.dma_semaphore, #tpu.memory_space<semaphore_mem>>)
        %dma_wait3A = arith.constant 1280 : i32
        %dma_wait3A_57 = tpu.memref_slice %arg7[%dma_wait3A] : memref<3840xi32, #tpu.memory_space<vmem>> -> memref<2560xi32, #tpu.memory_space<vmem>>
        %dma_wait3A_58 = tpu.memref_slice %arg2[%add3A_51] : memref<81920xi32, #tpu.memory_space<hbm>> -> memref<2560xi32, #tpu.memory_space<hbm>>
        %dma_wait3A_59 = arith.constant 1280 : i32
        %dma_wait3A_60 = tpu.memref_slice %arg7[%dma_wait3A_59] : memref<3840xi32, #tpu.memory_space<vmem>> -> memref<2560xi32, #tpu.memory_space<vmem>>
        %dma_wait3A_61 = tpu.memref_slice %arg2[%add3A_51] : memref<81920xi32, #tpu.memory_space<hbm>> -> memref<2560xi32, #tpu.memory_space<hbm>>
        tpu.wait_dma2 semaphore(%run_scoped3A : memref<!tpu.dma_semaphore, #tpu.memory_space<semaphore_mem>>) src(%dma_wait3A_61 : memref<2560xi32, #tpu.memory_space<hbm>>) dst(%dma_wait3A_60 : memref<2560xi32, #tpu.memory_space<vmem>>)
        tpu.yield
      }) : () -> ()
    } else {
    }
    %gt3A = arith.constant 0 : i32
    %gt3A_17 = arith.cmpi sgt, %select_n3A, %gt3A : i32
    %convert_element_type3A_18 = arith.extui %gt3A_17 : i1 to i32
    %cond3A_19 = arith.constant 0 : i32
    %cond3A_20 = arith.cmpi ne, %convert_element_type3A_18, %cond3A_19 : i32
    scf.if %cond3A_20 {
      %dma_start3A = arith.constant 0 : i32
      %dma_start3A_50 = arith.constant 0 : i32
      %dma_start3A_51 = arith.constant 0 : i32
      %dma_start3A_52 = arith.constant 0 : i32
      %dma_start3A_53 = tpu.memref_slice %arg9[%dma_start3A, %dma_start3A_51, %dma_start3A_52] : memref<2x128x128xf32, #tpu.memory_space<vmem>> -> memref<1x128x128xf32, #tpu.memory_space<vmem>>
      %dma_start3A_54 = tpu.memref_squeeze %dma_start3A_53 : memref<1x128x128xf32, #tpu.memory_space<vmem>> -> memref<128x128xf32, #tpu.memory_space<vmem>>
      %dma_start3A_55 = arith.constant 0 : i32
      %dma_start3A_56 = tpu.memref_slice %arg7[%dma_start3A_55] : memref<3840xi32, #tpu.memory_space<vmem>> -> memref<128xi32, #tpu.memory_space<vmem>>
      %dma_start3A_57 = arith.constant 0 : i32
      %dma_start3A_58 = arith.constant 0 : i32
      %dma_start3A_59 = tpu.memref_slice %arg4[%dma_start3A_57, %dma_start3A_58] : memref<100000x128xf32, #tpu.memory_space<hbm>> -> memref<100000x128xf32, #tpu.memory_space<hbm>>
      %dma_start3A_60 = tpu.memref_slice %arg11[%dma_start3A_50] : memref<2x!tpu.dma_semaphore, #tpu.memory_space<semaphore_mem>> -> memref<1x!tpu.dma_semaphore, #tpu.memory_space<semaphore_mem>>
      %dma_start3A_61 = tpu.memref_squeeze %dma_start3A_60 : memref<1x!tpu.dma_semaphore, #tpu.memory_space<semaphore_mem>> -> memref<!tpu.dma_semaphore, #tpu.memory_space<semaphore_mem>>
      tpu.enqueue_indirect_dma source(%dma_start3A_59 : memref<100000x128xf32, #tpu.memory_space<hbm>>) target(%dma_start3A_54 : memref<128x128xf32, #tpu.memory_space<vmem>>) offsets(%dma_start3A_56 : memref<128xi32, #tpu.memory_space<vmem>>) semaphore(%dma_start3A_61 : memref<!tpu.dma_semaphore, #tpu.memory_space<semaphore_mem>>)
      %dma_start3A_62 = arith.constant 1 : i32
      %dma_start3A_63 = arith.constant 1 : i32
      %dma_start3A_64 = arith.constant 0 : i32
      %dma_start3A_65 = arith.constant 0 : i32
      %dma_start3A_66 = tpu.memref_slice %arg9[%dma_start3A_62, %dma_start3A_64, %dma_start3A_65] : memref<2x128x128xf32, #tpu.memory_space<vmem>> -> memref<1x128x128xf32, #tpu.memory_space<vmem>>
      %dma_start3A_67 = tpu.memref_squeeze %dma_start3A_66 : memref<1x128x128xf32, #tpu.memory_space<vmem>> -> memref<128x128xf32, #tpu.memory_space<vmem>>
      %dma_start3A_68 = arith.constant 128 : i32
      %dma_start3A_69 = tpu.memref_slice %arg7[%dma_start3A_68] : memref<3840xi32, #tpu.memory_space<vmem>> -> memref<128xi32, #tpu.memory_space<vmem>>
      %dma_start3A_70 = arith.constant 0 : i32
      %dma_start3A_71 = arith.constant 0 : i32
      %dma_start3A_72 = tpu.memref_slice %arg4[%dma_start3A_70, %dma_start3A_71] : memref<100000x128xf32, #tpu.memory_space<hbm>> -> memref<100000x128xf32, #tpu.memory_space<hbm>>
      %dma_start3A_73 = tpu.memref_slice %arg11[%dma_start3A_63] : memref<2x!tpu.dma_semaphore, #tpu.memory_space<semaphore_mem>> -> memref<1x!tpu.dma_semaphore, #tpu.memory_space<semaphore_mem>>
      %dma_start3A_74 = tpu.memref_squeeze %dma_start3A_73 : memref<1x!tpu.dma_semaphore, #tpu.memory_space<semaphore_mem>> -> memref<!tpu.dma_semaphore, #tpu.memory_space<semaphore_mem>>
      tpu.enqueue_indirect_dma source(%dma_start3A_72 : memref<100000x128xf32, #tpu.memory_space<hbm>>) target(%dma_start3A_67 : memref<128x128xf32, #tpu.memory_space<vmem>>) offsets(%dma_start3A_69 : memref<128xi32, #tpu.memory_space<vmem>>) semaphore(%dma_start3A_74 : memref<!tpu.dma_semaphore, #tpu.memory_space<semaphore_mem>>)
    } else {
    }
    %add3A_21 = arith.constant 1 : i32
    %add3A_22 = arith.addi %select_n3A, %add3A_21 : i32
    %jit3A_23 = arith.constant 2 : i32
    %div3A = arith.divsi %add3A_22, %jit3A_23 : i32
    %sign3A = arith.constant 0 : i32
    %sign3A_24 = arith.cmpi sgt, %add3A_22, %sign3A : i32
    %sign3A_25 = arith.extui %sign3A_24 : i1 to i32
    %sign3A_26 = arith.constant 0 : i32
    %sign3A_27 = arith.cmpi slt, %add3A_22, %sign3A_26 : i32
    %sign3A_28 = arith.extui %sign3A_27 : i1 to i32
    %sign3A_29 = arith.subi %sign3A_25, %sign3A_28 : i32
    %sign3A_30 = arith.constant 0 : i32
    %sign3A_31 = arith.cmpi sgt, %jit3A_23, %sign3A_30 : i32
    %sign3A_32 = arith.extui %sign3A_31 : i1 to i32
    %sign3A_33 = arith.constant 0 : i32
    %sign3A_34 = arith.cmpi slt, %jit3A_23, %sign3A_33 : i32
    %sign3A_35 = arith.extui %sign3A_34 : i1 to i32
    %sign3A_36 = arith.subi %sign3A_32, %sign3A_35 : i32
    %ne3A = arith.cmpi ne, %sign3A_29, %sign3A_36 : i32
    %rem3A = arith.remsi %add3A_22, %jit3A_23 : i32
    %ne3A_37 = arith.constant 0 : i32
    %ne3A_38 = arith.cmpi ne, %rem3A, %ne3A_37 : i32
    %and3A = arith.andi %ne3A, %ne3A_38 : i1
    %sub3A = arith.constant 1 : i32
    %sub3A_39 = arith.subi %div3A, %sub3A : i32
    %select_n3A_40 = arith.select %and3A, %sub3A_39, %div3A : i32
    %while3A = arith.constant 0 : i32
    %while3A_41 = arith.constant 0 : i32
    %while3A_42 = arith.subi %select_n3A_40, %while3A_41 : i32
    %while3A_43 = arith.addi %while3A_41, %while3A_42 : i32
    %while3A_44 = arith.constant 1 : i32
    %while3A_45 = arith.divsi %while3A_42, %while3A_44 : i32
    %while3A_46 = arith.muli %while3A_45, %while3A_44 : i32
    %while3A_47 = arith.addi %while3A_41, %while3A_46 : i32
    %while3A_48 = arith.constant 1 : i32
    scf.for %while3A_50 = %while3A_41 to %while3A_47 step %while3A_48  : i32 {
      %mul3A_51 = arith.constant 2 : i32
      %mul3A_52 = arith.muli %while3A_50, %mul3A_51 : i32
      %dma_wait3A = arith.constant 0 : i32
      %dma_wait3A_53 = arith.constant 0 : i32
      %dma_wait3A_54 = arith.constant 0 : i32
      %dma_wait3A_55 = arith.constant 0 : i32
      %dma_wait3A_56 = tpu.memref_slice %arg9[%dma_wait3A, %dma_wait3A_54, %dma_wait3A_55] : memref<2x128x128xf32, #tpu.memory_space<vmem>> -> memref<1x128x128xf32, #tpu.memory_space<vmem>>
      %dma_wait3A_57 = tpu.memref_squeeze %dma_wait3A_56 : memref<1x128x128xf32, #tpu.memory_space<vmem>> -> memref<128x128xf32, #tpu.memory_space<vmem>>
      %dma_wait3A_58 = arith.constant 0 : i32
      %dma_wait3A_59 = tpu.memref_slice %arg7[%dma_wait3A_58] : memref<3840xi32, #tpu.memory_space<vmem>> -> memref<128xi32, #tpu.memory_space<vmem>>
      %dma_wait3A_60 = arith.constant 0 : i32
      %dma_wait3A_61 = arith.constant 0 : i32
      %dma_wait3A_62 = tpu.memref_slice %arg4[%dma_wait3A_60, %dma_wait3A_61] : memref<100000x128xf32, #tpu.memory_space<hbm>> -> memref<100000x128xf32, #tpu.memory_space<hbm>>
      %dma_wait3A_63 = tpu.memref_slice %arg11[%dma_wait3A_53] : memref<2x!tpu.dma_semaphore, #tpu.memory_space<semaphore_mem>> -> memref<1x!tpu.dma_semaphore, #tpu.memory_space<semaphore_mem>>
      %dma_wait3A_64 = tpu.memref_squeeze %dma_wait3A_63 : memref<1x!tpu.dma_semaphore, #tpu.memory_space<semaphore_mem>> -> memref<!tpu.dma_semaphore, #tpu.memory_space<semaphore_mem>>
      tpu.wait_indirect_dma semaphore(%dma_wait3A_64 : memref<!tpu.dma_semaphore, #tpu.memory_space<semaphore_mem>>) src(%dma_wait3A_62 : memref<100000x128xf32, #tpu.memory_space<hbm>>) dst(%dma_wait3A_57 : memref<128x128xf32, #tpu.memory_space<vmem>>)
      %mul3A_65 = arith.constant 128 : i32
      %mul3A_66 = arith.muli %mul3A_52, %mul3A_65 : i32
      %add3A_67 = arith.addi %mul3A_13, %mul3A_66 : i32
      %dma_start3A = arith.constant 0 : i32
      %dma_start3A_68 = arith.constant 0 : i32
      %dma_start3A_69 = arith.constant 0 : i32
      %dma_start3A_70 = arith.constant 0 : i32
      %dma_start3A_71 = tpu.memref_slice %arg9[%dma_start3A, %dma_start3A_69, %dma_start3A_70] : memref<2x128x128xf32, #tpu.memory_space<vmem>> -> memref<1x128x128xf32, #tpu.memory_space<vmem>>
      %dma_start3A_72 = tpu.memref_squeeze %dma_start3A_71 : memref<1x128x128xf32, #tpu.memory_space<vmem>> -> memref<128x128xf32, #tpu.memory_space<vmem>>
      %dma_start3A_73 = arith.constant 0 : i32
      %dma_start3A_74 = tpu.memref_slice %arg5[%add3A_67, %dma_start3A_73] : memref<81920x128xf32, #tpu.memory_space<hbm>> -> memref<128x128xf32, #tpu.memory_space<hbm>>
      %dma_start3A_75 = tpu.memref_slice %arg12[%dma_start3A_68] : memref<2x!tpu.dma_semaphore, #tpu.memory_space<semaphore_mem>> -> memref<1x!tpu.dma_semaphore, #tpu.memory_space<semaphore_mem>>
      %dma_start3A_76 = tpu.memref_squeeze %dma_start3A_75 : memref<1x!tpu.dma_semaphore, #tpu.memory_space<semaphore_mem>> -> memref<!tpu.dma_semaphore, #tpu.memory_space<semaphore_mem>>
      %dma_start3A_77 = arith.constant 0 : i32
      %dma_start3A_78 = tpu.memref_slice %arg5[%add3A_67, %dma_start3A_77] : memref<81920x128xf32, #tpu.memory_space<hbm>> -> memref<128x128xf32, #tpu.memory_space<hbm>>
      %dma_start3A_79 = arith.constant 0 : i32
      %dma_start3A_80 = arith.constant 0 : i32
      %dma_start3A_81 = tpu.memref_slice %arg9[%dma_start3A, %dma_start3A_79, %dma_start3A_80] : memref<2x128x128xf32, #tpu.memory_space<vmem>> -> memref<1x128x128xf32, #tpu.memory_space<vmem>>
      %dma_start3A_82 = tpu.memref_squeeze %dma_start3A_81 : memref<1x128x128xf32, #tpu.memory_space<vmem>> -> memref<128x128xf32, #tpu.memory_space<vmem>>
      tpu.enqueue_dma source(%dma_start3A_82 : memref<128x128xf32, #tpu.memory_space<vmem>>) target(%dma_start3A_78 : memref<128x128xf32, #tpu.memory_space<hbm>>) target_semaphore(%dma_start3A_76 : memref<!tpu.dma_semaphore, #tpu.memory_space<semaphore_mem>>)
      %dma_wait3A_83 = arith.constant 0 : i32
      %dma_wait3A_84 = arith.constant 0 : i32
      %dma_wait3A_85 = arith.constant 0 : i32
      %dma_wait3A_86 = arith.constant 0 : i32
      %dma_wait3A_87 = tpu.memref_slice %arg9[%dma_wait3A_83, %dma_wait3A_85, %dma_wait3A_86] : memref<2x128x128xf32, #tpu.memory_space<vmem>> -> memref<1x128x128xf32, #tpu.memory_space<vmem>>
      %dma_wait3A_88 = tpu.memref_squeeze %dma_wait3A_87 : memref<1x128x128xf32, #tpu.memory_space<vmem>> -> memref<128x128xf32, #tpu.memory_space<vmem>>
      %dma_wait3A_89 = arith.constant 0 : i32
      %dma_wait3A_90 = arith.constant 0 : i32
      %dma_wait3A_91 = tpu.memref_slice %arg5[%dma_wait3A_89, %dma_wait3A_90] : memref<81920x128xf32, #tpu.memory_space<hbm>> -> memref<128x128xf32, #tpu.memory_space<hbm>>
      %dma_wait3A_92 = tpu.memref_slice %arg12[%dma_wait3A_84] : memref<2x!tpu.dma_semaphore, #tpu.memory_space<semaphore_mem>> -> memref<1x!tpu.dma_semaphore, #tpu.memory_space<semaphore_mem>>
      %dma_wait3A_93 = tpu.memref_squeeze %dma_wait3A_92 : memref<1x!tpu.dma_semaphore, #tpu.memory_space<semaphore_mem>> -> memref<!tpu.dma_semaphore, #tpu.memory_space<semaphore_mem>>
      %dma_wait3A_94 = arith.constant 0 : i32
      %dma_wait3A_95 = arith.constant 0 : i32
      %dma_wait3A_96 = tpu.memref_slice %arg5[%dma_wait3A_94, %dma_wait3A_95] : memref<81920x128xf32, #tpu.memory_space<hbm>> -> memref<128x128xf32, #tpu.memory_space<hbm>>
      %dma_wait3A_97 = arith.constant 0 : i32
      %dma_wait3A_98 = arith.constant 0 : i32
      %dma_wait3A_99 = tpu.memref_slice %arg9[%dma_wait3A_83, %dma_wait3A_97, %dma_wait3A_98] : memref<2x128x128xf32, #tpu.memory_space<vmem>> -> memref<1x128x128xf32, #tpu.memory_space<vmem>>
      %dma_wait3A_100 = tpu.memref_squeeze %dma_wait3A_99 : memref<1x128x128xf32, #tpu.memory_space<vmem>> -> memref<128x128xf32, #tpu.memory_space<vmem>>
      tpu.wait_dma2 semaphore(%dma_wait3A_93 : memref<!tpu.dma_semaphore, #tpu.memory_space<semaphore_mem>>) src(%dma_wait3A_100 : memref<128x128xf32, #tpu.memory_space<vmem>>) dst(%dma_wait3A_96 : memref<128x128xf32, #tpu.memory_space<hbm>>)
      %add3A_101 = arith.constant 2 : i32
      %add3A_102 = arith.addi %mul3A_52, %add3A_101 : i32
      %lt3A = arith.cmpi slt, %add3A_102, %select_n3A : i32
      %convert_element_type3A_103 = arith.extui %lt3A : i1 to i32
      %cond3A_104 = arith.constant 0 : i32
      %cond3A_105 = arith.cmpi ne, %convert_element_type3A_103, %cond3A_104 : i32
      scf.if %cond3A_105 {
        %add3A_166 = arith.constant 2 : i32
        %add3A_167 = arith.addi %mul3A_52, %add3A_166 : i32
        %mul3A_168 = arith.constant 128 : i32
        %mul3A_169 = arith.muli %add3A_167, %mul3A_168 : i32
        %dma_start3A_170 = arith.constant 0 : i32
        %dma_start3A_171 = arith.constant 0 : i32
        %dma_start3A_172 = arith.constant 0 : i32
        %dma_start3A_173 = arith.constant 0 : i32
        %dma_start3A_174 = tpu.memref_slice %arg9[%dma_start3A_170, %dma_start3A_172, %dma_start3A_173] : memref<2x128x128xf32, #tpu.memory_space<vmem>> -> memref<1x128x128xf32, #tpu.memory_space<vmem>>
        %dma_start3A_175 = tpu.memref_squeeze %dma_start3A_174 : memref<1x128x128xf32, #tpu.memory_space<vmem>> -> memref<128x128xf32, #tpu.memory_space<vmem>>
        %dma_start3A_176 = tpu.memref_slice %arg7[%mul3A_169] : memref<3840xi32, #tpu.memory_space<vmem>> -> memref<128xi32, #tpu.memory_space<vmem>>
        %dma_start3A_177 = arith.constant 0 : i32
        %dma_start3A_178 = arith.constant 0 : i32
        %dma_start3A_179 = tpu.memref_slice %arg4[%dma_start3A_177, %dma_start3A_178] : memref<100000x128xf32, #tpu.memory_space<hbm>> -> memref<100000x128xf32, #tpu.memory_space<hbm>>
        %dma_start3A_180 = tpu.memref_slice %arg11[%dma_start3A_171] : memref<2x!tpu.dma_semaphore, #tpu.memory_space<semaphore_mem>> -> memref<1x!tpu.dma_semaphore, #tpu.memory_space<semaphore_mem>>
        %dma_start3A_181 = tpu.memref_squeeze %dma_start3A_180 : memref<1x!tpu.dma_semaphore, #tpu.memory_space<semaphore_mem>> -> memref<!tpu.dma_semaphore, #tpu.memory_space<semaphore_mem>>
        tpu.enqueue_indirect_dma source(%dma_start3A_179 : memref<100000x128xf32, #tpu.memory_space<hbm>>) target(%dma_start3A_175 : memref<128x128xf32, #tpu.memory_space<vmem>>) offsets(%dma_start3A_176 : memref<128xi32, #tpu.memory_space<vmem>>) semaphore(%dma_start3A_181 : memref<!tpu.dma_semaphore, #tpu.memory_space<semaphore_mem>>)
      } else {
      }
      %mul3A_106 = arith.constant 2 : i32
      %mul3A_107 = arith.muli %while3A_50, %mul3A_106 : i32
      %add3A_108 = arith.constant 1 : i32
      %add3A_109 = arith.addi %mul3A_107, %add3A_108 : i32
      %dma_wait3A_110 = arith.constant 1 : i32
      %dma_wait3A_111 = arith.constant 1 : i32
      %dma_wait3A_112 = arith.constant 0 : i32
      %dma_wait3A_113 = arith.constant 0 : i32
      %dma_wait3A_114 = tpu.memref_slice %arg9[%dma_wait3A_110, %dma_wait3A_112, %dma_wait3A_113] : memref<2x128x128xf32, #tpu.memory_space<vmem>> -> memref<1x128x128xf32, #tpu.memory_space<vmem>>
      %dma_wait3A_115 = tpu.memref_squeeze %dma_wait3A_114 : memref<1x128x128xf32, #tpu.memory_space<vmem>> -> memref<128x128xf32, #tpu.memory_space<vmem>>
      %dma_wait3A_116 = arith.constant 0 : i32
      %dma_wait3A_117 = tpu.memref_slice %arg7[%dma_wait3A_116] : memref<3840xi32, #tpu.memory_space<vmem>> -> memref<128xi32, #tpu.memory_space<vmem>>
      %dma_wait3A_118 = arith.constant 0 : i32
      %dma_wait3A_119 = arith.constant 0 : i32
      %dma_wait3A_120 = tpu.memref_slice %arg4[%dma_wait3A_118, %dma_wait3A_119] : memref<100000x128xf32, #tpu.memory_space<hbm>> -> memref<100000x128xf32, #tpu.memory_space<hbm>>
      %dma_wait3A_121 = tpu.memref_slice %arg11[%dma_wait3A_111] : memref<2x!tpu.dma_semaphore, #tpu.memory_space<semaphore_mem>> -> memref<1x!tpu.dma_semaphore, #tpu.memory_space<semaphore_mem>>
      %dma_wait3A_122 = tpu.memref_squeeze %dma_wait3A_121 : memref<1x!tpu.dma_semaphore, #tpu.memory_space<semaphore_mem>> -> memref<!tpu.dma_semaphore, #tpu.memory_space<semaphore_mem>>
      tpu.wait_indirect_dma semaphore(%dma_wait3A_122 : memref<!tpu.dma_semaphore, #tpu.memory_space<semaphore_mem>>) src(%dma_wait3A_120 : memref<100000x128xf32, #tpu.memory_space<hbm>>) dst(%dma_wait3A_115 : memref<128x128xf32, #tpu.memory_space<vmem>>)
      %mul3A_123 = arith.constant 128 : i32
      %mul3A_124 = arith.muli %add3A_109, %mul3A_123 : i32
      %add3A_125 = arith.addi %mul3A_13, %mul3A_124 : i32
      %dma_start3A_126 = arith.constant 1 : i32
      %dma_start3A_127 = arith.constant 1 : i32
      %dma_start3A_128 = arith.constant 0 : i32
      %dma_start3A_129 = arith.constant 0 : i32
      %dma_start3A_130 = tpu.memref_slice %arg9[%dma_start3A_126, %dma_start3A_128, %dma_start3A_129] : memref<2x128x128xf32, #tpu.memory_space<vmem>> -> memref<1x128x128xf32, #tpu.memory_space<vmem>>
      %dma_start3A_131 = tpu.memref_squeeze %dma_start3A_130 : memref<1x128x128xf32, #tpu.memory_space<vmem>> -> memref<128x128xf32, #tpu.memory_space<vmem>>
      %dma_start3A_132 = arith.constant 0 : i32
      %dma_start3A_133 = tpu.memref_slice %arg5[%add3A_125, %dma_start3A_132] : memref<81920x128xf32, #tpu.memory_space<hbm>> -> memref<128x128xf32, #tpu.memory_space<hbm>>
      %dma_start3A_134 = tpu.memref_slice %arg12[%dma_start3A_127] : memref<2x!tpu.dma_semaphore, #tpu.memory_space<semaphore_mem>> -> memref<1x!tpu.dma_semaphore, #tpu.memory_space<semaphore_mem>>
      %dma_start3A_135 = tpu.memref_squeeze %dma_start3A_134 : memref<1x!tpu.dma_semaphore, #tpu.memory_space<semaphore_mem>> -> memref<!tpu.dma_semaphore, #tpu.memory_space<semaphore_mem>>
      %dma_start3A_136 = arith.constant 0 : i32
      %dma_start3A_137 = tpu.memref_slice %arg5[%add3A_125, %dma_start3A_136] : memref<81920x128xf32, #tpu.memory_space<hbm>> -> memref<128x128xf32, #tpu.memory_space<hbm>>
      %dma_start3A_138 = arith.constant 0 : i32
      %dma_start3A_139 = arith.constant 0 : i32
      %dma_start3A_140 = tpu.memref_slice %arg9[%dma_start3A_126, %dma_start3A_138, %dma_start3A_139] : memref<2x128x128xf32, #tpu.memory_space<vmem>> -> memref<1x128x128xf32, #tpu.memory_space<vmem>>
      %dma_start3A_141 = tpu.memref_squeeze %dma_start3A_140 : memref<1x128x128xf32, #tpu.memory_space<vmem>> -> memref<128x128xf32, #tpu.memory_space<vmem>>
      tpu.enqueue_dma source(%dma_start3A_141 : memref<128x128xf32, #tpu.memory_space<vmem>>) target(%dma_start3A_137 : memref<128x128xf32, #tpu.memory_space<hbm>>) target_semaphore(%dma_start3A_135 : memref<!tpu.dma_semaphore, #tpu.memory_space<semaphore_mem>>)
      %dma_wait3A_142 = arith.constant 1 : i32
      %dma_wait3A_143 = arith.constant 1 : i32
      %dma_wait3A_144 = arith.constant 0 : i32
      %dma_wait3A_145 = arith.constant 0 : i32
      %dma_wait3A_146 = tpu.memref_slice %arg9[%dma_wait3A_142, %dma_wait3A_144, %dma_wait3A_145] : memref<2x128x128xf32, #tpu.memory_space<vmem>> -> memref<1x128x128xf32, #tpu.memory_space<vmem>>
      %dma_wait3A_147 = tpu.memref_squeeze %dma_wait3A_146 : memref<1x128x128xf32, #tpu.memory_space<vmem>> -> memref<128x128xf32, #tpu.memory_space<vmem>>
      %dma_wait3A_148 = arith.constant 0 : i32
      %dma_wait3A_149 = arith.constant 0 : i32
      %dma_wait3A_150 = tpu.memref_slice %arg5[%dma_wait3A_148, %dma_wait3A_149] : memref<81920x128xf32, #tpu.memory_space<hbm>> -> memref<128x128xf32, #tpu.memory_space<hbm>>
      %dma_wait3A_151 = tpu.memref_slice %arg12[%dma_wait3A_143] : memref<2x!tpu.dma_semaphore, #tpu.memory_space<semaphore_mem>> -> memref<1x!tpu.dma_semaphore, #tpu.memory_space<semaphore_mem>>
      %dma_wait3A_152 = tpu.memref_squeeze %dma_wait3A_151 : memref<1x!tpu.dma_semaphore, #tpu.memory_space<semaphore_mem>> -> memref<!tpu.dma_semaphore, #tpu.memory_space<semaphore_mem>>
      %dma_wait3A_153 = arith.constant 0 : i32
      %dma_wait3A_154 = arith.constant 0 : i32
      %dma_wait3A_155 = tpu.memref_slice %arg5[%dma_wait3A_153, %dma_wait3A_154] : memref<81920x128xf32, #tpu.memory_space<hbm>> -> memref<128x128xf32, #tpu.memory_space<hbm>>
      %dma_wait3A_156 = arith.constant 0 : i32
      %dma_wait3A_157 = arith.constant 0 : i32
      %dma_wait3A_158 = tpu.memref_slice %arg9[%dma_wait3A_142, %dma_wait3A_156, %dma_wait3A_157] : memref<2x128x128xf32, #tpu.memory_space<vmem>> -> memref<1x128x128xf32, #tpu.memory_space<vmem>>
      %dma_wait3A_159 = tpu.memref_squeeze %dma_wait3A_158 : memref<1x128x128xf32, #tpu.memory_space<vmem>> -> memref<128x128xf32, #tpu.memory_space<vmem>>
      tpu.wait_dma2 semaphore(%dma_wait3A_152 : memref<!tpu.dma_semaphore, #tpu.memory_space<semaphore_mem>>) src(%dma_wait3A_159 : memref<128x128xf32, #tpu.memory_space<vmem>>) dst(%dma_wait3A_155 : memref<128x128xf32, #tpu.memory_space<hbm>>)
      %add3A_160 = arith.constant 2 : i32
      %add3A_161 = arith.addi %add3A_109, %add3A_160 : i32
      %lt3A_162 = arith.cmpi slt, %add3A_161, %select_n3A : i32
      %convert_element_type3A_163 = arith.extui %lt3A_162 : i1 to i32
      %cond3A_164 = arith.constant 0 : i32
      %cond3A_165 = arith.cmpi ne, %convert_element_type3A_163, %cond3A_164 : i32
      scf.if %cond3A_165 {
        %add3A_166 = arith.constant 2 : i32
        %add3A_167 = arith.addi %add3A_109, %add3A_166 : i32
        %mul3A_168 = arith.constant 128 : i32
        %mul3A_169 = arith.muli %add3A_167, %mul3A_168 : i32
        %dma_start3A_170 = arith.constant 1 : i32
        %dma_start3A_171 = arith.constant 1 : i32
        %dma_start3A_172 = arith.constant 0 : i32
        %dma_start3A_173 = arith.constant 0 : i32
        %dma_start3A_174 = tpu.memref_slice %arg9[%dma_start3A_170, %dma_start3A_172, %dma_start3A_173] : memref<2x128x128xf32, #tpu.memory_space<vmem>> -> memref<1x128x128xf32, #tpu.memory_space<vmem>>
        %dma_start3A_175 = tpu.memref_squeeze %dma_start3A_174 : memref<1x128x128xf32, #tpu.memory_space<vmem>> -> memref<128x128xf32, #tpu.memory_space<vmem>>
        %dma_start3A_176 = tpu.memref_slice %arg7[%mul3A_169] : memref<3840xi32, #tpu.memory_space<vmem>> -> memref<128xi32, #tpu.memory_space<vmem>>
        %dma_start3A_177 = arith.constant 0 : i32
        %dma_start3A_178 = arith.constant 0 : i32
        %dma_start3A_179 = tpu.memref_slice %arg4[%dma_start3A_177, %dma_start3A_178] : memref<100000x128xf32, #tpu.memory_space<hbm>> -> memref<100000x128xf32, #tpu.memory_space<hbm>>
        %dma_start3A_180 = tpu.memref_slice %arg11[%dma_start3A_171] : memref<2x!tpu.dma_semaphore, #tpu.memory_space<semaphore_mem>> -> memref<1x!tpu.dma_semaphore, #tpu.memory_space<semaphore_mem>>
        %dma_start3A_181 = tpu.memref_squeeze %dma_start3A_180 : memref<1x!tpu.dma_semaphore, #tpu.memory_space<semaphore_mem>> -> memref<!tpu.dma_semaphore, #tpu.memory_space<semaphore_mem>>
        tpu.enqueue_indirect_dma source(%dma_start3A_179 : memref<100000x128xf32, #tpu.memory_space<hbm>>) target(%dma_start3A_175 : memref<128x128xf32, #tpu.memory_space<vmem>>) offsets(%dma_start3A_176 : memref<128xi32, #tpu.memory_space<vmem>>) semaphore(%dma_start3A_181 : memref<!tpu.dma_semaphore, #tpu.memory_space<semaphore_mem>>)
      } else {
      }
    }
    %while3A_49 = arith.constant 1 : i32
    scf.for %while3A_50 = %while3A_47 to %while3A_43 step %while3A_49  : i32 {
      %mul3A_51 = arith.constant 2 : i32
      %mul3A_52 = arith.muli %while3A_50, %mul3A_51 : i32
      %dma_wait3A = arith.constant 0 : i32
      %dma_wait3A_53 = arith.constant 0 : i32
      %dma_wait3A_54 = arith.constant 0 : i32
      %dma_wait3A_55 = arith.constant 0 : i32
      %dma_wait3A_56 = tpu.memref_slice %arg9[%dma_wait3A, %dma_wait3A_54, %dma_wait3A_55] : memref<2x128x128xf32, #tpu.memory_space<vmem>> -> memref<1x128x128xf32, #tpu.memory_space<vmem>>
      %dma_wait3A_57 = tpu.memref_squeeze %dma_wait3A_56 : memref<1x128x128xf32, #tpu.memory_space<vmem>> -> memref<128x128xf32, #tpu.memory_space<vmem>>
      %dma_wait3A_58 = arith.constant 0 : i32
      %dma_wait3A_59 = tpu.memref_slice %arg7[%dma_wait3A_58] : memref<3840xi32, #tpu.memory_space<vmem>> -> memref<128xi32, #tpu.memory_space<vmem>>
      %dma_wait3A_60 = arith.constant 0 : i32
      %dma_wait3A_61 = arith.constant 0 : i32
      %dma_wait3A_62 = tpu.memref_slice %arg4[%dma_wait3A_60, %dma_wait3A_61] : memref<100000x128xf32, #tpu.memory_space<hbm>> -> memref<100000x128xf32, #tpu.memory_space<hbm>>
      %dma_wait3A_63 = tpu.memref_slice %arg11[%dma_wait3A_53] : memref<2x!tpu.dma_semaphore, #tpu.memory_space<semaphore_mem>> -> memref<1x!tpu.dma_semaphore, #tpu.memory_space<semaphore_mem>>
      %dma_wait3A_64 = tpu.memref_squeeze %dma_wait3A_63 : memref<1x!tpu.dma_semaphore, #tpu.memory_space<semaphore_mem>> -> memref<!tpu.dma_semaphore, #tpu.memory_space<semaphore_mem>>
      tpu.wait_indirect_dma semaphore(%dma_wait3A_64 : memref<!tpu.dma_semaphore, #tpu.memory_space<semaphore_mem>>) src(%dma_wait3A_62 : memref<100000x128xf32, #tpu.memory_space<hbm>>) dst(%dma_wait3A_57 : memref<128x128xf32, #tpu.memory_space<vmem>>)
      %mul3A_65 = arith.constant 128 : i32
      %mul3A_66 = arith.muli %mul3A_52, %mul3A_65 : i32
      %add3A_67 = arith.addi %mul3A_13, %mul3A_66 : i32
      %dma_start3A = arith.constant 0 : i32
      %dma_start3A_68 = arith.constant 0 : i32
      %dma_start3A_69 = arith.constant 0 : i32
      %dma_start3A_70 = arith.constant 0 : i32
      %dma_start3A_71 = tpu.memref_slice %arg9[%dma_start3A, %dma_start3A_69, %dma_start3A_70] : memref<2x128x128xf32, #tpu.memory_space<vmem>> -> memref<1x128x128xf32, #tpu.memory_space<vmem>>
      %dma_start3A_72 = tpu.memref_squeeze %dma_start3A_71 : memref<1x128x128xf32, #tpu.memory_space<vmem>> -> memref<128x128xf32, #tpu.memory_space<vmem>>
      %dma_start3A_73 = arith.constant 0 : i32
      %dma_start3A_74 = tpu.memref_slice %arg5[%add3A_67, %dma_start3A_73] : memref<81920x128xf32, #tpu.memory_space<hbm>> -> memref<128x128xf32, #tpu.memory_space<hbm>>
      %dma_start3A_75 = tpu.memref_slice %arg12[%dma_start3A_68] : memref<2x!tpu.dma_semaphore, #tpu.memory_space<semaphore_mem>> -> memref<1x!tpu.dma_semaphore, #tpu.memory_space<semaphore_mem>>
      %dma_start3A_76 = tpu.memref_squeeze %dma_start3A_75 : memref<1x!tpu.dma_semaphore, #tpu.memory_space<semaphore_mem>> -> memref<!tpu.dma_semaphore, #tpu.memory_space<semaphore_mem>>
      %dma_start3A_77 = arith.constant 0 : i32
      %dma_start3A_78 = tpu.memref_slice %arg5[%add3A_67, %dma_start3A_77] : memref<81920x128xf32, #tpu.memory_space<hbm>> -> memref<128x128xf32, #tpu.memory_space<hbm>>
      %dma_start3A_79 = arith.constant 0 : i32
      %dma_start3A_80 = arith.constant 0 : i32
      %dma_start3A_81 = tpu.memref_slice %arg9[%dma_start3A, %dma_start3A_79, %dma_start3A_80] : memref<2x128x128xf32, #tpu.memory_space<vmem>> -> memref<1x128x128xf32, #tpu.memory_space<vmem>>
      %dma_start3A_82 = tpu.memref_squeeze %dma_start3A_81 : memref<1x128x128xf32, #tpu.memory_space<vmem>> -> memref<128x128xf32, #tpu.memory_space<vmem>>
      tpu.enqueue_dma source(%dma_start3A_82 : memref<128x128xf32, #tpu.memory_space<vmem>>) target(%dma_start3A_78 : memref<128x128xf32, #tpu.memory_space<hbm>>) target_semaphore(%dma_start3A_76 : memref<!tpu.dma_semaphore, #tpu.memory_space<semaphore_mem>>)
      %dma_wait3A_83 = arith.constant 0 : i32
      %dma_wait3A_84 = arith.constant 0 : i32
      %dma_wait3A_85 = arith.constant 0 : i32
      %dma_wait3A_86 = arith.constant 0 : i32
      %dma_wait3A_87 = tpu.memref_slice %arg9[%dma_wait3A_83, %dma_wait3A_85, %dma_wait3A_86] : memref<2x128x128xf32, #tpu.memory_space<vmem>> -> memref<1x128x128xf32, #tpu.memory_space<vmem>>
      %dma_wait3A_88 = tpu.memref_squeeze %dma_wait3A_87 : memref<1x128x128xf32, #tpu.memory_space<vmem>> -> memref<128x128xf32, #tpu.memory_space<vmem>>
      %dma_wait3A_89 = arith.constant 0 : i32
      %dma_wait3A_90 = arith.constant 0 : i32
      %dma_wait3A_91 = tpu.memref_slice %arg5[%dma_wait3A_89, %dma_wait3A_90] : memref<81920x128xf32, #tpu.memory_space<hbm>> -> memref<128x128xf32, #tpu.memory_space<hbm>>
      %dma_wait3A_92 = tpu.memref_slice %arg12[%dma_wait3A_84] : memref<2x!tpu.dma_semaphore, #tpu.memory_space<semaphore_mem>> -> memref<1x!tpu.dma_semaphore, #tpu.memory_space<semaphore_mem>>
      %dma_wait3A_93 = tpu.memref_squeeze %dma_wait3A_92 : memref<1x!tpu.dma_semaphore, #tpu.memory_space<semaphore_mem>> -> memref<!tpu.dma_semaphore, #tpu.memory_space<semaphore_mem>>
      %dma_wait3A_94 = arith.constant 0 : i32
      %dma_wait3A_95 = arith.constant 0 : i32
      %dma_wait3A_96 = tpu.memref_slice %arg5[%dma_wait3A_94, %dma_wait3A_95] : memref<81920x128xf32, #tpu.memory_space<hbm>> -> memref<128x128xf32, #tpu.memory_space<hbm>>
      %dma_wait3A_97 = arith.constant 0 : i32
      %dma_wait3A_98 = arith.constant 0 : i32
      %dma_wait3A_99 = tpu.memref_slice %arg9[%dma_wait3A_83, %dma_wait3A_97, %dma_wait3A_98] : memref<2x128x128xf32, #tpu.memory_space<vmem>> -> memref<1x128x128xf32, #tpu.memory_space<vmem>>
      %dma_wait3A_100 = tpu.memref_squeeze %dma_wait3A_99 : memref<1x128x128xf32, #tpu.memory_space<vmem>> -> memref<128x128xf32, #tpu.memory_space<vmem>>
      tpu.wait_dma2 semaphore(%dma_wait3A_93 : memref<!tpu.dma_semaphore, #tpu.memory_space<semaphore_mem>>) src(%dma_wait3A_100 : memref<128x128xf32, #tpu.memory_space<vmem>>) dst(%dma_wait3A_96 : memref<128x128xf32, #tpu.memory_space<hbm>>)
      %add3A_101 = arith.constant 2 : i32
      %add3A_102 = arith.addi %mul3A_52, %add3A_101 : i32
      %lt3A = arith.cmpi slt, %add3A_102, %select_n3A : i32
      %convert_element_type3A_103 = arith.extui %lt3A : i1 to i32
      %cond3A_104 = arith.constant 0 : i32
      %cond3A_105 = arith.cmpi ne, %convert_element_type3A_103, %cond3A_104 : i32
      scf.if %cond3A_105 {
        %add3A_166 = arith.constant 2 : i32
        %add3A_167 = arith.addi %mul3A_52, %add3A_166 : i32
        %mul3A_168 = arith.constant 128 : i32
        %mul3A_169 = arith.muli %add3A_167, %mul3A_168 : i32
        %dma_start3A_170 = arith.constant 0 : i32
        %dma_start3A_171 = arith.constant 0 : i32
        %dma_start3A_172 = arith.constant 0 : i32
        %dma_start3A_173 = arith.constant 0 : i32
        %dma_start3A_174 = tpu.memref_slice %arg9[%dma_start3A_170, %dma_start3A_172, %dma_start3A_173] : memref<2x128x128xf32, #tpu.memory_space<vmem>> -> memref<1x128x128xf32, #tpu.memory_space<vmem>>
        %dma_start3A_175 = tpu.memref_squeeze %dma_start3A_174 : memref<1x128x128xf32, #tpu.memory_space<vmem>> -> memref<128x128xf32, #tpu.memory_space<vmem>>
        %dma_start3A_176 = tpu.memref_slice %arg7[%mul3A_169] : memref<3840xi32, #tpu.memory_space<vmem>> -> memref<128xi32, #tpu.memory_space<vmem>>
        %dma_start3A_177 = arith.constant 0 : i32
        %dma_start3A_178 = arith.constant 0 : i32
        %dma_start3A_179 = tpu.memref_slice %arg4[%dma_start3A_177, %dma_start3A_178] : memref<100000x128xf32, #tpu.memory_space<hbm>> -> memref<100000x128xf32, #tpu.memory_space<hbm>>
        %dma_start3A_180 = tpu.memref_slice %arg11[%dma_start3A_171] : memref<2x!tpu.dma_semaphore, #tpu.memory_space<semaphore_mem>> -> memref<1x!tpu.dma_semaphore, #tpu.memory_space<semaphore_mem>>
        %dma_start3A_181 = tpu.memref_squeeze %dma_start3A_180 : memref<1x!tpu.dma_semaphore, #tpu.memory_space<semaphore_mem>> -> memref<!tpu.dma_semaphore, #tpu.memory_space<semaphore_mem>>
        tpu.enqueue_indirect_dma source(%dma_start3A_179 : memref<100000x128xf32, #tpu.memory_space<hbm>>) target(%dma_start3A_175 : memref<128x128xf32, #tpu.memory_space<vmem>>) offsets(%dma_start3A_176 : memref<128xi32, #tpu.memory_space<vmem>>) semaphore(%dma_start3A_181 : memref<!tpu.dma_semaphore, #tpu.memory_space<semaphore_mem>>)
      } else {
      }
      %mul3A_106 = arith.constant 2 : i32
      %mul3A_107 = arith.muli %while3A_50, %mul3A_106 : i32
      %add3A_108 = arith.constant 1 : i32
      %add3A_109 = arith.addi %mul3A_107, %add3A_108 : i32
      %dma_wait3A_110 = arith.constant 1 : i32
      %dma_wait3A_111 = arith.constant 1 : i32
      %dma_wait3A_112 = arith.constant 0 : i32
      %dma_wait3A_113 = arith.constant 0 : i32
      %dma_wait3A_114 = tpu.memref_slice %arg9[%dma_wait3A_110, %dma_wait3A_112, %dma_wait3A_113] : memref<2x128x128xf32, #tpu.memory_space<vmem>> -> memref<1x128x128xf32, #tpu.memory_space<vmem>>
      %dma_wait3A_115 = tpu.memref_squeeze %dma_wait3A_114 : memref<1x128x128xf32, #tpu.memory_space<vmem>> -> memref<128x128xf32, #tpu.memory_space<vmem>>
      %dma_wait3A_116 = arith.constant 0 : i32
      %dma_wait3A_117 = tpu.memref_slice %arg7[%dma_wait3A_116] : memref<3840xi32, #tpu.memory_space<vmem>> -> memref<128xi32, #tpu.memory_space<vmem>>
      %dma_wait3A_118 = arith.constant 0 : i32
      %dma_wait3A_119 = arith.constant 0 : i32
      %dma_wait3A_120 = tpu.memref_slice %arg4[%dma_wait3A_118, %dma_wait3A_119] : memref<100000x128xf32, #tpu.memory_space<hbm>> -> memref<100000x128xf32, #tpu.memory_space<hbm>>
      %dma_wait3A_121 = tpu.memref_slice %arg11[%dma_wait3A_111] : memref<2x!tpu.dma_semaphore, #tpu.memory_space<semaphore_mem>> -> memref<1x!tpu.dma_semaphore, #tpu.memory_space<semaphore_mem>>
      %dma_wait3A_122 = tpu.memref_squeeze %dma_wait3A_121 : memref<1x!tpu.dma_semaphore, #tpu.memory_space<semaphore_mem>> -> memref<!tpu.dma_semaphore, #tpu.memory_space<semaphore_mem>>
      tpu.wait_indirect_dma semaphore(%dma_wait3A_122 : memref<!tpu.dma_semaphore, #tpu.memory_space<semaphore_mem>>) src(%dma_wait3A_120 : memref<100000x128xf32, #tpu.memory_space<hbm>>) dst(%dma_wait3A_115 : memref<128x128xf32, #tpu.memory_space<vmem>>)
      %mul3A_123 = arith.constant 128 : i32
      %mul3A_124 = arith.muli %add3A_109, %mul3A_123 : i32
      %add3A_125 = arith.addi %mul3A_13, %mul3A_124 : i32
      %dma_start3A_126 = arith.constant 1 : i32
      %dma_start3A_127 = arith.constant 1 : i32
      %dma_start3A_128 = arith.constant 0 : i32
      %dma_start3A_129 = arith.constant 0 : i32
      %dma_start3A_130 = tpu.memref_slice %arg9[%dma_start3A_126, %dma_start3A_128, %dma_start3A_129] : memref<2x128x128xf32, #tpu.memory_space<vmem>> -> memref<1x128x128xf32, #tpu.memory_space<vmem>>
      %dma_start3A_131 = tpu.memref_squeeze %dma_start3A_130 : memref<1x128x128xf32, #tpu.memory_space<vmem>> -> memref<128x128xf32, #tpu.memory_space<vmem>>
      %dma_start3A_132 = arith.constant 0 : i32
      %dma_start3A_133 = tpu.memref_slice %arg5[%add3A_125, %dma_start3A_132] : memref<81920x128xf32, #tpu.memory_space<hbm>> -> memref<128x128xf32, #tpu.memory_space<hbm>>
      %dma_start3A_134 = tpu.memref_slice %arg12[%dma_start3A_127] : memref<2x!tpu.dma_semaphore, #tpu.memory_space<semaphore_mem>> -> memref<1x!tpu.dma_semaphore, #tpu.memory_space<semaphore_mem>>
      %dma_start3A_135 = tpu.memref_squeeze %dma_start3A_134 : memref<1x!tpu.dma_semaphore, #tpu.memory_space<semaphore_mem>> -> memref<!tpu.dma_semaphore, #tpu.memory_space<semaphore_mem>>
      %dma_start3A_136 = arith.constant 0 : i32
      %dma_start3A_137 = tpu.memref_slice %arg5[%add3A_125, %dma_start3A_136] : memref<81920x128xf32, #tpu.memory_space<hbm>> -> memref<128x128xf32, #tpu.memory_space<hbm>>
      %dma_start3A_138 = arith.constant 0 : i32
      %dma_start3A_139 = arith.constant 0 : i32
      %dma_start3A_140 = tpu.memref_slice %arg9[%dma_start3A_126, %dma_start3A_138, %dma_start3A_139] : memref<2x128x128xf32, #tpu.memory_space<vmem>> -> memref<1x128x128xf32, #tpu.memory_space<vmem>>
      %dma_start3A_141 = tpu.memref_squeeze %dma_start3A_140 : memref<1x128x128xf32, #tpu.memory_space<vmem>> -> memref<128x128xf32, #tpu.memory_space<vmem>>
      tpu.enqueue_dma source(%dma_start3A_141 : memref<128x128xf32, #tpu.memory_space<vmem>>) target(%dma_start3A_137 : memref<128x128xf32, #tpu.memory_space<hbm>>) target_semaphore(%dma_start3A_135 : memref<!tpu.dma_semaphore, #tpu.memory_space<semaphore_mem>>)
      %dma_wait3A_142 = arith.constant 1 : i32
      %dma_wait3A_143 = arith.constant 1 : i32
      %dma_wait3A_144 = arith.constant 0 : i32
      %dma_wait3A_145 = arith.constant 0 : i32
      %dma_wait3A_146 = tpu.memref_slice %arg9[%dma_wait3A_142, %dma_wait3A_144, %dma_wait3A_145] : memref<2x128x128xf32, #tpu.memory_space<vmem>> -> memref<1x128x128xf32, #tpu.memory_space<vmem>>
      %dma_wait3A_147 = tpu.memref_squeeze %dma_wait3A_146 : memref<1x128x128xf32, #tpu.memory_space<vmem>> -> memref<128x128xf32, #tpu.memory_space<vmem>>
      %dma_wait3A_148 = arith.constant 0 : i32
      %dma_wait3A_149 = arith.constant 0 : i32
      %dma_wait3A_150 = tpu.memref_slice %arg5[%dma_wait3A_148, %dma_wait3A_149] : memref<81920x128xf32, #tpu.memory_space<hbm>> -> memref<128x128xf32, #tpu.memory_space<hbm>>
      %dma_wait3A_151 = tpu.memref_slice %arg12[%dma_wait3A_143] : memref<2x!tpu.dma_semaphore, #tpu.memory_space<semaphore_mem>> -> memref<1x!tpu.dma_semaphore, #tpu.memory_space<semaphore_mem>>
      %dma_wait3A_152 = tpu.memref_squeeze %dma_wait3A_151 : memref<1x!tpu.dma_semaphore, #tpu.memory_space<semaphore_mem>> -> memref<!tpu.dma_semaphore, #tpu.memory_space<semaphore_mem>>
      %dma_wait3A_153 = arith.constant 0 : i32
      %dma_wait3A_154 = arith.constant 0 : i32
      %dma_wait3A_155 = tpu.memref_slice %arg5[%dma_wait3A_153, %dma_wait3A_154] : memref<81920x128xf32, #tpu.memory_space<hbm>> -> memref<128x128xf32, #tpu.memory_space<hbm>>
      %dma_wait3A_156 = arith.constant 0 : i32
      %dma_wait3A_157 = arith.constant 0 : i32
      %dma_wait3A_158 = tpu.memref_slice %arg9[%dma_wait3A_142, %dma_wait3A_156, %dma_wait3A_157] : memref<2x128x128xf32, #tpu.memory_space<vmem>> -> memref<1x128x128xf32, #tpu.memory_space<vmem>>
      %dma_wait3A_159 = tpu.memref_squeeze %dma_wait3A_158 : memref<1x128x128xf32, #tpu.memory_space<vmem>> -> memref<128x128xf32, #tpu.memory_space<vmem>>
      tpu.wait_dma2 semaphore(%dma_wait3A_152 : memref<!tpu.dma_semaphore, #tpu.memory_space<semaphore_mem>>) src(%dma_wait3A_159 : memref<128x128xf32, #tpu.memory_space<vmem>>) dst(%dma_wait3A_155 : memref<128x128xf32, #tpu.memory_space<hbm>>)
      %add3A_160 = arith.constant 2 : i32
      %add3A_161 = arith.addi %add3A_109, %add3A_160 : i32
      %lt3A_162 = arith.cmpi slt, %add3A_161, %select_n3A : i32
      %convert_element_type3A_163 = arith.extui %lt3A_162 : i1 to i32
      %cond3A_164 = arith.constant 0 : i32
      %cond3A_165 = arith.cmpi ne, %convert_element_type3A_163, %cond3A_164 : i32
      scf.if %cond3A_165 {
        %add3A_166 = arith.constant 2 : i32
        %add3A_167 = arith.addi %add3A_109, %add3A_166 : i32
        %mul3A_168 = arith.constant 128 : i32
        %mul3A_169 = arith.muli %add3A_167, %mul3A_168 : i32
        %dma_start3A_170 = arith.constant 1 : i32
        %dma_start3A_171 = arith.constant 1 : i32
        %dma_start3A_172 = arith.constant 0 : i32
        %dma_start3A_173 = arith.constant 0 : i32
        %dma_start3A_174 = tpu.memref_slice %arg9[%dma_start3A_170, %dma_start3A_172, %dma_start3A_173] : memref<2x128x128xf32, #tpu.memory_space<vmem>> -> memref<1x128x128xf32, #tpu.memory_space<vmem>>
        %dma_start3A_175 = tpu.memref_squeeze %dma_start3A_174 : memref<1x128x128xf32, #tpu.memory_space<vmem>> -> memref<128x128xf32, #tpu.memory_space<vmem>>
        %dma_start3A_176 = tpu.memref_slice %arg7[%mul3A_169] : memref<3840xi32, #tpu.memory_space<vmem>> -> memref<128xi32, #tpu.memory_space<vmem>>
        %dma_start3A_177 = arith.constant 0 : i32
        %dma_start3A_178 = arith.constant 0 : i32
        %dma_start3A_179 = tpu.memref_slice %arg4[%dma_start3A_177, %dma_start3A_178] : memref<100000x128xf32, #tpu.memory_space<hbm>> -> memref<100000x128xf32, #tpu.memory_space<hbm>>
        %dma_start3A_180 = tpu.memref_slice %arg11[%dma_start3A_171] : memref<2x!tpu.dma_semaphore, #tpu.memory_space<semaphore_mem>> -> memref<1x!tpu.dma_semaphore, #tpu.memory_space<semaphore_mem>>
        %dma_start3A_181 = tpu.memref_squeeze %dma_start3A_180 : memref<1x!tpu.dma_semaphore, #tpu.memory_space<semaphore_mem>> -> memref<!tpu.dma_semaphore, #tpu.memory_space<semaphore_mem>>
        tpu.enqueue_indirect_dma source(%dma_start3A_179 : memref<100000x128xf32, #tpu.memory_space<hbm>>) target(%dma_start3A_175 : memref<128x128xf32, #tpu.memory_space<vmem>>) offsets(%dma_start3A_176 : memref<128xi32, #tpu.memory_space<vmem>>) semaphore(%dma_start3A_181 : memref<!tpu.dma_semaphore, #tpu.memory_space<semaphore_mem>>)
      } else {
      }
    }
    return
  }
}

module attributes {stable_mosaic.version = 14 : i64} {
  func.func @_tc_body(%arg0: i32, %arg1: memref<5120x128xf32, #tpu.memory_space<vmem>>, %arg2: memref<160x128xf32, #tpu.memory_space<vmem>>, %arg3: memref<128x128xbf16, #tpu.memory_space<vmem>>, %arg4: memref<128x128xbf16, #tpu.memory_space<vmem>>, %arg5: memref<1x128xf32, #tpu.memory_space<vmem>>, %arg6: memref<128x128xbf16, #tpu.memory_space<vmem>>, %arg7: memref<1x128xf32, #tpu.memory_space<vmem>>, %arg8: memref<128x1xbf16, #tpu.memory_space<vmem>>, %arg9: memref<160x128xf32, #tpu.memory_space<vmem>>) attributes {dimension_semantics = [#tpu.dimension_semantics<arbitrary>], iteration_bounds = array<i64: 16>, scalar_prefetch = 0 : i64, scratch_operands = 0 : i64, tpu.core_type = #tpu.core_type<tc>, window_params = [{transform_indices = @transform_0, window_bounds = array<i64: 5120, 128>}, {transform_indices = @transform_1, window_bounds = array<i64: 160, 128>}, {pipeline_mode = #tpu.pipeline_mode<synchronous>, transform_indices = @transform_2, window_bounds = array<i64: 128, 128>}, {pipeline_mode = #tpu.pipeline_mode<synchronous>, transform_indices = @transform_3, window_bounds = array<i64: 128, 128>}, {pipeline_mode = #tpu.pipeline_mode<synchronous>, transform_indices = @transform_4, window_bounds = array<i64: 1, 128>}, {pipeline_mode = #tpu.pipeline_mode<synchronous>, transform_indices = @transform_5, window_bounds = array<i64: 128, 128>}, {pipeline_mode = #tpu.pipeline_mode<synchronous>, transform_indices = @transform_6, window_bounds = array<i64: 1, 128>}, {pipeline_mode = #tpu.pipeline_mode<synchronous>, transform_indices = @transform_7, window_bounds = array<i64: 128, 1>}, {transform_indices = @transform_8, window_bounds = array<i64: 160, 128>}]} {
    %get3A = arith.constant 0 : index
    %get3A_0 = arith.constant 0 : index
    %get3A_1 = vector.load %arg1[%get3A, %get3A_0] : memref<5120x128xf32, #tpu.memory_space<vmem>>, vector<5120x128xf32>
    %convert_element_type3A = arith.truncf %get3A_1 : vector<5120x128xf32> to vector<5120x128xbf16>
    %get3A_2 = arith.constant 0 : index
    %get3A_3 = arith.constant 0 : index
    %get3A_4 = vector.load %arg3[%get3A_2, %get3A_3] : memref<128x128xbf16, #tpu.memory_space<vmem>>, vector<128x128xbf16>
    %dot_general3A = arith.constant dense<0.000000e+00> : vector<5120x128xf32>
    %dot_general3A_5 = tpu.matmul %convert_element_type3A, %get3A_4, %dot_general3A {dimension_numbers = #tpu.dot_dimension_numbers<[1], [0], [0], [1], [0, 0, 1, 1], [], []>, transpose_lhs_hint = false} : vector<5120x128xbf16>, vector<128x128xbf16>, vector<5120x128xf32> -> vector<5120x128xf32>
    %get3A_6 = arith.constant 0 : index
    %get3A_7 = arith.constant 0 : index
    %get3A_8 = vector.load %arg2[%get3A_6, %get3A_7] : memref<160x128xf32, #tpu.memory_space<vmem>>, vector<160x128xf32>
    %convert_element_type3A_9 = arith.truncf %get3A_8 : vector<160x128xf32> to vector<160x128xbf16>
    %get3A_10 = arith.constant 0 : index
    %get3A_11 = arith.constant 0 : index
    %get3A_12 = vector.load %arg4[%get3A_10, %get3A_11] : memref<128x128xbf16, #tpu.memory_space<vmem>>, vector<128x128xbf16>
    %dot_general3A_13 = arith.constant dense<0.000000e+00> : vector<160x128xf32>
    %dot_general3A_14 = tpu.matmul %convert_element_type3A_9, %get3A_12, %dot_general3A_13 {dimension_numbers = #tpu.dot_dimension_numbers<[1], [0], [0], [1], [0, 0, 1, 1], [], []>, transpose_lhs_hint = false} : vector<160x128xbf16>, vector<128x128xbf16>, vector<160x128xf32> -> vector<160x128xf32>
    %reshape3A = vector.shape_cast %dot_general3A_5 : vector<5120x128xf32> to vector<160x32x128xf32>
    %broadcast_in_dim3A = vector.shape_cast %dot_general3A_14 : vector<160x128xf32> to vector<160x1x128xf32>
    %add3A = vector.broadcast %broadcast_in_dim3A : vector<160x1x128xf32> to vector<160x32x128xf32>
    %add3A_15 = arith.addf %reshape3A, %add3A : vector<160x32x128xf32>
    %get3A_16 = arith.constant 0 : index
    %get3A_17 = arith.constant 0 : index
    %get3A_18 = vector.load %arg5[%get3A_16, %get3A_17] : memref<1x128xf32, #tpu.memory_space<vmem>>, vector<1x128xf32>
    %broadcast_in_dim3A_19 = vector.shape_cast %get3A_18 : vector<1x128xf32> to vector<1x1x128xf32>
    %add3A_20 = vector.broadcast %broadcast_in_dim3A_19 : vector<1x1x128xf32> to vector<160x32x128xf32>
    %add3A_21 = arith.addf %add3A_15, %add3A_20 : vector<160x32x128xf32>
    %max3A = arith.constant 0.000000e+00 : f32
    %max3A_22 = vector.broadcast %max3A : f32 to vector<160x32x128xf32>
    %max3A_23 = arith.maximumf %add3A_21, %max3A_22 : vector<160x32x128xf32>
    %reshape3A_24 = vector.shape_cast %max3A_23 : vector<160x32x128xf32> to vector<5120x128xf32>
    %convert_element_type3A_25 = arith.truncf %reshape3A_24 : vector<5120x128xf32> to vector<5120x128xbf16>
    %get3A_26 = arith.constant 0 : index
    %get3A_27 = arith.constant 0 : index
    %get3A_28 = vector.load %arg6[%get3A_26, %get3A_27] : memref<128x128xbf16, #tpu.memory_space<vmem>>, vector<128x128xbf16>
    %dot_general3A_29 = arith.constant dense<0.000000e+00> : vector<5120x128xf32>
    %dot_general3A_30 = tpu.matmul %convert_element_type3A_25, %get3A_28, %dot_general3A_29 {dimension_numbers = #tpu.dot_dimension_numbers<[1], [0], [0], [1], [0, 0, 1, 1], [], []>, transpose_lhs_hint = false} : vector<5120x128xbf16>, vector<128x128xbf16>, vector<5120x128xf32> -> vector<5120x128xf32>
    %get3A_31 = arith.constant 0 : index
    %get3A_32 = arith.constant 0 : index
    %get3A_33 = vector.load %arg7[%get3A_31, %get3A_32] : memref<1x128xf32, #tpu.memory_space<vmem>>, vector<1x128xf32>
    %add3A_34 = vector.broadcast %get3A_33 : vector<1x128xf32> to vector<5120x128xf32>
    %add3A_35 = arith.addf %dot_general3A_30, %add3A_34 : vector<5120x128xf32>
    %max3A_36 = arith.constant 0.000000e+00 : f32
    %max3A_37 = vector.broadcast %max3A_36 : f32 to vector<5120x128xf32>
    %max3A_38 = arith.maximumf %add3A_35, %max3A_37 : vector<5120x128xf32>
    %convert_element_type3A_39 = arith.truncf %max3A_38 : vector<5120x128xf32> to vector<5120x128xbf16>
    %get3A_40 = arith.constant 0 : index
    %get3A_41 = arith.constant 0 : index
    %get3A_42 = vector.load %arg8[%get3A_40, %get3A_41] : memref<128x1xbf16, #tpu.memory_space<vmem>>, vector<128x1xbf16>
    %dot_general3A_43 = arith.constant dense<0.000000e+00> : vector<5120x1xf32>
    %dot_general3A_44 = tpu.matmul %convert_element_type3A_39, %get3A_42, %dot_general3A_43 {dimension_numbers = #tpu.dot_dimension_numbers<[1], [0], [0], [1], [0, 0, 1, 1], [], []>, transpose_lhs_hint = false} : vector<5120x128xbf16>, vector<128x1xbf16>, vector<5120x1xf32> -> vector<5120x1xf32>
    %reshape3A_45 = vector.shape_cast %dot_general3A_44 : vector<5120x1xf32> to vector<160x32x1xf32>
    %reduce_max3A = arith.constant dense<0xFF800000> : vector<160x1xf32>
    %reduce_max3A_46 = vector.multi_reduction <maximumf>, %reshape3A_45, %reduce_max3A [1] : vector<160x32x1xf32> to vector<160x1xf32>
    %broadcast_in_dim3A_47 = vector.shape_cast %reduce_max3A_46 : vector<160x1xf32> to vector<160x1x1xf32>
    %sub3A = vector.broadcast %broadcast_in_dim3A_47 : vector<160x1x1xf32> to vector<160x32x1xf32>
    %sub3A_48 = arith.subf %reshape3A_45, %sub3A : vector<160x32x1xf32>
    %exp3A = math.exp %sub3A_48 : vector<160x32x1xf32>
    %reduce_sum3A = arith.constant dense<0.000000e+00> : vector<160x1xf32>
    %reduce_sum3A_49 = vector.multi_reduction <add>, %exp3A, %reduce_sum3A [1] : vector<160x32x1xf32> to vector<160x1xf32>
    %broadcast_in_dim3A_50 = vector.shape_cast %reduce_sum3A_49 : vector<160x1xf32> to vector<160x1x1xf32>
    %div3A = vector.broadcast %broadcast_in_dim3A_50 : vector<160x1x1xf32> to vector<160x32x1xf32>
    %div3A_51 = arith.divf %exp3A, %div3A : vector<160x32x1xf32>
    %reshape3A_52 = vector.shape_cast %get3A_1 : vector<5120x128xf32> to vector<160x32x128xf32>
    %mul3A = vector.broadcast %div3A_51 : vector<160x32x1xf32> to vector<160x32x128xf32>
    %mul3A_53 = arith.mulf %mul3A, %reshape3A_52 : vector<160x32x128xf32>
    %reduce_sum3A_54 = arith.constant dense<0.000000e+00> : vector<160x128xf32>
    %reduce_sum3A_55 = vector.multi_reduction <add>, %mul3A_53, %reduce_sum3A_54 [1] : vector<160x32x128xf32> to vector<160x128xf32>
    %swap3A = arith.constant 0 : index
    %swap3A_56 = arith.constant 0 : index
    %swap3A_57 = vector.load %arg9[%swap3A, %swap3A_56] : memref<160x128xf32, #tpu.memory_space<vmem>>, vector<160x128xf32>
    tpu.vector_store %arg9[%swap3A, %swap3A_56], %reduce_sum3A_55 {strides = array<i32>} : memref<160x128xf32, #tpu.memory_space<vmem>>, vector<160x128xf32>,
    return
  }
  func.func @transform_0(%arg0: i32) -> (i32, i32) {
    %c0_i32 = arith.constant 0 : i32
    %c0_i32_0 = arith.constant 0 : i32
    return %arg0, %c0_i32 : i32, i32
  }
  func.func @transform_1(%arg0: i32) -> (i32, i32) {
    %c0_i32 = arith.constant 0 : i32
    %c0_i32_0 = arith.constant 0 : i32
    return %arg0, %c0_i32 : i32, i32
  }
  func.func @transform_2(%arg0: i32) -> (i32, i32) {
    %c0_i32 = arith.constant 0 : i32
    %c0_i32_0 = arith.constant 0 : i32
    %c0_i32_1 = arith.constant 0 : i32
    return %c0_i32, %c0_i32_0 : i32, i32
  }
  func.func @transform_3(%arg0: i32) -> (i32, i32) {
    %c0_i32 = arith.constant 0 : i32
    %c0_i32_0 = arith.constant 0 : i32
    %c0_i32_1 = arith.constant 0 : i32
    return %c0_i32, %c0_i32_0 : i32, i32
  }
  func.func @transform_4(%arg0: i32) -> (i32, i32) {
    %c0_i32 = arith.constant 0 : i32
    %c0_i32_0 = arith.constant 0 : i32
    %c0_i32_1 = arith.constant 0 : i32
    return %c0_i32, %c0_i32_0 : i32, i32
  }
  func.func @transform_5(%arg0: i32) -> (i32, i32) {
    %c0_i32 = arith.constant 0 : i32
    %c0_i32_0 = arith.constant 0 : i32
    %c0_i32_1 = arith.constant 0 : i32
    return %c0_i32, %c0_i32_0 : i32, i32
  }
  func.func @transform_6(%arg0: i32) -> (i32, i32) {
    %c0_i32 = arith.constant 0 : i32
    %c0_i32_0 = arith.constant 0 : i32
    %c0_i32_1 = arith.constant 0 : i32
    return %c0_i32, %c0_i32_0 : i32, i32
  }
  func.func @transform_7(%arg0: i32) -> (i32, i32) {
    %c0_i32 = arith.constant 0 : i32
    %c0_i32_0 = arith.constant 0 : i32
    %c0_i32_1 = arith.constant 0 : i32
    return %c0_i32, %c0_i32_0 : i32, i32
  }
  func.func @transform_8(%arg0: i32) -> (i32, i32) {
    %c0_i32 = arith.constant 0 : i32
    %c0_i32_0 = arith.constant 0 : i32
    return %arg0, %c0_i32 : i32, i32
  }
}

</mosaic_0001>

<sc_bundles>
// kernel: kernel.10.cloned.1.call-start
scs
__scs_entry_jumppad:
0x0: {  	(pc) =	sbr.rel $0x88, $3  }
0x1: {  	(tag) =	ssettag $0x0;
	lr =	simm.s32 $0x1  }
0x2: {  	[smem:$0x3F99] =	sst lr;
	_ =	strace $0xD0000000  }
0x3: {  	_ = 	snop  }
0x4: {  	_ = 	snop  }
0x5: {  	_ = 	snop  }
0x6: {  	_ = 	snop  }
0x7: {  	_ = 	snop  }
__scs_overlays_trampoline_lowered:
0x8: {  	[smem:$0x3FA8] =	sst s0  }
0x9: {  	[smem:$0x3FA9] =	sst s1  }
0xa: {  	[smem:$0x3FAA] =	sst s2  }
0xb: {  	[smem:$0x3FAB] =	sst s3  }
0xc: {  	[smem:$0x3FAC] =	sst s4  }
0xd: {  	[smem:$0x3FAD] =	sst s5  }
0xe: {  	[smem:$0x3FAE] =	sst s6  }
0xf: {  	[smem:$0x3FAF] =	sst s7  }
0x10: {  	[smem:$0x3FB0] =	sst s8  }
0x11: {  	[smem:$0x3FB1] =	sst s9;
	s0 =	simm.s32 @!p0 $0x0  }
0x12: {  	s1 =	sld [smem:$0x3F97];
	s0 =	simm.s32 @p0 $0x1  }
0x13: {  	[smem:$0x3FB2] =	sst s0;
	s0 =	simm.s32 @!p1 $0x0  }
0x14: {  	s2 =	sld [smem:$0x3F96];
	s0 =	simm.s32 @p1 $0x1  }
0x15: {  	[smem:$0x3FB3] =	sst s0;
	s0 =	simm.s32 @!p2 $0x0  }
0x16: {  	s3 =	sld [smem:$0x3FDB];
	s0 =	simm.s32 @p2 $0x1  }
0x17: {  	s4 =	simm.s32 $0x1BF5;
	[smem:$0x3FB5] =	sst s0  }
0x18: {  	s0 =	sld [smem:$0x3F98];
	_ =	swait.ge [sflag:s4], $0x0  }
0x19: {  	s7 =	sld [smem:$0x3F99]  }
0x1a: {  	s8 =	sadd.s32 $0xFFFFE003, lr  }
0x1b: {  	s9 =	sadd.s32 $0xFFFFFEF7, lr;
	s5 =	simm.s32 $0xFFFFFFFF;
	p2 =	slt.u32 s8, $0xFFFFF086  }
0x1c: {  	p1 =	slt.u32 s9, $0xF7A;
	s5 =	simm.s32 @!p2 $0x0  }
0x1d: {  	s5 =	simm.s32 @p1 $0x1;
	p0 =	seq.s32 s7, s2  }
0x1e: {  	s7 =	smul.u32 @!p0 $0xF7A, s2;
	p2 =	seq.s32 @!p0 s5, $0x0  }
0x1f: {  	s9 =	smul.u32 $0xF7A, s1;
	s8 =	simm.s32 @!p0 $0x1BF5;
	p2 =	por !p2, p0  }
0x20: {  	[sflag:s8] =	ssyncset.s32 @!p0 $0xFFFFF086;
	s6 =	sadd.s32 @!p0 s3, s7;
	s7 =	simm.s32 @!p0 $0x108  }
0x21: {  	s3 =	sadd.s32 s3, s9;
	s6 =	sadd.s32 @!p0 $0x88, s6;
	s7 =	simm.s32 @p2 $0x1082  }
0x22: {  	[simem:s7], [sflag:s8] =	dma.local @!p0 [hbm:s6], $0xF7A  }
0x23: {  	s9 =	sor.u32 $0xD0000000, s2;
	s6 =	simm.s32 $0x108;
	_ =	swait.ge @!p0 [sflag:s8], $0x0  }
0x24: {  	s3 =	sadd.s32 $0x88, s3;
	s6 =	simm.s32 @!p1 $0x1082;
	[sflag:s4] =	ssyncset.s32 $0xFFFFF086  }
0x25: {  	[simem:s6], [sflag:s4] =	dma.local [hbm:s3], $0xF7A  }
0x26: {  	[smem:$0x3F99] =	sst s1;
	(tag) =	ssettag s2;
	_ =	strace s9  }
0x27: {  	s1 =	sld [smem:$0x3FA9]  }
0x28: {  	s2 =	sld [smem:$0x3FAA]  }
0x29: {  	s4 =	sld [smem:$0x3FAC]  }
0x2a: {  	p0 =	seq.s32 s5, $0x0;
	s5 =	sld [smem:$0x3FAD]  }
0x2b: {  	s6 =	sld [smem:$0x3FAE]  }
0x2c: {  	s7 =	sld [smem:$0x3FAF]  }
0x2d: {  	s3 =	simm.s32 $0x108;
	s8 =	sld [smem:$0x3FB0]  }
0x2e: {  	s3 =	simm.s32 @!p0 $0x1082;
	s9 =	sld [smem:$0x3FB1]  }
0x2f: {  	lr =	sadd.s32 s0, s3;
	s0 =	sld [smem:$0x3FA8]  }
0x30: {  	s3 =	sld [smem:$0x3FAB]  }
0x31: {  	[smem:$0x3FB4] =	sst s10  }
0x32: {  	s10 =	sld [smem:$0x3FB2];
	_ =	sdelay $0x3  }
0x33: {  	p0 =	seq.s32 s10, $0x1;
	s10 =	sld [smem:$0x3FB4];
	_ =	sdelay $0x3  }
0x34: {  	[smem:$0x3FB4] =	sst s10  }
0x35: {  	s10 =	sld [smem:$0x3FB3];
	_ =	sdelay $0x3  }
0x36: {  	p1 =	seq.s32 s10, $0x1;
	s10 =	sld [smem:$0x3FB4];
	_ =	sdelay $0x3  }
0x37: {  	[smem:$0x3FB4] =	sst s10  }
0x38: {  	s10 =	sld [smem:$0x3FB5]  }
0x39: {  	_ = 	snop;
	(pc) =	sbr.ind lr, $3  }
0x3a: {  	_ = 	snop  }
0x3b: {  	_ = 	snop  }
0x3c: {  	p2 =	seq.s32 s10, $0x1;
	s10 =	sld [smem:$0x3FB4]  }
0x3d: {  	_ =	shalt  }
0x3e: {  	_ =	shalt  }
0x3f: {  	_ =	shalt  }
0x40: {  	_ =	shalt  }
0x41: {  	_ =	shalt  }
0x42: {  	_ =	shalt  }
0x43: {  	_ =	shalt  }
0x44: {  	_ =	shalt  }
0x45: {  	_ =	shalt  }
0x46: {  	_ =	shalt  }
0x47: {  	_ =	shalt  }
0x48: {  	_ =	shalt  }
0x49: {  	_ =	shalt  }
0x4a: {  	_ =	shalt  }
0x4b: {  	_ =	shalt  }
0x4c: {  	_ =	shalt  }
0x4d: {  	_ =	shalt  }
0x4e: {  	_ =	shalt  }
0x4f: {  	_ =	shalt  }
0x50: {  	_ =	shalt  }
0x51: {  	_ =	shalt  }
0x52: {  	_ =	shalt  }
0x53: {  	_ =	shalt  }
0x54: {  	_ =	shalt  }
0x55: {  	_ =	shalt  }
0x56: {  	_ =	shalt  }
0x57: {  	_ =	shalt  }
0x58: {  	_ =	shalt  }
0x59: {  	_ =	shalt  }
0x5a: {  	_ =	shalt  }
0x5b: {  	_ =	shalt  }
0x5c: {  	_ =	shalt  }
0x5d: {  	_ =	shalt  }
0x5e: {  	_ =	shalt  }
0x5f: {  	_ =	shalt  }
0x60: {  	_ =	shalt  }
0x61: {  	_ =	shalt  }
0x62: {  	_ =	shalt  }
0x63: {  	_ =	shalt  }
0x64: {  	_ =	shalt  }
0x65: {  	_ =	shalt  }
0x66: {  	_ =	shalt  }
0x67: {  	_ =	shalt  }
0x68: {  	_ =	shalt  }
0x69: {  	_ =	shalt  }
0x6a: {  	_ =	shalt  }
0x6b: {  	_ =	shalt  }
0x6c: {  	_ =	shalt  }
0x6d: {  	_ =	shalt  }
0x6e: {  	_ =	shalt  }
0x6f: {  	_ =	shalt  }
0x70: {  	_ =	shalt  }
0x71: {  	_ =	shalt  }
0x72: {  	_ =	shalt  }
0x73: {  	_ =	shalt  }
0x74: {  	_ =	shalt  }
0x75: {  	_ =	shalt  }
0x76: {  	_ =	shalt  }
0x77: {  	_ =	shalt  }
0x78: {  	_ =	shalt  }
0x79: {  	_ =	shalt  }
0x7a: {  	_ =	shalt  }
0x7b: {  	_ =	shalt  }
0x7c: {  	_ =	shalt  }
0x7d: {  	_ =	shalt  }
0x7e: {  	_ =	shalt  }
0x7f: {  	_ =	shalt  }
0x80: {  	_ =	shalt  }
0x81: {  	_ =	shalt  }
0x82: {  	_ =	shalt  }
0x83: {  	_ =	shalt  }
0x84: {  	_ =	shalt  }
0x85: {  	_ =	shalt  }
0x86: {  	_ =	shalt  }
0x87: {  	_ =	shalt  }
.Lfunc_end0:
.L_simem_size_0:
called_computation_lowered:
.L_overlay_start_0:
0x88: {  	s2 =	sld [smem:$0x3FD9]  }
0x89: {  	s3 =	sld [smem:$0x3FFE];
	_ =	sdelay $0x1  }
0x8a: {  	s1 =	srdreg.scid  }
0x8b: {  	s0 =	sand.u32 $0x1, s1  }
0x8c: {  	s17 =	sshll.u32 s0, $0xA;
	s2 =	sadd.s32 s3, s2  }
0x8d: {  	s2 =	sadd.s32 s2, s17  }
0x8e: {  	[smem:$0x3FC0] =	sst s2  }
0x8f: {  	_ = 	snop  }
0x90: {  	s2 =	sld [smem:$0x3FC7];
	(tm) =	ssettm $0x1  }
0x91: {  	s18 =	sld [smem:$0x3FFB];
	_ =	sdelay $0x3  }
0x92: {  	_ =	strace s18  }
0x93: {  	s3 =	sld [smem:$0x3FFC];
	_ =	sdelay $0x3  }
0x94: {  	_ =	strace s3  }
0x95: {  	s3 =	sld [smem:$0x3FFD];
	_ =	sdelay $0x3  }
0x96: {  	_ =	strace s3  }
0x97: {  	_ =	strace $0x8FFFFFFF  }
0x98: {  	s19 =	sld [smem:$0x3FDB];
	_ =	sdelay $0x1  }
0x99: {  	s4 =	simm.s32 $_scs_section_size  }
0x9a: {  	s5 =	simm.s32 $_size__tile_overlayer_lowered;
	s6 =	simm.s32 $_tile_overlayer_lowered  }
0x9b: {  	s22 =	simm.s32 $0x1BFF;
	s21 =	sshll.u32 s6, $0x1;
	s3 =	sadd.s32 s4, s19  }
0x9c: {  	s7 =	simm.s32 $0x0;
	s20 =	sshll.u32 s5, $0x1;
	s5 =	sadd.s32 s21, s3  }
0x9d: {  	[timem:s7], [sflag:s22] =	dma.local [hbm:s5], s20  }
0x9e: {  	_ =	swait.ge [sflag:s22], s20  }
0x9f: {  	s4 =	ssub.s32 $0x0, s20;
	[sflag:s22] =	ssyncset.done $0x0  }
0xa0: {  	[sflag:s22] =	ssyncadd.s32 s4;
	_ =	sdelay $0x1  }
0xa1: {  	s23 =	simm.s32 $0x1B8B  }
0xa2: {  	_ =	swait.ge [sflag:s23], $0x1  }
0xa3: {  	[sflag:s23] =	ssyncset.done $0x0  }
0xa4: {  	s25 =	simm.s32 $0x1B8E;
	s24 =	sld [smem:$0x3FFE];
	[sflag:s23] =	ssyncadd.s32 $0xFFFFFFFF  }
0xa5: {  	s26 =	simm.s32 $execute0_lowered;
	[smem:$0x3FD2] =	sst s25  }
0xa6: {  	s5 =	sshll.u32 s26, $0x1;
	_ =	strace $0x80000046;
	[dreg:$0x1] =	wrdreg $0xFFFFFFFF  }
0xa7: {  	s28 =	simm.s32 $_size_execute0_lowered;
	s3 =	sadd.s32 s3, s5;
	[dreg:$0x0] =	wrdreg $0x0  }
0xa8: {  	s5 =	sshll.u32 s28, $0x1;
	[dreg:$0x2] =	wrdreg s3  }
0xa9: {  	[dreg:$0x3] =	wrdreg s5  }
0xaa: {  	[dreg:$0x4] =	wrdreg $0xC0  }
0xab: {  	_ =	task [dreg:s7], $0x5FFFF  }
0xac: {  	[dreg:$0x1] =	wrdreg $0xFFFFFFFF  }
0xad: {  	[dreg:$0x0] =	wrdreg $0x60  }
0xae: {  	[dreg:$0x2] =	wrdreg s24  }
0xaf: {  	[dreg:$0x3] =	wrdreg s2  }
0xb0: {  	[dreg:$0x4] =	wrdreg $0x9  }
0xb1: {  	_ =	task.clear_ibuf [dreg:s7], $0x5FFFF;
	_ =	strace $0x90000046  }
0xb2: {  	s29 =	simm.s32 $0x9;
	_ =	strace $0x80000048  }
0xb3: {  	_ =	swait.ge [sflag:s29], $0x1  }
0xb4: {  	[sflag:s29] =	ssyncadd.s32 $0xFFFFFFFF  }
0xb5: {  	_ =	strace $0x90000048  }
0xb6: {  	_ =	sfence  }
0xb7: {  	s30 =	sld [smem:$0x0];
	_ =	sdelay $0x2  }
0xb8: {  	s31 =	sshll.u32 s1, $0xD;
	s1 =	sshrl.u32 s1, $0x2  }
0xb9: {  	s3 =	sand.u32 $0x4000, s31;
	s1 =	sadd.s32 s1, s30  }
0xba: {  	s0 =	sor.u32 s3, s0;
	s1 =	sshll.u32 s1, $0x11  }
0xbb: {  	s0 =	sor.u32 s1, s0  }
0xbc: {  	s0 =	sadd.s32 $0x8F2B, s0  }
0xbd: {  	[sflag:s0] =	ssyncadd.remote.s32 $0x1  }
0xbe: {  	_ =	sfence.sel $0xFFFF  }
0xbf: {  	[dreg:$0x0] =	wrdreg $0xFFFFFFFF;
	(pc) =	sbr.abs _section_cstart, $3  }
0xc0: {  	[dreg:$0x1] =	wrdreg $0xFFFFFFFF  }
0xc1: {  	_ =	task.clear_ibuf [dreg:s7], $0x2FFFF;
	_ =	strace $0x9FFFFFFF  }
0xc2: {  	(tm) =	ssettm $0x7FFFFFFF  }
0xc3: {  	_ =	shalt  }
tec
execute0_lowered:
.L_overlay_start_1:
0x0: {  	(tag) =	ssettag $0x1  }
0x1: {  	s0 =	rddreg [dreg:$0x0]  }
0x2: {  	s2 =	rddreg [dreg:$0x1]  }
0x3: {  	s6 =	stileid.u32;
	s1 =	srdreg.scid;
	s3 =	simm.s32 $0x0  }
0x4: {  	s28 =	simm.s32 $0xF00;
	s29 =	simm.s32 $0x28;
	s4 =	smul.u32 $0xA, s6  }
0x5: {  	s30 =	simm.s32 $0x9300;
	s1 =	sand.u32 $0x1, s1;
	s5 =	smul.u32 $0x1E, s6  }
0x6: {  	s16 =	sshll.u32 s6, $0x4;
	[smem:$0x7FF] =	sst s3;
	p0 =	seq.s32 s1, $0x0  }
0x7: {  	s17 =	sshll.u32 s1, $0x3;
	s8 =	ssub.s32 $0x2, s1;
	s4 =	sadd.s32 $0x1E0, s4  }
0x8: {  	_ =	strace $0x80000047;
	s20 =	sshrl.u32 s8, $0x1;
	s4 =	smov.u32 @p0 s5  }
0x9: {  	s5 =	sor.u32 s17, s16;
	s21 =	ssub.s32 s8, s20;
	s20 =	simm.s32 $0x80  }
0xa: {  	s7 =	sshll.u32 s4, $0x4;
	s19 =	sshll.u32 s5, $0x4;
	s4 =	sshll.u32 s4, $0xB  }
0xb: {  	s5 =	smul.u32 $0x280, s5;
	s18 =	sadd.s32 s7, s0;
	s7 =	sadd.s32 s19, s0  }
0xc: {  	s9 =	sadd.s32 s4, s0;
	s4 =	simm.s32 $0x1E;
	s19 =	simm.s32 $0x5  }
0xd: {  	s0 =	sadd.s32 s5, s0;
	s4 =	simm.s32 @!p0 $0xA;
	s22 =	sadd.s32 $0x3200, s18  }
0xe: {  	s6 =	sadd.s32 $0x32A0, s18;
	s7 =	sadd.s32 $0x5A00, s7;
	[dreg:$0x3] =	wrdreg s22  }
0xf: {  	s5 =	smax.u32 s21, $0x1;
	s8 =	sadd.s32 $0x2F200, s9;
	[dreg:$0x4] =	wrdreg s6  }
0x10: {  	p0 =	sne.s32 s1, $0x0;
	s21 =	simm.s32 $0x1300;
	[dreg:$0x5] =	wrdreg s7  }
0x11: {  	s1 =	simm.s32 $0x0;
	s23 =	sshrl.u32 s4, $0x1;
	[dreg:$0x6] =	wrdreg s5  }
0x12: {  	s24 =	sadd.s32 $0x6A00, s0;
	s25 =	sadd.s32 $0x6C80, s0;
	s26 =	sadd.s32 $0x6F00, s0  }
0x13: {  	s31 =	sadd.s32 $0x7180, s0;
	s13 =	sadd.s32 $0x7400, s0;
	[dreg:$0x7] =	wrdreg s24  }
0x14: {  	s14 =	sadd.s32 $0x7680, s0;
	s15 =	sadd.s32 $0x7900, s0;
	[dreg:$0x8] =	wrdreg s25  }
0x15: {  	s16 =	sadd.s32 $0x7B80, s0;
	s22 =	simm.s32 $0x5300;
	[dreg:$0x9] =	wrdreg s26  }
0x16: {  	[dreg:$0xa] =	wrdreg s31;
	s17 =	sadd.s32 $0xFFFFFFFF, s23;
	s23 =	simm.s32 $0x1  }
0x17: {  	s24 =	simm.s32 $0x3;
	s25 =	simm.s32 $0x2;
	s26 =	simm.s32 $0x4  }
.LBB2_1:
0x18: {  	s0 =	rddreg [dreg:$0x3]  }
0x19: {  	[tilespmem:s3], [sflag:$0x5] =	stream.linear.gather [hbm4b:s0+s3], $0x500, $0x38;
	[tilespmem:$0xA700] =	vst v63  }
0x1a: {  	_ =	swait.ge [sflag:s19], $0x500  }
0x1b: {  	s5 =	simm.s32 @!p0 $0x500;
	[sflag:s19] =	ssyncset.done $0x0  }
0x1c: {  	s0 =	simm.s32 @!p0 $0x0;
	s6 =	rddreg [dreg:$0x4];
	[sflag:s19] =	ssyncadd.s32 $0xFFFFFB00  }
0x1d: {  	[tilespmem:s5], [sflag:$0x5] =	stream.linear.gather @!p0 [hbm4b:s6+s0], $0xA00, $0x38;
	[tilespmem:$0xA700] =	vst v63  }
0x1e: {  	s0 =	simm.s32 @!p0 $0x5  }
0x1f: {  	_ =	swait.ge @!p0 [sflag:s0], $0xA00  }
0x20: {  	[sflag:s0] =	ssyncset.done @!p0 $0x0  }
0x21: {  	[sflag:s0] =	ssyncadd.s32 @!p0 $0xFFFFF600  }
0x22: {  	[tilespmem:s21], [sflag:$0x1] =	stream.indirect.gather [hbm4b:s2+s20], $0x80, s3, s20, $0xb8;
	[tilespmem:$0xA700] =	vst v63  }
0x23: {  	_ = 	snop  }
0x24: {  	[tilespmem:s22], [sflag:$0x2] =	stream.indirect.gather [hbm4b:s2+s20], $0x80, s20, s20, $0xb8;
	[tilespmem:$0xA700] =	vst v63  }
0x25: {  	_ =	swait.ge [sflag:s23], $0x4000  }
0x26: {  	[sflag:s23] =	ssyncset.done $0x0  }
0x27: {  	s18 =	sadd.s32 $0xFFFFF800, s8;
	[sflag:s23] =	ssyncadd.s32 $0xFFFFC000  }
0x28: {  	[hbm4b:s18+s3] =	stream.linear.scatter [tilespmem:s21], [sflag:$0x3], $0x4000, $0x38;
	[tilespmem:$0xA700] =	vst v63  }
0x29: {  	p1 =	sle.u32 s4, $0x2;
	_ =	swait.ge [sflag:s24], $0x4000  }
0x2a: {  	s5 =	simm.s32 @!p1 $0x80;
	[sflag:s24] =	ssyncset.done $0x0  }
0x2b: {  	s6 =	simm.s32 @!p1 $0x1300;
	s0 =	simm.s32 @!p1 $0x100;
	[sflag:s24] =	ssyncadd.s32 $0xFFFFC000  }
0x2c: {  	[tilespmem:s6], [sflag:$0x1] =	stream.indirect.gather @!p1 [hbm4b:s2+s5], $0x80, s0, s5, $0xb8;
	[tilespmem:$0xA700] =	vst v63  }
0x2d: {  	s6 =	sadd.s32 $0xFFFFFFFF, s17  }
0x2e: {  	s7 =	simm.s32 $0x180;
	_ =	swait.ge [sflag:s25], $0x4000;
	p1 =	sne.s32 s6, $0x0  }
.Ltmp0:
0x2f: {  	p2 =	sle.u32 s4, $0x3;
	[sflag:s25] =	ssyncset.done $0x0;
	(pc) =	sbr.rel @!p1 .LBB2_3-.Ltmp0, $4  }
0x30: {  	s31 =	simm.s32 $0x5;
	s9 =	simm.s32 @!p2 $0x80;
	[sflag:s25] =	ssyncadd.s32 $0xFFFFC000  }
0x31: {  	[hbm4b:s8+s3] =	stream.linear.scatter [tilespmem:s22], [sflag:$0x4], $0x4000, $0x38;
	[tilespmem:$0xA700] =	vst v63  }
0x32: {  	s10 =	simm.s32 @!p2 $0x5300;
	s18 =	smov.u32 s8;
	_ =	swait.ge [sflag:s26], $0x4000  }
0x33: {  	s0 =	simm.s32 $0x280;
	s5 =	simm.s32 $0x180;
	[sflag:s26] =	ssyncset.done $0x0  }
.LBB2_2:
0x34: {  	s5 =	smov.u32 s0  }
0x35: {  	s6 =	sadd.s32 $0xFFFFFFFF, s6;
	s18 =	sadd.s32 $0x1000, s18;
	[sflag:s26] =	ssyncadd.s32 $0xFFFFC000  }
0x36: {  	[tilespmem:s10], [sflag:$0x2] =	stream.indirect.gather @!p2 [hbm4b:s2+s9], $0x80, s7, s9, $0xb8;
	[tilespmem:$0xA700] =	vst v63  }
0x37: {  	p1 =	sne.s32 s6, $0x0;
	s9 =	smov.u32 s31;
	_ =	swait.ge [sflag:s23], $0x4000  }
0x38: {  	s10 =	sadd.s32 $0xFFFFF800, s18;
	s7 =	smov.u32 s0;
	[sflag:s23] =	ssyncset.done $0x0  }
0x39: {  	s11 =	sadd.s32 $0xFFFFFFFF, s31;
	[sflag:s23] =	ssyncadd.s32 $0xFFFFC000  }
0x3a: {  	[hbm4b:s10+s3] =	stream.linear.scatter [tilespmem:s21], [sflag:$0x3], $0x4000, $0x38;
	[tilespmem:$0xA700] =	vst v63  }
0x3b: {  	p2 =	sge.u32 s11, s4;
	_ =	swait.ge [sflag:s24], $0x4000  }
0x3c: {  	s11 =	simm.s32 @!p2 $0x80;
	s10 =	sadd.s32 @!p2 $0xFFFFFF80, s0;
	[sflag:s24] =	ssyncset.done $0x0  }
0x3d: {  	s12 =	simm.s32 @!p2 $0x1300;
	[sflag:s24] =	ssyncadd.s32 $0xFFFFC000  }
0x3e: {  	[tilespmem:s12], [sflag:$0x1] =	stream.indirect.gather @!p2 [hbm4b:s2+s11], $0x80, s10, s11, $0xb8;
	[tilespmem:$0xA700] =	vst v63  }
0x3f: {  	_ =	swait.ge [sflag:s25], $0x4000  }
.Ltmp1:
0x40: {  	[sflag:s25] =	ssyncset.done $0x0;
	(pc) =	sbr.rel @p1 .LBB2_2-.Ltmp1, $4  }
0x41: {  	s31 =	sadd.s32 $0x2, s31;
	[sflag:s25] =	ssyncadd.s32 $0xFFFFC000  }
0x42: {  	[hbm4b:s18+s3] =	stream.linear.scatter [tilespmem:s22], [sflag:$0x4], $0x4000, $0x38;
	[tilespmem:$0xA700] =	vst v63  }
0x43: {  	s0 =	sadd.s32 $0x100, s0;
	p2 =	sge.u32 s9, s4;
	_ =	swait.ge [sflag:s26], $0x4000  }
0x44: {  	s9 =	simm.s32 @!p2 $0x80;
	s10 =	simm.s32 @!p2 $0x5300;
	[sflag:s26] =	ssyncset.done $0x0  }
.LBB2_3:
0x45: {  	[sflag:s26] =	ssyncadd.s32 $0xFFFFC000  }
0x46: {  	[tilespmem:s10], [sflag:$0x2] =	stream.indirect.gather @!p2 [hbm4b:s2+s9], $0x80, s7, s9, $0xb8;
	[tilespmem:$0xA700] =	vst v63  }
0x47: {  	_ =	swait.ge [sflag:s23], $0x4000  }
0x48: {  	s6 =	sadd.s32 $0x1000, s18;
	[sflag:s23] =	ssyncset.done $0x0  }
0x49: {  	s9 =	sadd.s32 $0xFFFFF800, s6;
	s10 =	sadd.s32 $0xFFFFFFFF, s31;
	[sflag:s23] =	ssyncadd.s32 $0xFFFFC000  }
0x4a: {  	[hbm4b:s9+s3] =	stream.linear.scatter [tilespmem:s21], [sflag:$0x3], $0x4000, $0x38;
	[tilespmem:$0xA700] =	vst v63  }
0x4b: {  	p1 =	sge.u32 s10, s4;
	_ =	swait.ge [sflag:s24], $0x4000  }
0x4c: {  	s5 =	sadd.s32 @!p1 $0x80, s5;
	[sflag:s24] =	ssyncset.done $0x0  }
0x4d: {  	s7 =	simm.s32 @!p1 $0x80;
	s9 =	simm.s32 @!p1 $0x1300;
	[sflag:s24] =	ssyncadd.s32 $0xFFFFC000  }
0x4e: {  	[tilespmem:s9], [sflag:$0x1] =	stream.indirect.gather @!p1 [hbm4b:s2+s7], $0x80, s5, s7, $0xb8;
	[tilespmem:$0xA700] =	vst v63  }
0x4f: {  	_ =	swait.ge [sflag:s25], $0x4000  }
0x50: {  	[sflag:s25] =	ssyncset.done $0x0  }
0x51: {  	[sflag:s25] =	ssyncadd.s32 $0xFFFFC000  }
0x52: {  	[hbm4b:s6+s3] =	stream.linear.scatter [tilespmem:s22], [sflag:$0x4], $0x4000, $0x38;
	[tilespmem:$0xA700] =	vst v63  }
0x53: {  	_ =	swait.ge [sflag:s26], $0x4000  }
0x54: {  	p1 =	sge.u32 s31, s4;
	[sflag:s26] =	ssyncset.done $0x0  }
0x55: {  	s5 =	simm.s32 @!p1 $0x80;
	s6 =	simm.s32 @!p1 $0x5300;
	[sflag:s26] =	ssyncadd.s32 $0xFFFFC000  }
0x56: {  	[tilespmem:s6], [sflag:$0x2] =	stream.indirect.gather @!p1 [hbm4b:s2+s5], $0x80, s0, s5, $0xb8;
	[tilespmem:$0xA700] =	vst v63  }
0x57: {  	s11 =	rddreg [dreg:$0x5]  }
0x58: {  	[tilespmem:s28], [sflag:$0x5] =	stream.linear.gather [hbm4b:s11+s3], $0x400, $0x38;
	[tilespmem:$0xA700] =	vst v63  }
0x59: {  	_ =	swait.ge [sflag:s19], $0x400  }
0x5a: {  	[sflag:s19] =	ssyncset.done $0x0  }
0x5b: {  	[sflag:s19] =	ssyncadd.s32 $0xFFFFFC00  }
0x5c: {  	[tilespmem:s30], [sflag:$0x1] =	stream.indirect.gather [hbm4b:s2+s29], $0x80, s28, s29, $0xb8;
	[tilespmem:$0xA700] =	vst v63  }
0x5d: {  	_ =	swait.ge [sflag:s23], $0x1400  }
0x5e: {  	[sflag:s23] =	ssyncset.done $0x0  }
0x5f: {  	s12 =	rddreg [dreg:$0x7];
	[sflag:s23] =	ssyncadd.s32 $0xFFFFEC00  }
0x60: {  	[hbm4b:s12+s3] =	stream.linear.scatter [tilespmem:s30], [sflag:$0x5], $0x1400, $0x38;
	[tilespmem:$0xA700] =	vst v63  }
0x61: {  	_ =	swait.ge [sflag:s19], $0x1400  }
0x62: {  	[sflag:s19] =	ssyncset.done $0x0  }
0x63: {  	s18 =	simm.s32 $0xF80;
	[sflag:s19] =	ssyncadd.s32 $0xFFFFEC00  }
0x64: {  	[tilespmem:s30], [sflag:$0x1] =	stream.indirect.gather [hbm4b:s2+s29], $0x80, s18, s29, $0xb8;
	[tilespmem:$0xA700] =	vst v63  }
0x65: {  	_ =	swait.ge [sflag:s23], $0x1400  }
0x66: {  	[sflag:s23] =	ssyncset.done $0x0  }
0x67: {  	s31 =	rddreg [dreg:$0x8];
	[sflag:s23] =	ssyncadd.s32 $0xFFFFEC00  }
0x68: {  	[hbm4b:s31+s3] =	stream.linear.scatter [tilespmem:s30], [sflag:$0x5], $0x1400, $0x38;
	[tilespmem:$0xA700] =	vst v63  }
0x69: {  	_ =	swait.ge [sflag:s19], $0x1400  }
0x6a: {  	[sflag:s19] =	ssyncset.done $0x0  }
0x6b: {  	s5 =	simm.s32 $0x1000;
	[sflag:s19] =	ssyncadd.s32 $0xFFFFEC00  }
0x6c: {  	[tilespmem:s30], [sflag:$0x1] =	stream.indirect.gather [hbm4b:s2+s29], $0x80, s5, s29, $0xb8;
	[tilespmem:$0xA700] =	vst v63  }
0x6d: {  	_ =	swait.ge [sflag:s23], $0x1400  }
0x6e: {  	[sflag:s23] =	ssyncset.done $0x0  }
0x6f: {  	s6 =	rddreg [dreg:$0x9];
	[sflag:s23] =	ssyncadd.s32 $0xFFFFEC00  }
0x70: {  	[hbm4b:s6+s3] =	stream.linear.scatter [tilespmem:s30], [sflag:$0x5], $0x1400, $0x38;
	[tilespmem:$0xA700] =	vst v63  }
0x71: {  	_ =	swait.ge [sflag:s19], $0x1400  }
0x72: {  	[sflag:s19] =	ssyncset.done $0x0  }
0x73: {  	s7 =	simm.s32 $0x1080;
	[sflag:s19] =	ssyncadd.s32 $0xFFFFEC00  }
0x74: {  	[tilespmem:s30], [sflag:$0x1] =	stream.indirect.gather [hbm4b:s2+s29], $0x80, s7, s29, $0xb8;
	[tilespmem:$0xA700] =	vst v63  }
0x75: {  	_ =	swait.ge [sflag:s23], $0x1400  }
0x76: {  	[sflag:s23] =	ssyncset.done $0x0  }
0x77: {  	s9 =	rddreg [dreg:$0xa];
	[sflag:s23] =	ssyncadd.s32 $0xFFFFEC00  }
0x78: {  	[hbm4b:s9+s3] =	stream.linear.scatter [tilespmem:s30], [sflag:$0x5], $0x1400, $0x38;
	[tilespmem:$0xA700] =	vst v63  }
0x79: {  	_ =	swait.ge [sflag:s19], $0x1400  }
0x7a: {  	[sflag:s19] =	ssyncset.done $0x0  }
0x7b: {  	s10 =	simm.s32 $0x1100;
	[sflag:s19] =	ssyncadd.s32 $0xFFFFEC00  }
0x7c: {  	[tilespmem:s30], [sflag:$0x1] =	stream.indirect.gather [hbm4b:s2+s29], $0x80, s10, s29, $0xb8;
	[tilespmem:$0xA700] =	vst v63  }
0x7d: {  	_ =	swait.ge [sflag:s23], $0x1400  }
0x7e: {  	[sflag:s23] =	ssyncset.done $0x0  }
0x7f: {  	[sflag:s23] =	ssyncadd.s32 $0xFFFFEC00  }
0x80: {  	[hbm4b:s13+s3] =	stream.linear.scatter [tilespmem:s30], [sflag:$0x5], $0x1400, $0x38;
	[tilespmem:$0xA700] =	vst v63  }
0x81: {  	_ =	swait.ge [sflag:s19], $0x1400  }
0x82: {  	[sflag:s19] =	ssyncset.done $0x0  }
0x83: {  	s11 =	simm.s32 $0x1180;
	[sflag:s19] =	ssyncadd.s32 $0xFFFFEC00  }
0x84: {  	[tilespmem:s30], [sflag:$0x1] =	stream.indirect.gather [hbm4b:s2+s29], $0x80, s11, s29, $0xb8;
	[tilespmem:$0xA700] =	vst v63  }
0x85: {  	_ =	swait.ge [sflag:s23], $0x1400  }
0x86: {  	[sflag:s23] =	ssyncset.done $0x0  }
0x87: {  	[sflag:s23] =	ssyncadd.s32 $0xFFFFEC00  }
0x88: {  	[hbm4b:s14+s3] =	stream.linear.scatter [tilespmem:s30], [sflag:$0x5], $0x1400, $0x38;
	[tilespmem:$0xA700] =	vst v63  }
0x89: {  	_ =	swait.ge [sflag:s19], $0x1400  }
0x8a: {  	[sflag:s19] =	ssyncset.done $0x0  }
0x8b: {  	s12 =	simm.s32 $0x1200;
	[sflag:s19] =	ssyncadd.s32 $0xFFFFEC00  }
0x8c: {  	[tilespmem:s30], [sflag:$0x1] =	stream.indirect.gather [hbm4b:s2+s29], $0x80, s12, s29, $0xb8;
	[tilespmem:$0xA700] =	vst v63  }
0x8d: {  	_ =	swait.ge [sflag:s23], $0x1400  }
0x8e: {  	[sflag:s23] =	ssyncset.done $0x0  }
0x8f: {  	[sflag:s23] =	ssyncadd.s32 $0xFFFFEC00  }
0x90: {  	[hbm4b:s15+s3] =	stream.linear.scatter [tilespmem:s30], [sflag:$0x5], $0x1400, $0x38;
	[tilespmem:$0xA700] =	vst v63  }
0x91: {  	_ =	swait.ge [sflag:s19], $0x1400  }
0x92: {  	[sflag:s19] =	ssyncset.done $0x0  }
0x93: {  	s18 =	simm.s32 $0x1280;
	[sflag:s19] =	ssyncadd.s32 $0xFFFFEC00  }
0x94: {  	[tilespmem:s30], [sflag:$0x1] =	stream.indirect.gather [hbm4b:s2+s29], $0x80, s18, s29, $0xb8;
	[tilespmem:$0xA700] =	vst v63  }
0x95: {  	_ =	swait.ge [sflag:s23], $0x1400  }
0x96: {  	[sflag:s23] =	ssyncset.done $0x0  }
0x97: {  	[sflag:s23] =	ssyncadd.s32 $0xFFFFEC00  }
0x98: {  	[hbm4b:s16+s3] =	stream.linear.scatter [tilespmem:s30], [sflag:$0x5], $0x1400, $0x38;
	[tilespmem:$0xA700] =	vst v63  }
0x99: {  	_ =	swait.ge [sflag:s19], $0x1400  }
0x9a: {  	s1 =	sadd.s32 $0x1, s1;
	s31 =	rddreg [dreg:$0x6]  }
0x9b: {  	p1 =	sne.s32 s1, s31  }
.Ltmp2:
0x9c: {  	_ = 	snop;
	(pc) =	sbr.rel @p1 .LBB2_1-.Ltmp2, $3  }
0x9d: {  	_ =	sdelay $0x1  }
0x9e: {  	[sflag:s19] =	ssyncset.done $0x0  }
0x9f: {  	[sflag:s19] =	ssyncadd.s32 $0xFFFFEC00  }
0xa0: {  	_ =	sfence.sel $0x180000  }
0xa1: {  	[bflag:$0x0] =	sbarrier.arrive $0xFFFF  }
0xa2: {  	_ =	strace $0x90000047  }
0xa3: {  	s0 =	stileid.u32;
	[bflag:$0x2] =	sbarrier.arrive $0xFFFF  }
0xa4: {  	p0 =	sne.s32 s0, $0x0;
	s0 =	rddreg [dreg:$0x2]  }
0xa5: {  	s0 =	sadd.s32 @!p0 $0x100000, s0  }
0xa6: {  	[sflag:s0] =	ssyncadd.tile.s32 @!p0 $0x1;
	_ =	shalt  }
.Lfunc_end2:
_tile_overlayer_lowered:
.L_overlay_start_2:
0xa7: {  	(tag) =	ssettag $0x2  }
0xa8: {  	s0 =	rddreg [dreg:$0x0];
	s2 =	stileid.u32  }
0xa9: {  	s1 =	rddreg [dreg:$0x1];
	p0 =	sne.s32 s2, $0x0  }
0xaa: {  	s3 =	rddreg [dreg:$0x2];
	[bflag:$0x3] =	sbarrier.arrive $0xFFFF;
	s2 =	simm.s32 @!p0 $0x1C05  }
0xab: {  	[timem:s3], [sflag:s2] =	dma.local @!p0 [hbm:s0], s1  }
0xac: {  	s0 =	simm.s32 @!p0 $0x5  }
0xad: {  	_ =	swait.ge @!p0 [sflag:s0], s1  }
0xae: {  	s1 =	ssub.s32 @!p0 $0x0, s1;
	[sflag:s0] =	ssyncset.done @!p0 $0x0  }
0xaf: {  	[sflag:s0] =	ssyncadd.s32 @!p0 s1  }
0xb0: {  	[bflag:$0x3] =	sbarrier.arrive $0xFFFF  }
0xb1: {  	_ =	shalt  }

// kernel: kernel.13.cloned.1.call-start
scs
__scs_entry_jumppad:
0x0: {  	(pc) =	sbr.rel $0x88, $3  }
0x1: {  	(tag) =	ssettag $0x0;
	lr =	simm.s32 $0x1  }
0x2: {  	[smem:$0x3F99] =	sst lr;
	_ =	strace $0xD0000000  }
0x3: {  	_ = 	snop  }
0x4: {  	_ = 	snop  }
0x5: {  	_ = 	snop  }
0x6: {  	_ = 	snop  }
0x7: {  	_ = 	snop  }
__scs_overlays_trampoline_lowered:
0x8: {  	[smem:$0x3FA8] =	sst s0  }
0x9: {  	[smem:$0x3FA9] =	sst s1  }
0xa: {  	[smem:$0x3FAA] =	sst s2  }
0xb: {  	[smem:$0x3FAB] =	sst s3  }
0xc: {  	[smem:$0x3FAC] =	sst s4  }
0xd: {  	[smem:$0x3FAD] =	sst s5  }
0xe: {  	[smem:$0x3FAE] =	sst s6  }
0xf: {  	[smem:$0x3FAF] =	sst s7  }
0x10: {  	[smem:$0x3FB0] =	sst s8  }
0x11: {  	[smem:$0x3FB1] =	sst s9;
	s0 =	simm.s32 @!p0 $0x0  }
0x12: {  	s1 =	sld [smem:$0x3F97];
	s0 =	simm.s32 @p0 $0x1  }
0x13: {  	[smem:$0x3FB2] =	sst s0;
	s0 =	simm.s32 @!p1 $0x0  }
0x14: {  	s2 =	sld [smem:$0x3F96];
	s0 =	simm.s32 @p1 $0x1  }
0x15: {  	[smem:$0x3FB3] =	sst s0;
	s0 =	simm.s32 @!p2 $0x0  }
0x16: {  	s3 =	sld [smem:$0x3FDB];
	s0 =	simm.s32 @p2 $0x1  }
0x17: {  	s4 =	simm.s32 $0x1BF5;
	[smem:$0x3FB5] =	sst s0  }
0x18: {  	s0 =	sld [smem:$0x3F98];
	_ =	swait.ge [sflag:s4], $0x0  }
0x19: {  	s7 =	sld [smem:$0x3F99]  }
0x1a: {  	s8 =	sadd.s32 $0xFFFFE003, lr  }
0x1b: {  	s9 =	sadd.s32 $0xFFFFFEF7, lr;
	s5 =	simm.s32 $0xFFFFFFFF;
	p2 =	slt.u32 s8, $0xFFFFF086  }
0x1c: {  	p1 =	slt.u32 s9, $0xF7A;
	s5 =	simm.s32 @!p2 $0x0  }
0x1d: {  	s5 =	simm.s32 @p1 $0x1;
	p0 =	seq.s32 s7, s2  }
0x1e: {  	s7 =	smul.u32 @!p0 $0xF7A, s2;
	p2 =	seq.s32 @!p0 s5, $0x0  }
0x1f: {  	s9 =	smul.u32 $0xF7A, s1;
	s8 =	simm.s32 @!p0 $0x1BF5;
	p2 =	por !p2, p0  }
0x20: {  	[sflag:s8] =	ssyncset.s32 @!p0 $0xFFFFF086;
	s6 =	sadd.s32 @!p0 s3, s7;
	s7 =	simm.s32 @!p0 $0x108  }
0x21: {  	s3 =	sadd.s32 s3, s9;
	s6 =	sadd.s32 @!p0 $0x88, s6;
	s7 =	simm.s32 @p2 $0x1082  }
0x22: {  	[simem:s7], [sflag:s8] =	dma.local @!p0 [hbm:s6], $0xF7A  }
0x23: {  	s9 =	sor.u32 $0xD0000000, s2;
	s6 =	simm.s32 $0x108;
	_ =	swait.ge @!p0 [sflag:s8], $0x0  }
0x24: {  	s3 =	sadd.s32 $0x88, s3;
	s6 =	simm.s32 @!p1 $0x1082;
	[sflag:s4] =	ssyncset.s32 $0xFFFFF086  }
0x25: {  	[simem:s6], [sflag:s4] =	dma.local [hbm:s3], $0xF7A  }
0x26: {  	[smem:$0x3F99] =	sst s1;
	(tag) =	ssettag s2;
	_ =	strace s9  }
0x27: {  	s1 =	sld [smem:$0x3FA9]  }
0x28: {  	s2 =	sld [smem:$0x3FAA]  }
0x29: {  	s4 =	sld [smem:$0x3FAC]  }
0x2a: {  	p0 =	seq.s32 s5, $0x0;
	s5 =	sld [smem:$0x3FAD]  }
0x2b: {  	s6 =	sld [smem:$0x3FAE]  }
0x2c: {  	s7 =	sld [smem:$0x3FAF]  }
0x2d: {  	s3 =	simm.s32 $0x108;
	s8 =	sld [smem:$0x3FB0]  }
0x2e: {  	s3 =	simm.s32 @!p0 $0x1082;
	s9 =	sld [smem:$0x3FB1]  }
0x2f: {  	lr =	sadd.s32 s0, s3;
	s0 =	sld [smem:$0x3FA8]  }
0x30: {  	s3 =	sld [smem:$0x3FAB]  }
0x31: {  	[smem:$0x3FB4] =	sst s10  }
0x32: {  	s10 =	sld [smem:$0x3FB2];
	_ =	sdelay $0x3  }
0x33: {  	p0 =	seq.s32 s10, $0x1;
	s10 =	sld [smem:$0x3FB4];
	_ =	sdelay $0x3  }
0x34: {  	[smem:$0x3FB4] =	sst s10  }
0x35: {  	s10 =	sld [smem:$0x3FB3];
	_ =	sdelay $0x3  }
0x36: {  	p1 =	seq.s32 s10, $0x1;
	s10 =	sld [smem:$0x3FB4];
	_ =	sdelay $0x3  }
0x37: {  	[smem:$0x3FB4] =	sst s10  }
0x38: {  	s10 =	sld [smem:$0x3FB5]  }
0x39: {  	_ = 	snop;
	(pc) =	sbr.ind lr, $3  }
0x3a: {  	_ = 	snop  }
0x3b: {  	_ = 	snop  }
0x3c: {  	p2 =	seq.s32 s10, $0x1;
	s10 =	sld [smem:$0x3FB4]  }
0x3d: {  	_ =	shalt  }
0x3e: {  	_ =	shalt  }
0x3f: {  	_ =	shalt  }
0x40: {  	_ =	shalt  }
0x41: {  	_ =	shalt  }
0x42: {  	_ =	shalt  }
0x43: {  	_ =	shalt  }
0x44: {  	_ =	shalt  }
0x45: {  	_ =	shalt  }
0x46: {  	_ =	shalt  }
0x47: {  	_ =	shalt  }
0x48: {  	_ =	shalt  }
0x49: {  	_ =	shalt  }
0x4a: {  	_ =	shalt  }
0x4b: {  	_ =	shalt  }
0x4c: {  	_ =	shalt  }
0x4d: {  	_ =	shalt  }
0x4e: {  	_ =	shalt  }
0x4f: {  	_ =	shalt  }
0x50: {  	_ =	shalt  }
0x51: {  	_ =	shalt  }
0x52: {  	_ =	shalt  }
0x53: {  	_ =	shalt  }
0x54: {  	_ =	shalt  }
0x55: {  	_ =	shalt  }
0x56: {  	_ =	shalt  }
0x57: {  	_ =	shalt  }
0x58: {  	_ =	shalt  }
0x59: {  	_ =	shalt  }
0x5a: {  	_ =	shalt  }
0x5b: {  	_ =	shalt  }
0x5c: {  	_ =	shalt  }
0x5d: {  	_ =	shalt  }
0x5e: {  	_ =	shalt  }
0x5f: {  	_ =	shalt  }
0x60: {  	_ =	shalt  }
0x61: {  	_ =	shalt  }
0x62: {  	_ =	shalt  }
0x63: {  	_ =	shalt  }
0x64: {  	_ =	shalt  }
0x65: {  	_ =	shalt  }
0x66: {  	_ =	shalt  }
0x67: {  	_ =	shalt  }
0x68: {  	_ =	shalt  }
0x69: {  	_ =	shalt  }
0x6a: {  	_ =	shalt  }
0x6b: {  	_ =	shalt  }
0x6c: {  	_ =	shalt  }
0x6d: {  	_ =	shalt  }
0x6e: {  	_ =	shalt  }
0x6f: {  	_ =	shalt  }
0x70: {  	_ =	shalt  }
0x71: {  	_ =	shalt  }
0x72: {  	_ =	shalt  }
0x73: {  	_ =	shalt  }
0x74: {  	_ =	shalt  }
0x75: {  	_ =	shalt  }
0x76: {  	_ =	shalt  }
0x77: {  	_ =	shalt  }
0x78: {  	_ =	shalt  }
0x79: {  	_ =	shalt  }
0x7a: {  	_ =	shalt  }
0x7b: {  	_ =	shalt  }
0x7c: {  	_ =	shalt  }
0x7d: {  	_ =	shalt  }
0x7e: {  	_ =	shalt  }
0x7f: {  	_ =	shalt  }
0x80: {  	_ =	shalt  }
0x81: {  	_ =	shalt  }
0x82: {  	_ =	shalt  }
0x83: {  	_ =	shalt  }
0x84: {  	_ =	shalt  }
0x85: {  	_ =	shalt  }
0x86: {  	_ =	shalt  }
0x87: {  	_ =	shalt  }
.Lfunc_end0:
.L_simem_size_0:
called_computation.1_lowered:
.L_overlay_start_0:
0x88: {  	s2 =	sld [smem:$0x3FD9]  }
0x89: {  	s3 =	sld [smem:$0x3FFE];
	_ =	sdelay $0x1  }
0x8a: {  	s1 =	srdreg.scid  }
0x8b: {  	s0 =	sand.u32 $0x1, s1  }
0x8c: {  	s17 =	sshll.u32 s0, $0xA;
	s2 =	sadd.s32 s3, s2  }
0x8d: {  	s2 =	sadd.s32 s2, s17  }
0x8e: {  	[smem:$0x3FC0] =	sst s2  }
0x8f: {  	_ = 	snop  }
0x90: {  	s18 =	sld [smem:$0x3FC7];
	(tm) =	ssettm $0x1  }
0x91: {  	s19 =	sld [smem:$0x3FFB];
	_ =	sdelay $0x3  }
0x92: {  	_ =	strace s19  }
0x93: {  	s2 =	sld [smem:$0x3FFC];
	_ =	sdelay $0x3  }
0x94: {  	_ =	strace s2  }
0x95: {  	s2 =	sld [smem:$0x3FFD];
	_ =	sdelay $0x3  }
0x96: {  	_ =	strace s2  }
0x97: {  	_ =	strace $0x8FFFFFFF  }
0x98: {  	s20 =	sld [smem:$0x3FDB];
	_ =	sdelay $0x1  }
0x99: {  	s4 =	simm.s32 $_scs_section_size  }
0x9a: {  	s5 =	simm.s32 $_size__tile_overlayer_lowered;
	s6 =	simm.s32 $_tile_overlayer_lowered  }
0x9b: {  	s7 =	simm.s32 $0x1BFF;
	s21 =	sshll.u32 s6, $0x1;
	s4 =	sadd.s32 s4, s20  }
0x9c: {  	s22 =	simm.s32 $0x0;
	s5 =	sshll.u32 s5, $0x1;
	s6 =	sadd.s32 s21, s4  }
0x9d: {  	[timem:s22], [sflag:s7] =	dma.local [hbm:s6], s5  }
0x9e: {  	_ =	swait.ge [sflag:s7], s5  }
0x9f: {  	s5 =	ssub.s32 $0x0, s5;
	[sflag:s7] =	ssyncset.done $0x0  }
0xa0: {  	[sflag:s7] =	ssyncadd.s32 s5;
	_ =	sdelay $0x1  }
0xa1: {  	s23 =	simm.s32 $0x1B8B  }
0xa2: {  	_ =	swait.ge [sflag:s23], $0x1  }
0xa3: {  	[sflag:s23] =	ssyncset.done $0x0  }
0xa4: {  	[sflag:s23] =	ssyncadd.s32 $0xFFFFFFFF  }
0xa5: {  	s5 =	sld [smem:$0x0]  }
0xa6: {  	s6 =	sand.u32 $0xFFFFFFFE, s1  }
0xa7: {  	p0 =	sne.s32 s1, s6  }
0xa8: {  	s6 =	sshll.u32 @p0 s6, $0xE  }
0xa9: {  	s6 =	sadd.s32 @p0 $0x11B8D, s6;
	s7 =	sshll.u32 @p0 s5, $0x11  }
0xaa: {  	s6 =	sor.u32 @p0 s7, s6  }
0xab: {  	[sflag:s6] =	ssyncadd.remote.s32 @p0 $0x1;
	_ =	sdelay $0x1  }
0xac: {  	s6 =	simm.s32 @p0 $0x1B8D  }
0xad: {  	_ =	swait.eq @p0 [sflag:s6], $0x1  }
0xae: {  	[sflag:s6] =	ssyncadd.s32 @p0 $0xFFFFFFFF  }
0xaf: {  	s7 =	sshll.u32 @!p0 s1, $0xE  }
0xb0: {  	s7 =	sor.u32 @!p0 $0x4000, s7;
	s6 =	simm.s32 @!p0 $0x1B8D  }
0xb1: {  	s5 =	sshll.u32 @!p0 s5, $0x11;
	s7 =	sadd.s32 @!p0 $0x11B8D, s7;
	_ =	swait.eq @!p0 [sflag:s6], $0x1  }
0xb2: {  	s5 =	sor.u32 @!p0 s5, s7;
	[sflag:s6] =	ssyncadd.s32 @!p0 $0xFFFFFFFF  }
0xb3: {  	s25 =	simm.s32 $0x1B8E;
	s24 =	sld [smem:$0x3FFE];
	[sflag:s5] =	ssyncadd.remote.s32 @!p0 $0x1  }
0xb4: {  	s26 =	simm.s32 $execute0_lowered;
	[smem:$0x3FD2] =	sst s25  }
0xb5: {  	s6 =	sshll.u32 s26, $0x1;
	_ =	strace $0x80000049;
	[dreg:$0x1] =	wrdreg $0xFFFFFFFF  }
0xb6: {  	s28 =	simm.s32 $_size_execute0_lowered;
	s4 =	sadd.s32 s4, s6;
	[dreg:$0x0] =	wrdreg $0x0  }
0xb7: {  	s6 =	sshll.u32 s28, $0x1;
	[dreg:$0x2] =	wrdreg s4  }
0xb8: {  	[dreg:$0x3] =	wrdreg s6  }
0xb9: {  	[dreg:$0x4] =	wrdreg $0xC0  }
0xba: {  	_ =	task [dreg:s22], $0x5FFFF  }
0xbb: {  	[dreg:$0x1] =	wrdreg $0xFFFFFFFF  }
0xbc: {  	[dreg:$0x0] =	wrdreg $0x60  }
0xbd: {  	[dreg:$0x2] =	wrdreg s24  }
0xbe: {  	[dreg:$0x3] =	wrdreg s18  }
0xbf: {  	[dreg:$0x4] =	wrdreg $0xA  }
0xc0: {  	_ =	task.clear_ibuf [dreg:s22], $0x5FFFF;
	_ =	strace $0x90000049  }
0xc1: {  	s29 =	simm.s32 $0xA;
	_ =	strace $0x8000004B  }
0xc2: {  	_ =	swait.ge [sflag:s29], $0x1  }
0xc3: {  	[sflag:s29] =	ssyncadd.s32 $0xFFFFFFFF  }
0xc4: {  	_ =	strace $0x9000004B  }
0xc5: {  	_ =	sfence  }
0xc6: {  	s30 =	sld [smem:$0x0];
	_ =	sdelay $0x2  }
0xc7: {  	s31 =	sshll.u32 s1, $0xD;
	s1 =	sshrl.u32 s1, $0x2  }
0xc8: {  	s4 =	sand.u32 $0x4000, s31;
	s1 =	sadd.s32 s1, s30  }
0xc9: {  	s0 =	sor.u32 s4, s0;
	s1 =	sshll.u32 s1, $0x11  }
0xca: {  	s0 =	sor.u32 s1, s0  }
0xcb: {  	s0 =	sadd.s32 $0x8F2B, s0  }
0xcc: {  	[sflag:s0] =	ssyncadd.remote.s32 $0x1  }
0xcd: {  	_ =	sfence.sel $0xFFFF  }
0xce: {  	[dreg:$0x0] =	wrdreg $0xFFFFFFFF;
	(pc) =	sbr.abs _section_cstart, $3  }
0xcf: {  	[dreg:$0x1] =	wrdreg $0xFFFFFFFF  }
0xd0: {  	_ =	task.clear_ibuf [dreg:s22], $0x2FFFF;
	_ =	strace $0x9FFFFFFF  }
0xd1: {  	(tm) =	ssettm $0x7FFFFFFF  }
tec
execute0_lowered:
.L_overlay_start_1:
0x0: {  	(tag) =	ssettag $0x1  }
0x1: {  	s4 =	rddreg [dreg:$0x0]  }
0x2: {  	s2 =	rddreg [dreg:$0x1];
	s0 =	stileid.u32  }
0x3: {  	s3 =	srdreg.scid;
	s1 =	rddreg [dreg:$0x2];
	s11 =	simm.s32 $0x80  }
0x4: {  	s12 =	simm.s32 $0xF00;
	s13 =	simm.s32 $0x4F00;
	s14 =	simm.s32 $0x1  }
0x5: {  	s15 =	simm.s32 $0x3;
	s16 =	simm.s32 $0x2;
	s17 =	simm.s32 $0x4  }
0x6: {  	s18 =	simm.s32 $0x0;
	s5 =	smul.u32 $0xA, s0;
	s10 =	sand.u32 $0x1, s3  }
0x7: {  	s6 =	smul.u32 $0x1E, s0;
	s3 =	simm.s32 $0x0;
	p0 =	seq.s32 s10, $0x0  }
0x8: {  	[smem:$0x7FF] =	sst s3;
	s7 =	ssub.s32 $0x2, s10;
	s5 =	sadd.s32 $0x1E0, s5  }
0x9: {  	_ =	strace $0x8000004A;
	s31 =	sshrl.u32 s7, $0x1;
	s5 =	smov.u32 @p0 s6  }
0xa: {  	s7 =	ssub.s32 s7, s31;
	s6 =	sshll.u32 s5, $0x4;
	s5 =	sshll.u32 s5, $0xB  }
0xb: {  	s6 =	sadd.s32 s6, s4;
	s9 =	sadd.s32 s5, s4;
	s4 =	simm.s32 $0x1E  }
0xc: {  	s7 =	smax.u32 s7, $0x1;
	s4 =	simm.s32 @!p0 $0xA;
	s5 =	sadd.s32 $0x16EA00, s6  }
0xd: {  	s6 =	sadd.s32 $0x16EAA0, s6;
	s9 =	sadd.s32 $0x199A00, s9;
	s8 =	sshrl.u32 s4, $0x1  }
0xe: {  	p0 =	sne.s32 s10, $0x0;
	s10 =	simm.s32 $0x5;
	s8 =	sadd.s32 $0xFFFFFFFF, s8  }
.LBB2_1:
0xf: {  	[tilespmem:s3], [sflag:$0x5] =	stream.linear.gather [hbm4b:s5+s3], $0x500, $0x38;
	[tilespmem:$0x8F00] =	vst v63  }
0x10: {  	_ =	swait.ge [sflag:s10], $0x500  }
0x11: {  	[sflag:s10] =	ssyncset.done $0x0  }
0x12: {  	s19 =	simm.s32 @!p0 $0x0;
	s20 =	simm.s32 @!p0 $0x500;
	[sflag:s10] =	ssyncadd.s32 $0xFFFFFB00  }
0x13: {  	[tilespmem:s20], [sflag:$0x5] =	stream.linear.gather @!p0 [hbm4b:s6+s19], $0xA00, $0x38;
	[tilespmem:$0x8F00] =	vst v63  }
0x14: {  	s19 =	simm.s32 @!p0 $0x5  }
0x15: {  	_ =	swait.ge @!p0 [sflag:s19], $0xA00  }
0x16: {  	[sflag:s19] =	ssyncset.done @!p0 $0x0  }
0x17: {  	[sflag:s19] =	ssyncadd.s32 @!p0 $0xFFFFF600  }
0x18: {  	[tilespmem:s12], [sflag:$0x1] =	stream.indirect.gather [hbm4b:s2+s11], $0x80, s3, s11, $0xb8;
	[tilespmem:$0x8F00] =	vst v63  }
0x19: {  	_ = 	snop  }
0x1a: {  	[tilespmem:s13], [sflag:$0x2] =	stream.indirect.gather [hbm4b:s2+s11], $0x80, s11, s11, $0xb8;
	[tilespmem:$0x8F00] =	vst v63  }
0x1b: {  	_ =	swait.ge [sflag:s14], $0x4000  }
0x1c: {  	[sflag:s14] =	ssyncset.done $0x0  }
0x1d: {  	s31 =	sadd.s32 $0xFFFFF800, s9;
	[sflag:s14] =	ssyncadd.s32 $0xFFFFC000  }
0x1e: {  	[hbm4b:s31+s3] =	stream.linear.scatter [tilespmem:s12], [sflag:$0x3], $0x4000, $0x38;
	[tilespmem:$0x8F00] =	vst v63  }
0x1f: {  	p1 =	sle.u32 s4, $0x2;
	_ =	swait.ge [sflag:s15], $0x4000  }
0x20: {  	s22 =	sadd.s32 $0xFFFFFFFF, s8;
	s21 =	simm.s32 @!p1 $0xF00;
	[sflag:s15] =	ssyncset.done $0x0  }
0x21: {  	s20 =	simm.s32 @!p1 $0x80;
	s19 =	simm.s32 @!p1 $0x100;
	[sflag:s15] =	ssyncadd.s32 $0xFFFFC000  }
0x22: {  	[tilespmem:s21], [sflag:$0x1] =	stream.indirect.gather @!p1 [hbm4b:s2+s20], $0x80, s19, s20, $0xb8;
	[tilespmem:$0x8F00] =	vst v63  }
0x23: {  	s23 =	simm.s32 $0x180;
	p1 =	sne.s32 s22, $0x0;
	_ =	swait.ge [sflag:s16], $0x4000  }
.Ltmp0:
0x24: {  	p2 =	sle.u32 s4, $0x3;
	[sflag:s16] =	ssyncset.done $0x0;
	(pc) =	sbr.rel @!p1 .LBB2_3-.Ltmp0, $4  }
0x25: {  	s24 =	smov.u32 s9;
	s25 =	simm.s32 @!p2 $0x80;
	[sflag:s16] =	ssyncadd.s32 $0xFFFFC000  }
0x26: {  	[hbm4b:s9+s3] =	stream.linear.scatter [tilespmem:s13], [sflag:$0x4], $0x4000, $0x38;
	[tilespmem:$0x8F00] =	vst v63  }
0x27: {  	s26 =	simm.s32 @!p2 $0x4F00;
	s20 =	simm.s32 $0x5;
	_ =	swait.ge [sflag:s17], $0x4000  }
0x28: {  	s19 =	simm.s32 $0x280;
	s21 =	simm.s32 $0x180;
	[sflag:s17] =	ssyncset.done $0x0  }
.LBB2_2:
0x29: {  	s21 =	smov.u32 s19  }
0x2a: {  	s22 =	sadd.s32 $0xFFFFFFFF, s22;
	s24 =	sadd.s32 $0x1000, s24;
	[sflag:s17] =	ssyncadd.s32 $0xFFFFC000  }
0x2b: {  	[tilespmem:s26], [sflag:$0x2] =	stream.indirect.gather @!p2 [hbm4b:s2+s25], $0x80, s23, s25, $0xb8;
	[tilespmem:$0x8F00] =	vst v63  }
0x2c: {  	p1 =	sne.s32 s22, $0x0;
	s25 =	smov.u32 s20;
	_ =	swait.ge [sflag:s14], $0x4000  }
0x2d: {  	s26 =	sadd.s32 $0xFFFFF800, s24;
	s23 =	smov.u32 s19;
	[sflag:s14] =	ssyncset.done $0x0  }
0x2e: {  	s28 =	sadd.s32 $0xFFFFFFFF, s20;
	[sflag:s14] =	ssyncadd.s32 $0xFFFFC000  }
0x2f: {  	[hbm4b:s26+s3] =	stream.linear.scatter [tilespmem:s12], [sflag:$0x3], $0x4000, $0x38;
	[tilespmem:$0x8F00] =	vst v63  }
0x30: {  	p2 =	sge.u32 s28, s4;
	_ =	swait.ge [sflag:s15], $0x4000  }
0x31: {  	s28 =	simm.s32 @!p2 $0x80;
	s26 =	sadd.s32 @!p2 $0xFFFFFF80, s19;
	[sflag:s15] =	ssyncset.done $0x0  }
0x32: {  	s29 =	simm.s32 @!p2 $0xF00;
	[sflag:s15] =	ssyncadd.s32 $0xFFFFC000  }
0x33: {  	[tilespmem:s29], [sflag:$0x1] =	stream.indirect.gather @!p2 [hbm4b:s2+s28], $0x80, s26, s28, $0xb8;
	[tilespmem:$0x8F00] =	vst v63  }
0x34: {  	_ =	swait.ge [sflag:s16], $0x4000  }
.Ltmp1:
0x35: {  	[sflag:s16] =	ssyncset.done $0x0;
	(pc) =	sbr.rel @p1 .LBB2_2-.Ltmp1, $4  }
0x36: {  	s20 =	sadd.s32 $0x2, s20;
	[sflag:s16] =	ssyncadd.s32 $0xFFFFC000  }
0x37: {  	[hbm4b:s24+s3] =	stream.linear.scatter [tilespmem:s13], [sflag:$0x4], $0x4000, $0x38;
	[tilespmem:$0x8F00] =	vst v63  }
0x38: {  	s19 =	sadd.s32 $0x100, s19;
	p2 =	sge.u32 s25, s4;
	_ =	swait.ge [sflag:s17], $0x4000  }
0x39: {  	s25 =	simm.s32 @!p2 $0x80;
	s26 =	simm.s32 @!p2 $0x4F00;
	[sflag:s17] =	ssyncset.done $0x0  }
.LBB2_3:
0x3a: {  	[sflag:s17] =	ssyncadd.s32 $0xFFFFC000  }
0x3b: {  	[tilespmem:s26], [sflag:$0x2] =	stream.indirect.gather @!p2 [hbm4b:s2+s25], $0x80, s23, s25, $0xb8;
	[tilespmem:$0x8F00] =	vst v63  }
0x3c: {  	_ =	swait.ge [sflag:s14], $0x4000  }
0x3d: {  	s22 =	sadd.s32 $0x1000, s24;
	[sflag:s14] =	ssyncset.done $0x0  }
0x3e: {  	s31 =	sadd.s32 $0xFFFFFFFF, s20;
	s30 =	sadd.s32 $0xFFFFF800, s22;
	[sflag:s14] =	ssyncadd.s32 $0xFFFFC000  }
0x3f: {  	[hbm4b:s30+s3] =	stream.linear.scatter [tilespmem:s12], [sflag:$0x3], $0x4000, $0x38;
	[tilespmem:$0x8F00] =	vst v63  }
0x40: {  	p1 =	sge.u32 s31, s4;
	_ =	swait.ge [sflag:s15], $0x4000  }
0x41: {  	s21 =	sadd.s32 @!p1 $0x80, s21;
	[sflag:s15] =	ssyncset.done $0x0  }
0x42: {  	s23 =	simm.s32 @!p1 $0x80;
	s24 =	simm.s32 @!p1 $0xF00;
	[sflag:s15] =	ssyncadd.s32 $0xFFFFC000  }
0x43: {  	[tilespmem:s24], [sflag:$0x1] =	stream.indirect.gather @!p1 [hbm4b:s2+s23], $0x80, s21, s23, $0xb8;
	[tilespmem:$0x8F00] =	vst v63  }
0x44: {  	_ =	swait.ge [sflag:s16], $0x4000  }
0x45: {  	[sflag:s16] =	ssyncset.done $0x0  }
0x46: {  	[sflag:s16] =	ssyncadd.s32 $0xFFFFC000  }
0x47: {  	[hbm4b:s22+s3] =	stream.linear.scatter [tilespmem:s13], [sflag:$0x4], $0x4000, $0x38;
	[tilespmem:$0x8F00] =	vst v63  }
0x48: {  	_ =	swait.ge [sflag:s17], $0x4000  }
0x49: {  	s18 =	sadd.s32 $0x1, s18;
	p1 =	sge.u32 s20, s4;
	[sflag:s17] =	ssyncset.done $0x0  }
0x4a: {  	s20 =	simm.s32 @!p1 $0x80;
	s21 =	simm.s32 @!p1 $0x4F00;
	[sflag:s17] =	ssyncadd.s32 $0xFFFFC000  }
0x4b: {  	[tilespmem:s21], [sflag:$0x2] =	stream.indirect.gather @!p1 [hbm4b:s2+s20], $0x80, s19, s20, $0xb8;
	[tilespmem:$0x8F00] =	vst v63  }
0x4c: {  	p1 =	sne.s32 s18, s7  }
.Ltmp2:
0x4d: {  	_ = 	snop;
	(pc) =	sbr.rel @p1 .LBB2_1-.Ltmp2, $1  }
0x4e: {  	_ =	sdelay $0x3  }
0x4f: {  	_ =	sfence.sel $0x180000  }
0x50: {  	[bflag:$0x0] =	sbarrier.arrive $0xFFFF  }
0x51: {  	p0 =	sne.s32 s0, $0x0;
	_ =	strace $0x9000004A  }
0x52: {  	s0 =	sadd.s32 @!p0 $0x100000, s1;
	[bflag:$0x2] =	sbarrier.arrive $0xFFFF  }
0x53: {  	[sflag:s0] =	ssyncadd.tile.s32 @!p0 $0x1;
	_ =	shalt  }
.Lfunc_end2:
_tile_overlayer_lowered:
.L_overlay_start_2:
0x54: {  	(tag) =	ssettag $0x2  }
0x55: {  	s0 =	rddreg [dreg:$0x0];
	s2 =	stileid.u32  }
0x56: {  	s1 =	rddreg [dreg:$0x1];
	p0 =	sne.s32 s2, $0x0  }
0x57: {  	s3 =	rddreg [dreg:$0x2];
	[bflag:$0x3] =	sbarrier.arrive $0xFFFF;
	s2 =	simm.s32 @!p0 $0x1C05  }
0x58: {  	[timem:s3], [sflag:s2] =	dma.local @!p0 [hbm:s0], s1  }
0x59: {  	s0 =	simm.s32 @!p0 $0x5  }
0x5a: {  	_ =	swait.ge @!p0 [sflag:s0], s1  }
0x5b: {  	s1 =	ssub.s32 @!p0 $0x0, s1;
	[sflag:s0] =	ssyncset.done @!p0 $0x0  }
0x5c: {  	[sflag:s0] =	ssyncadd.s32 @!p0 s1  }
0x5d: {  	[bflag:$0x3] =	sbarrier.arrive $0xFFFF  }
0x5e: {  	_ =	shalt  }

// kernel: kernel.16.cloned.1.call-start
scs
__scs_entry_jumppad:
0x0: {  	(pc) =	sbr.rel $0x88, $3  }
0x1: {  	(tag) =	ssettag $0x0;
	lr =	simm.s32 $0x1  }
0x2: {  	[smem:$0x3F99] =	sst lr;
	_ =	strace $0xD0000000  }
0x3: {  	_ = 	snop  }
0x4: {  	_ = 	snop  }
0x5: {  	_ = 	snop  }
0x6: {  	_ = 	snop  }
0x7: {  	_ = 	snop  }
__scs_overlays_trampoline_lowered:
0x8: {  	[smem:$0x3FA8] =	sst s0  }
0x9: {  	[smem:$0x3FA9] =	sst s1  }
0xa: {  	[smem:$0x3FAA] =	sst s2  }
0xb: {  	[smem:$0x3FAB] =	sst s3  }
0xc: {  	[smem:$0x3FAC] =	sst s4  }
0xd: {  	[smem:$0x3FAD] =	sst s5  }
0xe: {  	[smem:$0x3FAE] =	sst s6  }
0xf: {  	[smem:$0x3FAF] =	sst s7  }
0x10: {  	[smem:$0x3FB0] =	sst s8  }
0x11: {  	[smem:$0x3FB1] =	sst s9;
	s0 =	simm.s32 @!p0 $0x0  }
0x12: {  	s1 =	sld [smem:$0x3F97];
	s0 =	simm.s32 @p0 $0x1  }
0x13: {  	[smem:$0x3FB2] =	sst s0;
	s0 =	simm.s32 @!p1 $0x0  }
0x14: {  	s2 =	sld [smem:$0x3F96];
	s0 =	simm.s32 @p1 $0x1  }
0x15: {  	[smem:$0x3FB3] =	sst s0;
	s0 =	simm.s32 @!p2 $0x0  }
0x16: {  	s3 =	sld [smem:$0x3FDB];
	s0 =	simm.s32 @p2 $0x1  }
0x17: {  	s4 =	simm.s32 $0x1BF5;
	[smem:$0x3FB5] =	sst s0  }
0x18: {  	s0 =	sld [smem:$0x3F98];
	_ =	swait.ge [sflag:s4], $0x0  }
0x19: {  	s7 =	sld [smem:$0x3F99]  }
0x1a: {  	s8 =	sadd.s32 $0xFFFFE003, lr  }
0x1b: {  	s9 =	sadd.s32 $0xFFFFFEF7, lr;
	s5 =	simm.s32 $0xFFFFFFFF;
	p2 =	slt.u32 s8, $0xFFFFF086  }
0x1c: {  	p1 =	slt.u32 s9, $0xF7A;
	s5 =	simm.s32 @!p2 $0x0  }
0x1d: {  	s5 =	simm.s32 @p1 $0x1;
	p0 =	seq.s32 s7, s2  }
0x1e: {  	s7 =	smul.u32 @!p0 $0xF7A, s2;
	p2 =	seq.s32 @!p0 s5, $0x0  }
0x1f: {  	s9 =	smul.u32 $0xF7A, s1;
	s8 =	simm.s32 @!p0 $0x1BF5;
	p2 =	por !p2, p0  }
0x20: {  	[sflag:s8] =	ssyncset.s32 @!p0 $0xFFFFF086;
	s6 =	sadd.s32 @!p0 s3, s7;
	s7 =	simm.s32 @!p0 $0x108  }
0x21: {  	s3 =	sadd.s32 s3, s9;
	s6 =	sadd.s32 @!p0 $0x88, s6;
	s7 =	simm.s32 @p2 $0x1082  }
0x22: {  	[simem:s7], [sflag:s8] =	dma.local @!p0 [hbm:s6], $0xF7A  }
0x23: {  	s9 =	sor.u32 $0xD0000000, s2;
	s6 =	simm.s32 $0x108;
	_ =	swait.ge @!p0 [sflag:s8], $0x0  }
0x24: {  	s3 =	sadd.s32 $0x88, s3;
	s6 =	simm.s32 @!p1 $0x1082;
	[sflag:s4] =	ssyncset.s32 $0xFFFFF086  }
0x25: {  	[simem:s6], [sflag:s4] =	dma.local [hbm:s3], $0xF7A  }
0x26: {  	[smem:$0x3F99] =	sst s1;
	(tag) =	ssettag s2;
	_ =	strace s9  }
0x27: {  	s1 =	sld [smem:$0x3FA9]  }
0x28: {  	s2 =	sld [smem:$0x3FAA]  }
0x29: {  	s4 =	sld [smem:$0x3FAC]  }
0x2a: {  	p0 =	seq.s32 s5, $0x0;
	s5 =	sld [smem:$0x3FAD]  }
0x2b: {  	s6 =	sld [smem:$0x3FAE]  }
0x2c: {  	s7 =	sld [smem:$0x3FAF]  }
0x2d: {  	s3 =	simm.s32 $0x108;
	s8 =	sld [smem:$0x3FB0]  }
0x2e: {  	s3 =	simm.s32 @!p0 $0x1082;
	s9 =	sld [smem:$0x3FB1]  }
0x2f: {  	lr =	sadd.s32 s0, s3;
	s0 =	sld [smem:$0x3FA8]  }
0x30: {  	s3 =	sld [smem:$0x3FAB]  }
0x31: {  	[smem:$0x3FB4] =	sst s10  }
0x32: {  	s10 =	sld [smem:$0x3FB2];
	_ =	sdelay $0x3  }
0x33: {  	p0 =	seq.s32 s10, $0x1;
	s10 =	sld [smem:$0x3FB4];
	_ =	sdelay $0x3  }
0x34: {  	[smem:$0x3FB4] =	sst s10  }
0x35: {  	s10 =	sld [smem:$0x3FB3];
	_ =	sdelay $0x3  }
0x36: {  	p1 =	seq.s32 s10, $0x1;
	s10 =	sld [smem:$0x3FB4];
	_ =	sdelay $0x3  }
0x37: {  	[smem:$0x3FB4] =	sst s10  }
0x38: {  	s10 =	sld [smem:$0x3FB5]  }
0x39: {  	_ = 	snop;
	(pc) =	sbr.ind lr, $3  }
0x3a: {  	_ = 	snop  }
0x3b: {  	_ = 	snop  }
0x3c: {  	p2 =	seq.s32 s10, $0x1;
	s10 =	sld [smem:$0x3FB4]  }
0x3d: {  	_ =	shalt  }
0x3e: {  	_ =	shalt  }
0x3f: {  	_ =	shalt  }
0x40: {  	_ =	shalt  }
0x41: {  	_ =	shalt  }
0x42: {  	_ =	shalt  }
0x43: {  	_ =	shalt  }
0x44: {  	_ =	shalt  }
0x45: {  	_ =	shalt  }
0x46: {  	_ =	shalt  }
0x47: {  	_ =	shalt  }
0x48: {  	_ =	shalt  }
0x49: {  	_ =	shalt  }
0x4a: {  	_ =	shalt  }
0x4b: {  	_ =	shalt  }
0x4c: {  	_ =	shalt  }
0x4d: {  	_ =	shalt  }
0x4e: {  	_ =	shalt  }
0x4f: {  	_ =	shalt  }
0x50: {  	_ =	shalt  }
0x51: {  	_ =	shalt  }
0x52: {  	_ =	shalt  }
0x53: {  	_ =	shalt  }
0x54: {  	_ =	shalt  }
0x55: {  	_ =	shalt  }
0x56: {  	_ =	shalt  }
0x57: {  	_ =	shalt  }
0x58: {  	_ =	shalt  }
0x59: {  	_ =	shalt  }
0x5a: {  	_ =	shalt  }
0x5b: {  	_ =	shalt  }
0x5c: {  	_ =	shalt  }
0x5d: {  	_ =	shalt  }
0x5e: {  	_ =	shalt  }
0x5f: {  	_ =	shalt  }
0x60: {  	_ =	shalt  }
0x61: {  	_ =	shalt  }
0x62: {  	_ =	shalt  }
0x63: {  	_ =	shalt  }
0x64: {  	_ =	shalt  }
0x65: {  	_ =	shalt  }
0x66: {  	_ =	shalt  }
0x67: {  	_ =	shalt  }
0x68: {  	_ =	shalt  }
0x69: {  	_ =	shalt  }
0x6a: {  	_ =	shalt  }
0x6b: {  	_ =	shalt  }
0x6c: {  	_ =	shalt  }
0x6d: {  	_ =	shalt  }
0x6e: {  	_ =	shalt  }
0x6f: {  	_ =	shalt  }
0x70: {  	_ =	shalt  }
0x71: {  	_ =	shalt  }
0x72: {  	_ =	shalt  }
0x73: {  	_ =	shalt  }
0x74: {  	_ =	shalt  }
0x75: {  	_ =	shalt  }
0x76: {  	_ =	shalt  }
0x77: {  	_ =	shalt  }
0x78: {  	_ =	shalt  }
0x79: {  	_ =	shalt  }
0x7a: {  	_ =	shalt  }
0x7b: {  	_ =	shalt  }
0x7c: {  	_ =	shalt  }
0x7d: {  	_ =	shalt  }
0x7e: {  	_ =	shalt  }
0x7f: {  	_ =	shalt  }
0x80: {  	_ =	shalt  }
0x81: {  	_ =	shalt  }
0x82: {  	_ =	shalt  }
0x83: {  	_ =	shalt  }
0x84: {  	_ =	shalt  }
0x85: {  	_ =	shalt  }
0x86: {  	_ =	shalt  }
0x87: {  	_ =	shalt  }
.Lfunc_end0:
.L_simem_size_0:
called_computation.2_lowered:
.L_overlay_start_0:
0x88: {  	s2 =	sld [smem:$0x3FD9]  }
0x89: {  	s3 =	sld [smem:$0x3FFE];
	_ =	sdelay $0x1  }
0x8a: {  	s1 =	srdreg.scid  }
0x8b: {  	s0 =	sand.u32 $0x1, s1  }
0x8c: {  	s17 =	sshll.u32 s0, $0xA;
	s2 =	sadd.s32 s3, s2  }
0x8d: {  	s2 =	sadd.s32 s2, s17  }
0x8e: {  	[smem:$0x3FC0] =	sst s2  }
0x8f: {  	_ = 	snop  }
0x90: {  	s18 =	sld [smem:$0x3FC7];
	(tm) =	ssettm $0x1  }
0x91: {  	s19 =	sld [smem:$0x3FFB];
	_ =	sdelay $0x3  }
0x92: {  	_ =	strace s19  }
0x93: {  	s2 =	sld [smem:$0x3FFC];
	_ =	sdelay $0x3  }
0x94: {  	_ =	strace s2  }
0x95: {  	s2 =	sld [smem:$0x3FFD];
	_ =	sdelay $0x3  }
0x96: {  	_ =	strace s2  }
0x97: {  	_ =	strace $0x8FFFFFFF  }
0x98: {  	s20 =	sld [smem:$0x3FDB];
	_ =	sdelay $0x1  }
0x99: {  	s4 =	simm.s32 $_scs_section_size  }
0x9a: {  	s5 =	simm.s32 $_size__tile_overlayer_lowered;
	s6 =	simm.s32 $_tile_overlayer_lowered  }
0x9b: {  	s7 =	simm.s32 $0x1BFF;
	s21 =	sshll.u32 s6, $0x1;
	s4 =	sadd.s32 s4, s20  }
0x9c: {  	s22 =	simm.s32 $0x0;
	s5 =	sshll.u32 s5, $0x1;
	s6 =	sadd.s32 s21, s4  }
0x9d: {  	[timem:s22], [sflag:s7] =	dma.local [hbm:s6], s5  }
0x9e: {  	_ =	swait.ge [sflag:s7], s5  }
0x9f: {  	s5 =	ssub.s32 $0x0, s5;
	[sflag:s7] =	ssyncset.done $0x0  }
0xa0: {  	[sflag:s7] =	ssyncadd.s32 s5;
	_ =	sdelay $0x1  }
0xa1: {  	s23 =	simm.s32 $0x1B8B  }
0xa2: {  	_ =	swait.ge [sflag:s23], $0x1  }
0xa3: {  	[sflag:s23] =	ssyncset.done $0x0  }
0xa4: {  	[sflag:s23] =	ssyncadd.s32 $0xFFFFFFFF  }
0xa5: {  	s5 =	sld [smem:$0x0]  }
0xa6: {  	s6 =	sand.u32 $0xFFFFFFFE, s1  }
0xa7: {  	p0 =	sne.s32 s1, s6  }
0xa8: {  	s6 =	sshll.u32 @p0 s6, $0xE  }
0xa9: {  	s6 =	sadd.s32 @p0 $0x11B8D, s6;
	s7 =	sshll.u32 @p0 s5, $0x11  }
0xaa: {  	s6 =	sor.u32 @p0 s7, s6  }
0xab: {  	[sflag:s6] =	ssyncadd.remote.s32 @p0 $0x1;
	_ =	sdelay $0x1  }
0xac: {  	s6 =	simm.s32 @p0 $0x1B8D  }
0xad: {  	_ =	swait.eq @p0 [sflag:s6], $0x1  }
0xae: {  	[sflag:s6] =	ssyncadd.s32 @p0 $0xFFFFFFFF  }
0xaf: {  	s7 =	sshll.u32 @!p0 s1, $0xE  }
0xb0: {  	s7 =	sor.u32 @!p0 $0x4000, s7;
	s6 =	simm.s32 @!p0 $0x1B8D  }
0xb1: {  	s5 =	sshll.u32 @!p0 s5, $0x11;
	s7 =	sadd.s32 @!p0 $0x11B8D, s7;
	_ =	swait.eq @!p0 [sflag:s6], $0x1  }
0xb2: {  	s5 =	sor.u32 @!p0 s5, s7;
	[sflag:s6] =	ssyncadd.s32 @!p0 $0xFFFFFFFF  }
0xb3: {  	s25 =	simm.s32 $0x1B8E;
	s24 =	sld [smem:$0x3FFE];
	[sflag:s5] =	ssyncadd.remote.s32 @!p0 $0x1  }
0xb4: {  	s26 =	simm.s32 $execute0_lowered;
	[smem:$0x3FD2] =	sst s25  }
0xb5: {  	s6 =	sshll.u32 s26, $0x1;
	_ =	strace $0x8000004C;
	[dreg:$0x1] =	wrdreg $0xFFFFFFFF  }
0xb6: {  	s28 =	simm.s32 $_size_execute0_lowered;
	s4 =	sadd.s32 s4, s6;
	[dreg:$0x0] =	wrdreg $0x0  }
0xb7: {  	s6 =	sshll.u32 s28, $0x1;
	[dreg:$0x2] =	wrdreg s4  }
0xb8: {  	[dreg:$0x3] =	wrdreg s6  }
0xb9: {  	[dreg:$0x4] =	wrdreg $0xC0  }
0xba: {  	_ =	task [dreg:s22], $0x5FFFF  }
0xbb: {  	[dreg:$0x1] =	wrdreg $0xFFFFFFFF  }
0xbc: {  	[dreg:$0x0] =	wrdreg $0x60  }
0xbd: {  	[dreg:$0x2] =	wrdreg s24  }
0xbe: {  	[dreg:$0x3] =	wrdreg s18  }
0xbf: {  	[dreg:$0x4] =	wrdreg $0xB  }
0xc0: {  	_ =	task.clear_ibuf [dreg:s22], $0x5FFFF;
	_ =	strace $0x9000004C  }
0xc1: {  	s29 =	simm.s32 $0xB;
	_ =	strace $0x8000004E  }
0xc2: {  	_ =	swait.ge [sflag:s29], $0x1  }
0xc3: {  	[sflag:s29] =	ssyncadd.s32 $0xFFFFFFFF  }
0xc4: {  	_ =	strace $0x9000004E  }
0xc5: {  	_ =	sfence  }
0xc6: {  	s30 =	sld [smem:$0x0];
	_ =	sdelay $0x2  }
0xc7: {  	s31 =	sshll.u32 s1, $0xD;
	s1 =	sshrl.u32 s1, $0x2  }
0xc8: {  	s4 =	sand.u32 $0x4000, s31;
	s1 =	sadd.s32 s1, s30  }
0xc9: {  	s0 =	sor.u32 s4, s0;
	s1 =	sshll.u32 s1, $0x11  }
0xca: {  	s0 =	sor.u32 s1, s0  }
0xcb: {  	s0 =	sadd.s32 $0x8F2B, s0  }
0xcc: {  	[sflag:s0] =	ssyncadd.remote.s32 $0x1  }
0xcd: {  	_ =	sfence.sel $0xFFFF  }
0xce: {  	[dreg:$0x0] =	wrdreg $0xFFFFFFFF;
	(pc) =	sbr.abs _section_cstart, $3  }
0xcf: {  	[dreg:$0x1] =	wrdreg $0xFFFFFFFF  }
0xd0: {  	_ =	task.clear_ibuf [dreg:s22], $0x2FFFF;
	_ =	strace $0x9FFFFFFF  }
0xd1: {  	(tm) =	ssettm $0x7FFFFFFF  }
tec
execute0_lowered:
.L_overlay_start_1:
0x0: {  	(tag) =	ssettag $0x1  }
0x1: {  	s4 =	rddreg [dreg:$0x0]  }
0x2: {  	s2 =	rddreg [dreg:$0x1];
	s0 =	stileid.u32  }
0x3: {  	s3 =	srdreg.scid;
	s1 =	rddreg [dreg:$0x2];
	s11 =	simm.s32 $0x80  }
0x4: {  	s12 =	simm.s32 $0xF00;
	s13 =	simm.s32 $0x4F00;
	s14 =	simm.s32 $0x1  }
0x5: {  	s15 =	simm.s32 $0x3;
	s16 =	simm.s32 $0x2;
	s17 =	simm.s32 $0x4  }
0x6: {  	s18 =	simm.s32 $0x0;
	s5 =	smul.u32 $0xA, s0;
	s10 =	sand.u32 $0x1, s3  }
0x7: {  	s6 =	smul.u32 $0x1E, s0;
	s3 =	simm.s32 $0x0;
	p0 =	seq.s32 s10, $0x0  }
0x8: {  	[smem:$0x7FF] =	sst s3;
	s7 =	ssub.s32 $0x2, s10;
	s5 =	sadd.s32 $0x1E0, s5  }
0x9: {  	_ =	strace $0x8000004D;
	s31 =	sshrl.u32 s7, $0x1;
	s5 =	smov.u32 @p0 s6  }
0xa: {  	s7 =	ssub.s32 s7, s31;
	s6 =	sshll.u32 s5, $0x4;
	s5 =	sshll.u32 s5, $0xB  }
0xb: {  	s6 =	sadd.s32 s6, s4;
	s9 =	sadd.s32 s5, s4;
	s4 =	simm.s32 $0x1E  }
0xc: {  	s7 =	smax.u32 s7, $0x1;
	s4 =	simm.s32 @!p0 $0xA;
	s5 =	sadd.s32 $0x2D9200, s6  }
0xd: {  	s6 =	sadd.s32 $0x2D92A0, s6;
	s9 =	sadd.s32 $0x304200, s9;
	s8 =	sshrl.u32 s4, $0x1  }
0xe: {  	p0 =	sne.s32 s10, $0x0;
	s10 =	simm.s32 $0x5;
	s8 =	sadd.s32 $0xFFFFFFFF, s8  }
.LBB2_1:
0xf: {  	[tilespmem:s3], [sflag:$0x5] =	stream.linear.gather [hbm4b:s5+s3], $0x500, $0x38;
	[tilespmem:$0x8F00] =	vst v63  }
0x10: {  	_ =	swait.ge [sflag:s10], $0x500  }
0x11: {  	[sflag:s10] =	ssyncset.done $0x0  }
0x12: {  	s19 =	simm.s32 @!p0 $0x0;
	s20 =	simm.s32 @!p0 $0x500;
	[sflag:s10] =	ssyncadd.s32 $0xFFFFFB00  }
0x13: {  	[tilespmem:s20], [sflag:$0x5] =	stream.linear.gather @!p0 [hbm4b:s6+s19], $0xA00, $0x38;
	[tilespmem:$0x8F00] =	vst v63  }
0x14: {  	s19 =	simm.s32 @!p0 $0x5  }
0x15: {  	_ =	swait.ge @!p0 [sflag:s19], $0xA00  }
0x16: {  	[sflag:s19] =	ssyncset.done @!p0 $0x0  }
0x17: {  	[sflag:s19] =	ssyncadd.s32 @!p0 $0xFFFFF600  }
0x18: {  	[tilespmem:s12], [sflag:$0x1] =	stream.indirect.gather [hbm4b:s2+s11], $0x80, s3, s11, $0xb8;
	[tilespmem:$0x8F00] =	vst v63  }
0x19: {  	_ = 	snop  }
0x1a: {  	[tilespmem:s13], [sflag:$0x2] =	stream.indirect.gather [hbm4b:s2+s11], $0x80, s11, s11, $0xb8;
	[tilespmem:$0x8F00] =	vst v63  }
0x1b: {  	_ =	swait.ge [sflag:s14], $0x4000  }
0x1c: {  	[sflag:s14] =	ssyncset.done $0x0  }
0x1d: {  	s31 =	sadd.s32 $0xFFFFF800, s9;
	[sflag:s14] =	ssyncadd.s32 $0xFFFFC000  }
0x1e: {  	[hbm4b:s31+s3] =	stream.linear.scatter [tilespmem:s12], [sflag:$0x3], $0x4000, $0x38;
	[tilespmem:$0x8F00] =	vst v63  }
0x1f: {  	p1 =	sle.u32 s4, $0x2;
	_ =	swait.ge [sflag:s15], $0x4000  }
0x20: {  	s22 =	sadd.s32 $0xFFFFFFFF, s8;
	s21 =	simm.s32 @!p1 $0xF00;
	[sflag:s15] =	ssyncset.done $0x0  }
0x21: {  	s20 =	simm.s32 @!p1 $0x80;
	s19 =	simm.s32 @!p1 $0x100;
	[sflag:s15] =	ssyncadd.s32 $0xFFFFC000  }
0x22: {  	[tilespmem:s21], [sflag:$0x1] =	stream.indirect.gather @!p1 [hbm4b:s2+s20], $0x80, s19, s20, $0xb8;
	[tilespmem:$0x8F00] =	vst v63  }
0x23: {  	s23 =	simm.s32 $0x180;
	p1 =	sne.s32 s22, $0x0;
	_ =	swait.ge [sflag:s16], $0x4000  }
.Ltmp0:
0x24: {  	p2 =	sle.u32 s4, $0x3;
	[sflag:s16] =	ssyncset.done $0x0;
	(pc) =	sbr.rel @!p1 .LBB2_3-.Ltmp0, $4  }
0x25: {  	s24 =	smov.u32 s9;
	s25 =	simm.s32 @!p2 $0x80;
	[sflag:s16] =	ssyncadd.s32 $0xFFFFC000  }
0x26: {  	[hbm4b:s9+s3] =	stream.linear.scatter [tilespmem:s13], [sflag:$0x4], $0x4000, $0x38;
	[tilespmem:$0x8F00] =	vst v63  }
0x27: {  	s26 =	simm.s32 @!p2 $0x4F00;
	s20 =	simm.s32 $0x5;
	_ =	swait.ge [sflag:s17], $0x4000  }
0x28: {  	s19 =	simm.s32 $0x280;
	s21 =	simm.s32 $0x180;
	[sflag:s17] =	ssyncset.done $0x0  }
.LBB2_2:
0x29: {  	s21 =	smov.u32 s19  }
0x2a: {  	s22 =	sadd.s32 $0xFFFFFFFF, s22;
	s24 =	sadd.s32 $0x1000, s24;
	[sflag:s17] =	ssyncadd.s32 $0xFFFFC000  }
0x2b: {  	[tilespmem:s26], [sflag:$0x2] =	stream.indirect.gather @!p2 [hbm4b:s2+s25], $0x80, s23, s25, $0xb8;
	[tilespmem:$0x8F00] =	vst v63  }
0x2c: {  	p1 =	sne.s32 s22, $0x0;
	s25 =	smov.u32 s20;
	_ =	swait.ge [sflag:s14], $0x4000  }
0x2d: {  	s26 =	sadd.s32 $0xFFFFF800, s24;
	s23 =	smov.u32 s19;
	[sflag:s14] =	ssyncset.done $0x0  }
0x2e: {  	s28 =	sadd.s32 $0xFFFFFFFF, s20;
	[sflag:s14] =	ssyncadd.s32 $0xFFFFC000  }
0x2f: {  	[hbm4b:s26+s3] =	stream.linear.scatter [tilespmem:s12], [sflag:$0x3], $0x4000, $0x38;
	[tilespmem:$0x8F00] =	vst v63  }
0x30: {  	p2 =	sge.u32 s28, s4;
	_ =	swait.ge [sflag:s15], $0x4000  }
0x31: {  	s28 =	simm.s32 @!p2 $0x80;
	s26 =	sadd.s32 @!p2 $0xFFFFFF80, s19;
	[sflag:s15] =	ssyncset.done $0x0  }
0x32: {  	s29 =	simm.s32 @!p2 $0xF00;
	[sflag:s15] =	ssyncadd.s32 $0xFFFFC000  }
0x33: {  	[tilespmem:s29], [sflag:$0x1] =	stream.indirect.gather @!p2 [hbm4b:s2+s28], $0x80, s26, s28, $0xb8;
	[tilespmem:$0x8F00] =	vst v63  }
0x34: {  	_ =	swait.ge [sflag:s16], $0x4000  }
.Ltmp1:
0x35: {  	[sflag:s16] =	ssyncset.done $0x0;
	(pc) =	sbr.rel @p1 .LBB2_2-.Ltmp1, $4  }
0x36: {  	s20 =	sadd.s32 $0x2, s20;
	[sflag:s16] =	ssyncadd.s32 $0xFFFFC000  }
0x37: {  	[hbm4b:s24+s3] =	stream.linear.scatter [tilespmem:s13], [sflag:$0x4], $0x4000, $0x38;
	[tilespmem:$0x8F00] =	vst v63  }
0x38: {  	s19 =	sadd.s32 $0x100, s19;
	p2 =	sge.u32 s25, s4;
	_ =	swait.ge [sflag:s17], $0x4000  }
0x39: {  	s25 =	simm.s32 @!p2 $0x80;
	s26 =	simm.s32 @!p2 $0x4F00;
	[sflag:s17] =	ssyncset.done $0x0  }
.LBB2_3:
0x3a: {  	[sflag:s17] =	ssyncadd.s32 $0xFFFFC000  }
0x3b: {  	[tilespmem:s26], [sflag:$0x2] =	stream.indirect.gather @!p2 [hbm4b:s2+s25], $0x80, s23, s25, $0xb8;
	[tilespmem:$0x8F00] =	vst v63  }
0x3c: {  	_ =	swait.ge [sflag:s14], $0x4000  }
0x3d: {  	s22 =	sadd.s32 $0x1000, s24;
	[sflag:s14] =	ssyncset.done $0x0  }
0x3e: {  	s31 =	sadd.s32 $0xFFFFFFFF, s20;
	s30 =	sadd.s32 $0xFFFFF800, s22;
	[sflag:s14] =	ssyncadd.s32 $0xFFFFC000  }
0x3f: {  	[hbm4b:s30+s3] =	stream.linear.scatter [tilespmem:s12], [sflag:$0x3], $0x4000, $0x38;
	[tilespmem:$0x8F00] =	vst v63  }
0x40: {  	p1 =	sge.u32 s31, s4;
	_ =	swait.ge [sflag:s15], $0x4000  }
0x41: {  	s21 =	sadd.s32 @!p1 $0x80, s21;
	[sflag:s15] =	ssyncset.done $0x0  }
0x42: {  	s23 =	simm.s32 @!p1 $0x80;
	s24 =	simm.s32 @!p1 $0xF00;
	[sflag:s15] =	ssyncadd.s32 $0xFFFFC000  }
0x43: {  	[tilespmem:s24], [sflag:$0x1] =	stream.indirect.gather @!p1 [hbm4b:s2+s23], $0x80, s21, s23, $0xb8;
	[tilespmem:$0x8F00] =	vst v63  }
0x44: {  	_ =	swait.ge [sflag:s16], $0x4000  }
0x45: {  	[sflag:s16] =	ssyncset.done $0x0  }
0x46: {  	[sflag:s16] =	ssyncadd.s32 $0xFFFFC000  }
0x47: {  	[hbm4b:s22+s3] =	stream.linear.scatter [tilespmem:s13], [sflag:$0x4], $0x4000, $0x38;
	[tilespmem:$0x8F00] =	vst v63  }
0x48: {  	_ =	swait.ge [sflag:s17], $0x4000  }
0x49: {  	s18 =	sadd.s32 $0x1, s18;
	p1 =	sge.u32 s20, s4;
	[sflag:s17] =	ssyncset.done $0x0  }
0x4a: {  	s20 =	simm.s32 @!p1 $0x80;
	s21 =	simm.s32 @!p1 $0x4F00;
	[sflag:s17] =	ssyncadd.s32 $0xFFFFC000  }
0x4b: {  	[tilespmem:s21], [sflag:$0x2] =	stream.indirect.gather @!p1 [hbm4b:s2+s20], $0x80, s19, s20, $0xb8;
	[tilespmem:$0x8F00] =	vst v63  }
0x4c: {  	p1 =	sne.s32 s18, s7  }
.Ltmp2:
0x4d: {  	_ = 	snop;
	(pc) =	sbr.rel @p1 .LBB2_1-.Ltmp2, $1  }
0x4e: {  	_ =	sdelay $0x3  }
0x4f: {  	_ =	sfence.sel $0x180000  }
0x50: {  	[bflag:$0x0] =	sbarrier.arrive $0xFFFF  }
0x51: {  	p0 =	sne.s32 s0, $0x0;
	_ =	strace $0x9000004D  }
0x52: {  	s0 =	sadd.s32 @!p0 $0x100000, s1;
	[bflag:$0x2] =	sbarrier.arrive $0xFFFF  }
0x53: {  	[sflag:s0] =	ssyncadd.tile.s32 @!p0 $0x1;
	_ =	shalt  }
.Lfunc_end2:
_tile_overlayer_lowered:
.L_overlay_start_2:
0x54: {  	(tag) =	ssettag $0x2  }
0x55: {  	s0 =	rddreg [dreg:$0x0];
	s2 =	stileid.u32  }
0x56: {  	s1 =	rddreg [dreg:$0x1];
	p0 =	sne.s32 s2, $0x0  }
0x57: {  	s3 =	rddreg [dreg:$0x2];
	[bflag:$0x3] =	sbarrier.arrive $0xFFFF;
	s2 =	simm.s32 @!p0 $0x1C05  }
0x58: {  	[timem:s3], [sflag:s2] =	dma.local @!p0 [hbm:s0], s1  }
0x59: {  	s0 =	simm.s32 @!p0 $0x5  }
0x5a: {  	_ =	swait.ge @!p0 [sflag:s0], s1  }
0x5b: {  	s1 =	ssub.s32 @!p0 $0x0, s1;
	[sflag:s0] =	ssyncset.done @!p0 $0x0  }
0x5c: {  	[sflag:s0] =	ssyncadd.s32 @!p0 s1  }
0x5d: {  	[bflag:$0x3] =	sbarrier.arrive $0xFFFF  }
0x5e: {  	_ =	shalt  }

// kernel: kernel.19.cloned.1.call-start
scs
__scs_entry_jumppad:
0x0: {  	(pc) =	sbr.rel $0x88, $3  }
0x1: {  	(tag) =	ssettag $0x0;
	lr =	simm.s32 $0x1  }
0x2: {  	[smem:$0x3F99] =	sst lr;
	_ =	strace $0xD0000000  }
0x3: {  	_ = 	snop  }
0x4: {  	_ = 	snop  }
0x5: {  	_ = 	snop  }
0x6: {  	_ = 	snop  }
0x7: {  	_ = 	snop  }
__scs_overlays_trampoline_lowered:
0x8: {  	[smem:$0x3FA8] =	sst s0  }
0x9: {  	[smem:$0x3FA9] =	sst s1  }
0xa: {  	[smem:$0x3FAA] =	sst s2  }
0xb: {  	[smem:$0x3FAB] =	sst s3  }
0xc: {  	[smem:$0x3FAC] =	sst s4  }
0xd: {  	[smem:$0x3FAD] =	sst s5  }
0xe: {  	[smem:$0x3FAE] =	sst s6  }
0xf: {  	[smem:$0x3FAF] =	sst s7  }
0x10: {  	[smem:$0x3FB0] =	sst s8  }
0x11: {  	[smem:$0x3FB1] =	sst s9;
	s0 =	simm.s32 @!p0 $0x0  }
0x12: {  	s1 =	sld [smem:$0x3F97];
	s0 =	simm.s32 @p0 $0x1  }
0x13: {  	[smem:$0x3FB2] =	sst s0;
	s0 =	simm.s32 @!p1 $0x0  }
0x14: {  	s2 =	sld [smem:$0x3F96];
	s0 =	simm.s32 @p1 $0x1  }
0x15: {  	[smem:$0x3FB3] =	sst s0;
	s0 =	simm.s32 @!p2 $0x0  }
0x16: {  	s3 =	sld [smem:$0x3FDB];
	s0 =	simm.s32 @p2 $0x1  }
0x17: {  	s4 =	simm.s32 $0x1BF5;
	[smem:$0x3FB5] =	sst s0  }
0x18: {  	s0 =	sld [smem:$0x3F98];
	_ =	swait.ge [sflag:s4], $0x0  }
0x19: {  	s7 =	sld [smem:$0x3F99]  }
0x1a: {  	s8 =	sadd.s32 $0xFFFFE003, lr  }
0x1b: {  	s9 =	sadd.s32 $0xFFFFFEF7, lr;
	s5 =	simm.s32 $0xFFFFFFFF;
	p2 =	slt.u32 s8, $0xFFFFF086  }
0x1c: {  	p1 =	slt.u32 s9, $0xF7A;
	s5 =	simm.s32 @!p2 $0x0  }
0x1d: {  	s5 =	simm.s32 @p1 $0x1;
	p0 =	seq.s32 s7, s2  }
0x1e: {  	s7 =	smul.u32 @!p0 $0xF7A, s2;
	p2 =	seq.s32 @!p0 s5, $0x0  }
0x1f: {  	s9 =	smul.u32 $0xF7A, s1;
	s8 =	simm.s32 @!p0 $0x1BF5;
	p2 =	por !p2, p0  }
0x20: {  	[sflag:s8] =	ssyncset.s32 @!p0 $0xFFFFF086;
	s6 =	sadd.s32 @!p0 s3, s7;
	s7 =	simm.s32 @!p0 $0x108  }
0x21: {  	s3 =	sadd.s32 s3, s9;
	s6 =	sadd.s32 @!p0 $0x88, s6;
	s7 =	simm.s32 @p2 $0x1082  }
0x22: {  	[simem:s7], [sflag:s8] =	dma.local @!p0 [hbm:s6], $0xF7A  }
0x23: {  	s9 =	sor.u32 $0xD0000000, s2;
	s6 =	simm.s32 $0x108;
	_ =	swait.ge @!p0 [sflag:s8], $0x0  }
0x24: {  	s3 =	sadd.s32 $0x88, s3;
	s6 =	simm.s32 @!p1 $0x1082;
	[sflag:s4] =	ssyncset.s32 $0xFFFFF086  }
0x25: {  	[simem:s6], [sflag:s4] =	dma.local [hbm:s3], $0xF7A  }
0x26: {  	[smem:$0x3F99] =	sst s1;
	(tag) =	ssettag s2;
	_ =	strace s9  }
0x27: {  	s1 =	sld [smem:$0x3FA9]  }
0x28: {  	s2 =	sld [smem:$0x3FAA]  }
0x29: {  	s4 =	sld [smem:$0x3FAC]  }
0x2a: {  	p0 =	seq.s32 s5, $0x0;
	s5 =	sld [smem:$0x3FAD]  }
0x2b: {  	s6 =	sld [smem:$0x3FAE]  }
0x2c: {  	s7 =	sld [smem:$0x3FAF]  }
0x2d: {  	s3 =	simm.s32 $0x108;
	s8 =	sld [smem:$0x3FB0]  }
0x2e: {  	s3 =	simm.s32 @!p0 $0x1082;
	s9 =	sld [smem:$0x3FB1]  }
0x2f: {  	lr =	sadd.s32 s0, s3;
	s0 =	sld [smem:$0x3FA8]  }
0x30: {  	s3 =	sld [smem:$0x3FAB]  }
0x31: {  	[smem:$0x3FB4] =	sst s10  }
0x32: {  	s10 =	sld [smem:$0x3FB2];
	_ =	sdelay $0x3  }
0x33: {  	p0 =	seq.s32 s10, $0x1;
	s10 =	sld [smem:$0x3FB4];
	_ =	sdelay $0x3  }
0x34: {  	[smem:$0x3FB4] =	sst s10  }
0x35: {  	s10 =	sld [smem:$0x3FB3];
	_ =	sdelay $0x3  }
0x36: {  	p1 =	seq.s32 s10, $0x1;
	s10 =	sld [smem:$0x3FB4];
	_ =	sdelay $0x3  }
0x37: {  	[smem:$0x3FB4] =	sst s10  }
0x38: {  	s10 =	sld [smem:$0x3FB5]  }
0x39: {  	_ = 	snop;
	(pc) =	sbr.ind lr, $3  }
0x3a: {  	_ = 	snop  }
0x3b: {  	_ = 	snop  }
0x3c: {  	p2 =	seq.s32 s10, $0x1;
	s10 =	sld [smem:$0x3FB4]  }
0x3d: {  	_ =	shalt  }
0x3e: {  	_ =	shalt  }
0x3f: {  	_ =	shalt  }
0x40: {  	_ =	shalt  }
0x41: {  	_ =	shalt  }
0x42: {  	_ =	shalt  }
0x43: {  	_ =	shalt  }
0x44: {  	_ =	shalt  }
0x45: {  	_ =	shalt  }
0x46: {  	_ =	shalt  }
0x47: {  	_ =	shalt  }
0x48: {  	_ =	shalt  }
0x49: {  	_ =	shalt  }
0x4a: {  	_ =	shalt  }
0x4b: {  	_ =	shalt  }
0x4c: {  	_ =	shalt  }
0x4d: {  	_ =	shalt  }
0x4e: {  	_ =	shalt  }
0x4f: {  	_ =	shalt  }
0x50: {  	_ =	shalt  }
0x51: {  	_ =	shalt  }
0x52: {  	_ =	shalt  }
0x53: {  	_ =	shalt  }
0x54: {  	_ =	shalt  }
0x55: {  	_ =	shalt  }
0x56: {  	_ =	shalt  }
0x57: {  	_ =	shalt  }
0x58: {  	_ =	shalt  }
0x59: {  	_ =	shalt  }
0x5a: {  	_ =	shalt  }
0x5b: {  	_ =	shalt  }
0x5c: {  	_ =	shalt  }
0x5d: {  	_ =	shalt  }
0x5e: {  	_ =	shalt  }
0x5f: {  	_ =	shalt  }
0x60: {  	_ =	shalt  }
0x61: {  	_ =	shalt  }
0x62: {  	_ =	shalt  }
0x63: {  	_ =	shalt  }
0x64: {  	_ =	shalt  }
0x65: {  	_ =	shalt  }
0x66: {  	_ =	shalt  }
0x67: {  	_ =	shalt  }
0x68: {  	_ =	shalt  }
0x69: {  	_ =	shalt  }
0x6a: {  	_ =	shalt  }
0x6b: {  	_ =	shalt  }
0x6c: {  	_ =	shalt  }
0x6d: {  	_ =	shalt  }
0x6e: {  	_ =	shalt  }
0x6f: {  	_ =	shalt  }
0x70: {  	_ =	shalt  }
0x71: {  	_ =	shalt  }
0x72: {  	_ =	shalt  }
0x73: {  	_ =	shalt  }
0x74: {  	_ =	shalt  }
0x75: {  	_ =	shalt  }
0x76: {  	_ =	shalt  }
0x77: {  	_ =	shalt  }
0x78: {  	_ =	shalt  }
0x79: {  	_ =	shalt  }
0x7a: {  	_ =	shalt  }
0x7b: {  	_ =	shalt  }
0x7c: {  	_ =	shalt  }
0x7d: {  	_ =	shalt  }
0x7e: {  	_ =	shalt  }
0x7f: {  	_ =	shalt  }
0x80: {  	_ =	shalt  }
0x81: {  	_ =	shalt  }
0x82: {  	_ =	shalt  }
0x83: {  	_ =	shalt  }
0x84: {  	_ =	shalt  }
0x85: {  	_ =	shalt  }
0x86: {  	_ =	shalt  }
0x87: {  	_ =	shalt  }
.Lfunc_end0:
.L_simem_size_0:
called_computation.3_lowered:
.L_overlay_start_0:
0x88: {  	s2 =	sld [smem:$0x3FD9]  }
0x89: {  	s3 =	sld [smem:$0x3FFE];
	_ =	sdelay $0x1  }
0x8a: {  	s1 =	srdreg.scid  }
0x8b: {  	s0 =	sand.u32 $0x1, s1  }
0x8c: {  	s17 =	sshll.u32 s0, $0xA;
	s2 =	sadd.s32 s3, s2  }
0x8d: {  	s2 =	sadd.s32 s2, s17  }
0x8e: {  	[smem:$0x3FC0] =	sst s2  }
0x8f: {  	_ = 	snop  }
0x90: {  	s18 =	sld [smem:$0x3FC7]  }
0x91: {  	s4 =	sld [smem:$0x3FD0];
	(tm) =	ssettm $0x1  }
0x92: {  	s19 =	sld [smem:$0x3FFB];
	_ =	sdelay $0x3  }
0x93: {  	_ =	strace s19  }
0x94: {  	s2 =	sld [smem:$0x3FFC];
	_ =	sdelay $0x3  }
0x95: {  	_ =	strace s2  }
0x96: {  	s2 =	sld [smem:$0x3FFD];
	_ =	sdelay $0x3  }
0x97: {  	_ =	strace s2  }
0x98: {  	_ =	strace $0x8FFFFFFF  }
0x99: {  	s20 =	sld [smem:$0x3FDB];
	_ =	sdelay $0x1  }
0x9a: {  	s5 =	simm.s32 $_scs_section_size  }
0x9b: {  	s6 =	simm.s32 $_size__tile_overlayer_lowered;
	s7 =	simm.s32 $_tile_overlayer_lowered  }
0x9c: {  	s8 =	simm.s32 $0x1BFF;
	s21 =	sshll.u32 s7, $0x1;
	s5 =	sadd.s32 s5, s20  }
0x9d: {  	s22 =	simm.s32 $0x0;
	s6 =	sshll.u32 s6, $0x1;
	s7 =	sadd.s32 s21, s5  }
0x9e: {  	[timem:s22], [sflag:s8] =	dma.local [hbm:s7], s6  }
0x9f: {  	_ =	swait.ge [sflag:s8], s6  }
0xa0: {  	s6 =	ssub.s32 $0x0, s6;
	[sflag:s8] =	ssyncset.done $0x0  }
0xa1: {  	[sflag:s8] =	ssyncadd.s32 s6;
	_ =	sdelay $0x1  }
0xa2: {  	s23 =	simm.s32 $0x1B8B  }
0xa3: {  	_ =	swait.ge [sflag:s23], $0x1  }
0xa4: {  	[sflag:s23] =	ssyncset.done $0x0  }
0xa5: {  	[sflag:s23] =	ssyncadd.s32 $0xFFFFFFFF  }
0xa6: {  	s6 =	sld [smem:$0x0]  }
0xa7: {  	s7 =	sand.u32 $0xFFFFFFFE, s1  }
0xa8: {  	p0 =	sne.s32 s1, s7  }
0xa9: {  	s7 =	sshll.u32 @p0 s7, $0xE  }
0xaa: {  	s7 =	sadd.s32 @p0 $0x11B8D, s7;
	s8 =	sshll.u32 @p0 s6, $0x11  }
0xab: {  	s7 =	sor.u32 @p0 s8, s7  }
0xac: {  	[sflag:s7] =	ssyncadd.remote.s32 @p0 $0x1;
	_ =	sdelay $0x1  }
0xad: {  	s7 =	simm.s32 @p0 $0x1B8D  }
0xae: {  	_ =	swait.eq @p0 [sflag:s7], $0x1  }
0xaf: {  	[sflag:s7] =	ssyncadd.s32 @p0 $0xFFFFFFFF  }
0xb0: {  	s8 =	sshll.u32 @!p0 s1, $0xE  }
0xb1: {  	s8 =	sor.u32 @!p0 $0x4000, s8;
	s7 =	simm.s32 @!p0 $0x1B8D  }
0xb2: {  	s6 =	sshll.u32 @!p0 s6, $0x11;
	s8 =	sadd.s32 @!p0 $0x11B8D, s8;
	_ =	swait.eq @!p0 [sflag:s7], $0x1  }
0xb3: {  	s6 =	sor.u32 @!p0 s6, s8;
	[sflag:s7] =	ssyncadd.s32 @!p0 $0xFFFFFFFF  }
0xb4: {  	s25 =	simm.s32 $0x1B8E;
	s24 =	sld [smem:$0x3FFE];
	[sflag:s6] =	ssyncadd.remote.s32 @!p0 $0x1  }
0xb5: {  	s26 =	simm.s32 $execute0_lowered;
	[smem:$0x3FD2] =	sst s25  }
0xb6: {  	s7 =	sshll.u32 s26, $0x1;
	_ =	strace $0x8000004F;
	[dreg:$0x1] =	wrdreg $0xFFFFFFFF  }
0xb7: {  	s28 =	simm.s32 $_size_execute0_lowered;
	s5 =	sadd.s32 s5, s7;
	[dreg:$0x0] =	wrdreg $0x0  }
0xb8: {  	s7 =	sshll.u32 s28, $0x1;
	[dreg:$0x2] =	wrdreg s5  }
0xb9: {  	[dreg:$0x3] =	wrdreg s7  }
0xba: {  	[dreg:$0x4] =	wrdreg $0xC0  }
0xbb: {  	_ =	task [dreg:s22], $0x5FFFF  }
0xbc: {  	[dreg:$0x1] =	wrdreg $0xFFFFFFFF  }
0xbd: {  	[dreg:$0x0] =	wrdreg $0x60  }
0xbe: {  	[dreg:$0x2] =	wrdreg s4  }
0xbf: {  	[dreg:$0x3] =	wrdreg s18  }
0xc0: {  	[dreg:$0x4] =	wrdreg s24  }
0xc1: {  	[dreg:$0x5] =	wrdreg $0xC  }
0xc2: {  	_ =	task.clear_ibuf [dreg:s22], $0x6FFFF;
	_ =	strace $0x9000004F  }
0xc3: {  	s29 =	simm.s32 $0xC;
	_ =	strace $0x80000051  }
0xc4: {  	_ =	swait.ge [sflag:s29], $0x1  }
0xc5: {  	[sflag:s29] =	ssyncadd.s32 $0xFFFFFFFF  }
0xc6: {  	_ =	strace $0x90000051  }
0xc7: {  	_ =	sfence  }
0xc8: {  	s30 =	sld [smem:$0x0];
	_ =	sdelay $0x2  }
0xc9: {  	s31 =	sshll.u32 s1, $0xD;
	s1 =	sshrl.u32 s1, $0x2  }
0xca: {  	s4 =	sand.u32 $0x4000, s31;
	s1 =	sadd.s32 s1, s30  }
0xcb: {  	s0 =	sor.u32 s4, s0;
	s1 =	sshll.u32 s1, $0x11  }
0xcc: {  	s0 =	sor.u32 s1, s0  }
0xcd: {  	s0 =	sadd.s32 $0x8F2B, s0  }
0xce: {  	[sflag:s0] =	ssyncadd.remote.s32 $0x1  }
0xcf: {  	_ =	sfence.sel $0xFFFF  }
0xd0: {  	[dreg:$0x0] =	wrdreg $0xFFFFFFFF;
	(pc) =	sbr.abs _section_cstart, $3  }
0xd1: {  	[dreg:$0x1] =	wrdreg $0xFFFFFFFF  }
0xd2: {  	_ =	task.clear_ibuf [dreg:s22], $0x2FFFF;
	_ =	strace $0x9FFFFFFF  }
0xd3: {  	(tm) =	ssettm $0x7FFFFFFF  }
tec
execute0_lowered:
.L_overlay_start_1:
0x0: {  	(tag) =	ssettag $0x1  }
0x1: {  	s5 =	rddreg [dreg:$0x0]  }
0x2: {  	s0 =	stileid.u32;
	s2 =	rddreg [dreg:$0x1]  }
0x3: {  	s1 =	srdreg.scid;
	s6 =	rddreg [dreg:$0x2];
	s12 =	simm.s32 $0xF00  }
0x4: {  	s13 =	simm.s32 $0x4F00;
	s14 =	simm.s32 $0x1;
	s15 =	simm.s32 $0x3  }
0x5: {  	s16 =	simm.s32 $0x2;
	s17 =	simm.s32 $0x4;
	s3 =	smul.u32 $0xA, s0  }
0x6: {  	s18 =	simm.s32 $0x0;
	s10 =	sand.u32 $0x1, s1;
	s4 =	smul.u32 $0x1E, s0  }
0x7: {  	s1 =	rddreg [dreg:$0x3];
	p0 =	seq.s32 s10, $0x0;
	s31 =	ssub.s32 $0x2, s10  }
0x8: {  	s7 =	sadd.s32 $0x1E0, s3;
	s3 =	simm.s32 $0x0;
	s8 =	sshrl.u32 s31, $0x1  }
0x9: {  	s7 =	smov.u32 @p0 s4;
	[smem:$0x7FF] =	sst s3;
	s8 =	ssub.s32 s31, s8  }
0xa: {  	s4 =	sshll.u32 s7, $0xB;
	_ =	strace $0x80000050;
	s7 =	sshll.u32 s7, $0x4  }
0xb: {  	s9 =	sadd.s32 s4, s6;
	s4 =	simm.s32 $0x1E;
	s5 =	sadd.s32 s5, s7  }
0xc: {  	s7 =	smax.u32 s8, $0x1;
	s4 =	simm.s32 @!p0 $0xA;
	s6 =	sadd.s32 $0xA0, s5  }
0xd: {  	s9 =	sadd.s32 $0x46C200, s9;
	p0 =	sne.s32 s10, $0x0;
	s11 =	sshrl.u32 s4, $0x1  }
0xe: {  	s10 =	simm.s32 $0x5;
	s8 =	sadd.s32 $0xFFFFFFFF, s11;
	s11 =	simm.s32 $0x80  }
.LBB2_1:
0xf: {  	[tilespmem:s3], [sflag:$0x5] =	stream.linear.gather [hbm4b:s5+s3], $0x500, $0x38;
	[tilespmem:$0x8F00] =	vst v63  }
0x10: {  	_ =	swait.ge [sflag:s10], $0x500  }
0x11: {  	[sflag:s10] =	ssyncset.done $0x0  }
0x12: {  	s19 =	simm.s32 @!p0 $0x0;
	s20 =	simm.s32 @!p0 $0x500;
	[sflag:s10] =	ssyncadd.s32 $0xFFFFFB00  }
0x13: {  	[tilespmem:s20], [sflag:$0x5] =	stream.linear.gather @!p0 [hbm4b:s6+s19], $0xA00, $0x38;
	[tilespmem:$0x8F00] =	vst v63  }
0x14: {  	s19 =	simm.s32 @!p0 $0x5  }
0x15: {  	_ =	swait.ge @!p0 [sflag:s19], $0xA00  }
0x16: {  	[sflag:s19] =	ssyncset.done @!p0 $0x0  }
0x17: {  	[sflag:s19] =	ssyncadd.s32 @!p0 $0xFFFFF600  }
0x18: {  	[tilespmem:s12], [sflag:$0x1] =	stream.indirect.gather [hbm4b:s2+s11], $0x80, s3, s11, $0xb8;
	[tilespmem:$0x8F00] =	vst v63  }
0x19: {  	_ = 	snop  }
0x1a: {  	[tilespmem:s13], [sflag:$0x2] =	stream.indirect.gather [hbm4b:s2+s11], $0x80, s11, s11, $0xb8;
	[tilespmem:$0x8F00] =	vst v63  }
0x1b: {  	_ =	swait.ge [sflag:s14], $0x4000  }
0x1c: {  	[sflag:s14] =	ssyncset.done $0x0  }
0x1d: {  	s31 =	sadd.s32 $0xFFFFF800, s9;
	[sflag:s14] =	ssyncadd.s32 $0xFFFFC000  }
0x1e: {  	[hbm4b:s31+s3] =	stream.linear.scatter [tilespmem:s12], [sflag:$0x3], $0x4000, $0x38;
	[tilespmem:$0x8F00] =	vst v63  }
0x1f: {  	p1 =	sle.u32 s4, $0x2;
	_ =	swait.ge [sflag:s15], $0x4000  }
0x20: {  	s22 =	sadd.s32 $0xFFFFFFFF, s8;
	s21 =	simm.s32 @!p1 $0xF00;
	[sflag:s15] =	ssyncset.done $0x0  }
0x21: {  	s20 =	simm.s32 @!p1 $0x80;
	s19 =	simm.s32 @!p1 $0x100;
	[sflag:s15] =	ssyncadd.s32 $0xFFFFC000  }
0x22: {  	[tilespmem:s21], [sflag:$0x1] =	stream.indirect.gather @!p1 [hbm4b:s2+s20], $0x80, s19, s20, $0xb8;
	[tilespmem:$0x8F00] =	vst v63  }
0x23: {  	s23 =	simm.s32 $0x180;
	p1 =	sne.s32 s22, $0x0;
	_ =	swait.ge [sflag:s16], $0x4000  }
.Ltmp0:
0x24: {  	p2 =	sle.u32 s4, $0x3;
	[sflag:s16] =	ssyncset.done $0x0;
	(pc) =	sbr.rel @!p1 .LBB2_3-.Ltmp0, $4  }
0x25: {  	s24 =	smov.u32 s9;
	s25 =	simm.s32 @!p2 $0x80;
	[sflag:s16] =	ssyncadd.s32 $0xFFFFC000  }
0x26: {  	[hbm4b:s9+s3] =	stream.linear.scatter [tilespmem:s13], [sflag:$0x4], $0x4000, $0x38;
	[tilespmem:$0x8F00] =	vst v63  }
0x27: {  	s26 =	simm.s32 @!p2 $0x4F00;
	s20 =	simm.s32 $0x5;
	_ =	swait.ge [sflag:s17], $0x4000  }
0x28: {  	s19 =	simm.s32 $0x280;
	s21 =	simm.s32 $0x180;
	[sflag:s17] =	ssyncset.done $0x0  }
.LBB2_2:
0x29: {  	s21 =	smov.u32 s19  }
0x2a: {  	s22 =	sadd.s32 $0xFFFFFFFF, s22;
	s24 =	sadd.s32 $0x1000, s24;
	[sflag:s17] =	ssyncadd.s32 $0xFFFFC000  }
0x2b: {  	[tilespmem:s26], [sflag:$0x2] =	stream.indirect.gather @!p2 [hbm4b:s2+s25], $0x80, s23, s25, $0xb8;
	[tilespmem:$0x8F00] =	vst v63  }
0x2c: {  	p1 =	sne.s32 s22, $0x0;
	s25 =	smov.u32 s20;
	_ =	swait.ge [sflag:s14], $0x4000  }
0x2d: {  	s26 =	sadd.s32 $0xFFFFF800, s24;
	s23 =	smov.u32 s19;
	[sflag:s14] =	ssyncset.done $0x0  }
0x2e: {  	s28 =	sadd.s32 $0xFFFFFFFF, s20;
	[sflag:s14] =	ssyncadd.s32 $0xFFFFC000  }
0x2f: {  	[hbm4b:s26+s3] =	stream.linear.scatter [tilespmem:s12], [sflag:$0x3], $0x4000, $0x38;
	[tilespmem:$0x8F00] =	vst v63  }
0x30: {  	p2 =	sge.u32 s28, s4;
	_ =	swait.ge [sflag:s15], $0x4000  }
0x31: {  	s28 =	simm.s32 @!p2 $0x80;
	s26 =	sadd.s32 @!p2 $0xFFFFFF80, s19;
	[sflag:s15] =	ssyncset.done $0x0  }
0x32: {  	s29 =	simm.s32 @!p2 $0xF00;
	[sflag:s15] =	ssyncadd.s32 $0xFFFFC000  }
0x33: {  	[tilespmem:s29], [sflag:$0x1] =	stream.indirect.gather @!p2 [hbm4b:s2+s28], $0x80, s26, s28, $0xb8;
	[tilespmem:$0x8F00] =	vst v63  }
0x34: {  	_ =	swait.ge [sflag:s16], $0x4000  }
.Ltmp1:
0x35: {  	[sflag:s16] =	ssyncset.done $0x0;
	(pc) =	sbr.rel @p1 .LBB2_2-.Ltmp1, $4  }
0x36: {  	s20 =	sadd.s32 $0x2, s20;
	[sflag:s16] =	ssyncadd.s32 $0xFFFFC000  }
0x37: {  	[hbm4b:s24+s3] =	stream.linear.scatter [tilespmem:s13], [sflag:$0x4], $0x4000, $0x38;
	[tilespmem:$0x8F00] =	vst v63  }
0x38: {  	s19 =	sadd.s32 $0x100, s19;
	p2 =	sge.u32 s25, s4;
	_ =	swait.ge [sflag:s17], $0x4000  }
0x39: {  	s25 =	simm.s32 @!p2 $0x80;
	s26 =	simm.s32 @!p2 $0x4F00;
	[sflag:s17] =	ssyncset.done $0x0  }
.LBB2_3:
0x3a: {  	[sflag:s17] =	ssyncadd.s32 $0xFFFFC000  }
0x3b: {  	[tilespmem:s26], [sflag:$0x2] =	stream.indirect.gather @!p2 [hbm4b:s2+s25], $0x80, s23, s25, $0xb8;
	[tilespmem:$0x8F00] =	vst v63  }
0x3c: {  	_ =	swait.ge [sflag:s14], $0x4000  }
0x3d: {  	s22 =	sadd.s32 $0x1000, s24;
	[sflag:s14] =	ssyncset.done $0x0  }
0x3e: {  	s31 =	sadd.s32 $0xFFFFFFFF, s20;
	s30 =	sadd.s32 $0xFFFFF800, s22;
	[sflag:s14] =	ssyncadd.s32 $0xFFFFC000  }
0x3f: {  	[hbm4b:s30+s3] =	stream.linear.scatter [tilespmem:s12], [sflag:$0x3], $0x4000, $0x38;
	[tilespmem:$0x8F00] =	vst v63  }
0x40: {  	p1 =	sge.u32 s31, s4;
	_ =	swait.ge [sflag:s15], $0x4000  }
0x41: {  	s21 =	sadd.s32 @!p1 $0x80, s21;
	[sflag:s15] =	ssyncset.done $0x0  }
0x42: {  	s23 =	simm.s32 @!p1 $0x80;
	s24 =	simm.s32 @!p1 $0xF00;
	[sflag:s15] =	ssyncadd.s32 $0xFFFFC000  }
0x43: {  	[tilespmem:s24], [sflag:$0x1] =	stream.indirect.gather @!p1 [hbm4b:s2+s23], $0x80, s21, s23, $0xb8;
	[tilespmem:$0x8F00] =	vst v63  }
0x44: {  	_ =	swait.ge [sflag:s16], $0x4000  }
0x45: {  	[sflag:s16] =	ssyncset.done $0x0  }
0x46: {  	[sflag:s16] =	ssyncadd.s32 $0xFFFFC000  }
0x47: {  	[hbm4b:s22+s3] =	stream.linear.scatter [tilespmem:s13], [sflag:$0x4], $0x4000, $0x38;
	[tilespmem:$0x8F00] =	vst v63  }
0x48: {  	_ =	swait.ge [sflag:s17], $0x4000  }
0x49: {  	s18 =	sadd.s32 $0x1, s18;
	p1 =	sge.u32 s20, s4;
	[sflag:s17] =	ssyncset.done $0x0  }
0x4a: {  	s20 =	simm.s32 @!p1 $0x80;
	s21 =	simm.s32 @!p1 $0x4F00;
	[sflag:s17] =	ssyncadd.s32 $0xFFFFC000  }
0x4b: {  	[tilespmem:s21], [sflag:$0x2] =	stream.indirect.gather @!p1 [hbm4b:s2+s20], $0x80, s19, s20, $0xb8;
	[tilespmem:$0x8F00] =	vst v63  }
0x4c: {  	p1 =	sne.s32 s18, s7  }
.Ltmp2:
0x4d: {  	_ = 	snop;
	(pc) =	sbr.rel @p1 .LBB2_1-.Ltmp2, $1  }
0x4e: {  	_ =	sdelay $0x3  }
0x4f: {  	_ =	sfence.sel $0x180000  }
0x50: {  	[bflag:$0x0] =	sbarrier.arrive $0xFFFF  }
0x51: {  	p0 =	sne.s32 s0, $0x0;
	_ =	strace $0x90000050  }
0x52: {  	s0 =	sadd.s32 @!p0 $0x100000, s1;
	[bflag:$0x2] =	sbarrier.arrive $0xFFFF  }
0x53: {  	[sflag:s0] =	ssyncadd.tile.s32 @!p0 $0x1;
	_ =	shalt  }
.Lfunc_end2:
_tile_overlayer_lowered:
.L_overlay_start_2:
0x54: {  	(tag) =	ssettag $0x2  }
0x55: {  	s0 =	rddreg [dreg:$0x0];
	s2 =	stileid.u32  }
0x56: {  	s1 =	rddreg [dreg:$0x1];
	p0 =	sne.s32 s2, $0x0  }
0x57: {  	s3 =	rddreg [dreg:$0x2];
	[bflag:$0x3] =	sbarrier.arrive $0xFFFF;
	s2 =	simm.s32 @!p0 $0x1C05  }
0x58: {  	[timem:s3], [sflag:s2] =	dma.local @!p0 [hbm:s0], s1  }
0x59: {  	s0 =	simm.s32 @!p0 $0x5  }
0x5a: {  	_ =	swait.ge @!p0 [sflag:s0], s1  }
0x5b: {  	s1 =	ssub.s32 @!p0 $0x0, s1;
	[sflag:s0] =	ssyncset.done @!p0 $0x0  }
0x5c: {  	[sflag:s0] =	ssyncadd.s32 @!p0 s1  }
0x5d: {  	[bflag:$0x3] =	sbarrier.arrive $0xFFFF  }
0x5e: {  	_ =	shalt  }

</sc_bundles>
